<compile_context>
chip_gen: v7x
topology: tpu7x:2x2x1
jax: 0.10.2.dev20260603
libtpu: 0.0.44.dev20260713+nightly
codegen_flags: <defaults>
</compile_context>

<pallas_src>
import functools

import jax
import jax.numpy as jnp
from jax import lax
from jax.experimental import pallas as pl
from jax.experimental.pallas import tpu as pltpu
from jax.experimental.pallas import tpu_sc as plsc

_V = 16
_D = 4
_NC = 2
_NS = 16
_NW = _NC * _NS


def _table_body(e_ref, h_ref, out_ref):
    t2 = jnp.dot(h_ref[...], e_ref[...].T, preferred_element_type=jnp.float32)
    ki = lax.broadcasted_iota(jnp.int32, (_V, 128), 0)
    ci = lax.broadcasted_iota(jnp.int32, (_V, 128), 1)
    a = (ki == ci % _V).astype(jnp.float32)
    b0 = jnp.dot(t2, a, preferred_element_type=jnp.float32)
    vmask = (ki % 8) == (ci // _V)
    bsel = jnp.where(vmask, b0, 0.0)
    ri = lax.broadcasted_iota(jnp.int32, (2, _V), 0)
    vi = lax.broadcasted_iota(jnp.int32, (2, _V), 1)
    p = (vi // 8 == ri).astype(jnp.float32)
    out_ref[...] = jnp.dot(p, bsel, preferred_element_type=jnp.float32)


def _sc_gather(t_flat, ids4, n_l, n_bt):
    n_lw = 8
    bt_per_w = n_bt // (_NW // n_lw)
    l_per_w = n_l // n_lw
    mesh = plsc.VectorSubcoreMesh(core_axis_name="c", subcore_axis_name="s")

    @functools.partial(
        pl.kernel,
        out_type=jax.ShapeDtypeStruct((n_l, 2, n_bt, 8, 128), jnp.float32),
        mesh=mesh,
        scratch_types=[
            pltpu.VMEM((2, 128), jnp.float32),
            pltpu.VMEM((bt_per_w, 1, 128), jnp.int32),
            pltpu.VMEM((bt_per_w, 1, 128), jnp.int32),
            pltpu.VMEM((bt_per_w, 8, 128), jnp.float32),
            pltpu.VMEM((bt_per_w, 8, 128), jnp.float32),
            pltpu.SemaphoreType.DMA,
            pltpu.SemaphoreType.DMA,
            pltpu.SemaphoreType.DMA,
            pltpu.SemaphoreType.DMA,
        ],
    )
    def k(tf_hbm, ids_hbm, out_hbm, tcm, idsv0, idsv1, slab_a, slab_b,
          semi0, semi1, semo0, semo1):
        w = lax.axis_index("s") * _NC + lax.axis_index("c")
        bt0 = (w % (_NW // n_lw)) * bt_per_w
        lbase = (w // (_NW // n_lw)) * l_per_w
        pltpu.sync_copy(tf_hbm, tcm)
        tvs = [tcm[v // 8, pl.ds((v % 8) * _V, _V)] for v in range(_V)]

        def fire_ids(l, idsv, semi):
            return pltpu.async_copy(
                ids_hbm.at[l // 8, pl.ds(bt0, bt_per_w), pl.ds(l % 8, 1), :],
                idsv, semi)

        def fire_out(l, vt, slab, semo):
            return pltpu.async_copy(
                slab, out_hbm.at[l, vt, pl.ds(bt0, bt_per_w), :, :], semo)

        def wait_ids(idsv, semi):
            pltpu.make_async_copy(
                ids_hbm.at[0, pl.ds(bt0, bt_per_w), pl.ds(0, 1), :],
                idsv, semi).wait()

        def wait_out(slab, semo):
            pltpu.make_async_copy(
                slab, out_hbm.at[0, 0, pl.ds(bt0, bt_per_w), :, :],
                semo).wait()

        def compute(idsv, slab, vt):
            @plsc.parallel_loop(0, bt_per_w * 8, unroll=8)
            def _(g):
                gt = g // 8
                go = (g % 8) * 16
                idv = idsv[gt, 0, pl.ds(go, 16)]
                for vr in range(8):
                    val = lax.gather(
                        tvs[vt * 8 + vr], idv[:, None],
                        lax.GatherDimensionNumbers(
                            offset_dims=(), collapsed_slice_dims=(0,),
                            start_index_map=(0,)),
                        (1,),
                        mode=lax.GatherScatterMode.PROMISE_IN_BOUNDS)
                    slab[gt, vr, pl.ds(go, 16)] = val

        def do_l(l, idsv, first):
            if not first:
                wait_out(slab_a, semo0)
            compute(idsv, slab_a, 0)
            fire_out(l, 0, slab_a, semo0)
            if not first:
                wait_out(slab_b, semo1)
            compute(idsv, slab_b, 1)
            fire_out(l, 1, slab_b, semo1)

        fire_ids(lbase, idsv0, semi0)
        wait_ids(idsv0, semi0)
        fire_ids(lbase + 1, idsv1, semi1)
        do_l(lbase, idsv0, True)
        fire_ids(lbase + 2, idsv0, semi0)

        def body(i, carry):
            l0 = lbase + 2 * i + 1
            wait_ids(idsv1, semi1)
            do_l(l0, idsv1, False)
            nxt1 = lbase + lax.rem(2 * i + 3, l_per_w)
            fire_ids(nxt1, idsv1, semi1)
            wait_ids(idsv0, semi0)
            do_l(l0 + 1, idsv0, False)
            nxt0 = lbase + lax.rem(2 * i + 4, l_per_w)
            fire_ids(nxt0, idsv0, semi0)
            return carry

        lax.fori_loop(0, (l_per_w - 1) // 2, body, 0)
        wait_ids(idsv0, semi0)
        wait_ids(idsv1, semi1)
        wait_out(slab_a, semo0)
        wait_out(slab_b, semo1)

    return k(t_flat, ids4)


def kernel(ids, embed_table, head_weight):
    b, l = ids.shape
    n_bt = b // 128
    t_flat = pl.pallas_call(
        _table_body,
        out_shape=jax.ShapeDtypeStruct((2, 128), jnp.float32),
    )(embed_table, head_weight)
    ids4 = ids.T.reshape(l // 8, 8, n_bt, 128).transpose(0, 2, 1, 3)
    out5 = _sc_gather(t_flat, ids4, l, n_bt)
    out_t = out5.transpose(0, 1, 3, 2, 4).reshape(l, _V, b)
    return out_t.transpose(2, 0, 1)

# --- scband reference (transcript-rebuilt; emitter-appended) ---
"""Pipeline reference for scband-tiny-lm-19447611916593 (READ-ONLY COPY).

The authoritative reference and input builder live on the scoring server;
editing this copy changes nothing except your own understanding.
"""

import jax, jax.numpy as jnp
import numpy as np

VOCAB_SIZE = 16
D = 4


def setup_inputs(seed: int = 0) -> dict:
    key = jax.random.key(seed)
    k1, k2, k3 = jax.random.split(key, 3)
    ids = jax.random.randint(k1, (16384, 200), 0, VOCAB_SIZE, dtype=jnp.int32)
    # nn.Embedding weight: [VOCAB_SIZE, D]
    embed_table = jax.random.normal(k2, (VOCAB_SIZE, D), dtype=jnp.float32)
    # nn.Linear(D, VOCAB_SIZE, bias=False) weight: [VOCAB_SIZE, D]
    head_weight = jax.random.normal(k3, (VOCAB_SIZE, D), dtype=jnp.float32) * (1.0 / np.sqrt(D))
    return {"ids": ids, "embed_table": embed_table, "head_weight": head_weight}


def reference(ids, embed_table, head_weight):
    # embed: gather rows of the embedding table
    emb = jnp.take(embed_table, ids, axis=0)  # [B, L, D]
    # head: Linear without bias -> x @ W.T
    logits = emb @ head_weight.T  # [B, L, VOCAB_SIZE]
    return logits

if __name__ == "__main__":
    import jax
    _d = setup_inputs()
    print(jax.jit(kernel)(*tuple(_d.values())))

</pallas_src>

<mosaic_0001>
#map = affine_map<(d0, d1) -> (0, 0)>
#map1 = affine_map<(d0, d1) -> (0, 0, 0, 0)>
#map2 = affine_map<(d0, d1) -> (0, 0, 0, 0, 0)>
module attributes {stable_mosaic.version = 14 : i64} {
  func.func @k(%arg0: i32, %arg1: i32, %arg2: memref<2x128xf32, #tpu.memory_space<hbm>>, %arg3: memref<25x128x8x128xi32, #tpu.memory_space<hbm>>, %arg4: memref<200x2x128x8x128xf32, #tpu.memory_space<hbm>>, %arg5: memref<2x128xf32, #tpu.memory_space<vmem>>, %arg6: memref<32x1x128xi32, #tpu.memory_space<vmem>>, %arg7: memref<32x1x128xi32, #tpu.memory_space<vmem>>, %arg8: memref<32x8x128xf32, #tpu.memory_space<vmem>>, %arg9: memref<32x8x128xf32, #tpu.memory_space<vmem>>, %arg10: memref<!tpu.dma_semaphore, #tpu.memory_space<semaphore_mem>>, %arg11: memref<!tpu.dma_semaphore, #tpu.memory_space<semaphore_mem>>, %arg12: memref<!tpu.dma_semaphore, #tpu.memory_space<semaphore_mem>>, %arg13: memref<!tpu.dma_semaphore, #tpu.memory_space<semaphore_mem>>) attributes {dimension_semantics = [#tpu.dimension_semantics<core_parallel>, #tpu.dimension_semantics<subcore_parallel>], iteration_bounds = array<i64: 2, 16>, scalar_prefetch = 0 : i64, scratch_operands = 9 : i64, tpu.core_type = #tpu.core_type<sc_vector_subcore>, window_params = [{transform_indices = #map}, {transform_indices = #map1}, {transform_indices = #map2}]} {
    %mul3A = arith.constant 2 : i32
    %mul3A_0 = arith.muli %arg1, %mul3A : i32
    %add3A = arith.addi %mul3A_0, %arg0 : i32
    %jit3A = arith.constant 4 : i32
    %eq3A = arith.constant 0 : i32
    %eq3A_1 = arith.cmpi eq, %jit3A, %eq3A : i32
    %jit3A_2 = arith.constant 1 : i32
    %select_n3A = arith.select %eq3A_1, %jit3A_2, %jit3A : i32
    %rem3A = arith.remsi %add3A, %select_n3A : i32
    %ne3A = arith.constant 0 : i32
    %ne3A_3 = arith.cmpi ne, %rem3A, %ne3A : i32
    %lt3A = arith.constant 0 : i32
    %lt3A_4 = arith.cmpi slt, %rem3A, %lt3A : i32
    %lt3A_5 = arith.constant 0 : i32
    %lt3A_6 = arith.cmpi slt, %select_n3A, %lt3A_5 : i32
    %ne3A_7 = arith.xori %lt3A_4, %lt3A_6 : i1
    %and3A = arith.andi %ne3A_7, %ne3A_3 : i1
    %add3A_8 = arith.addi %rem3A, %select_n3A : i32
    %select_n3A_9 = arith.select %and3A, %add3A_8, %rem3A : i32
    %mul3A_10 = arith.constant 32 : i32
    %mul3A_11 = arith.muli %select_n3A_9, %mul3A_10 : i32
    %jit3A_12 = arith.constant 4 : i32
    %div3A = arith.divsi %add3A, %jit3A_12 : i32
    %sign3A = arith.constant 0 : i32
    %sign3A_13 = arith.cmpi sgt, %add3A, %sign3A : i32
    %sign3A_14 = arith.extui %sign3A_13 : i1 to i32
    %sign3A_15 = arith.constant 0 : i32
    %sign3A_16 = arith.cmpi slt, %add3A, %sign3A_15 : i32
    %sign3A_17 = arith.extui %sign3A_16 : i1 to i32
    %sign3A_18 = arith.subi %sign3A_14, %sign3A_17 : i32
    %sign3A_19 = arith.constant 0 : i32
    %sign3A_20 = arith.cmpi sgt, %jit3A_12, %sign3A_19 : i32
    %sign3A_21 = arith.extui %sign3A_20 : i1 to i32
    %sign3A_22 = arith.constant 0 : i32
    %sign3A_23 = arith.cmpi slt, %jit3A_12, %sign3A_22 : i32
    %sign3A_24 = arith.extui %sign3A_23 : i1 to i32
    %sign3A_25 = arith.subi %sign3A_21, %sign3A_24 : i32
    %ne3A_26 = arith.cmpi ne, %sign3A_18, %sign3A_25 : i32
    %rem3A_27 = arith.remsi %add3A, %jit3A_12 : i32
    %ne3A_28 = arith.constant 0 : i32
    %ne3A_29 = arith.cmpi ne, %rem3A_27, %ne3A_28 : i32
    %and3A_30 = arith.andi %ne3A_26, %ne3A_29 : i1
    %sub3A = arith.constant 1 : i32
    %sub3A_31 = arith.subi %div3A, %sub3A : i32
    %select_n3A_32 = arith.select %and3A_30, %sub3A_31, %div3A : i32
    %mul3A_33 = arith.constant 25 : i32
    %mul3A_34 = arith.muli %select_n3A_32, %mul3A_33 : i32
    "tpu.region"() ({
      %run_scoped3A = tpu.sem_alloc : memref<!tpu.dma_semaphore, #tpu.memory_space<semaphore_mem>>
      tpu.enqueue_dma source(%arg2 : memref<2x128xf32, #tpu.memory_space<hbm>>) target(%arg5 : memref<2x128xf32, #tpu.memory_space<vmem>>) target_semaphore(%run_scoped3A : memref<!tpu.dma_semaphore, #tpu.memory_space<semaphore_mem>>)
      tpu.wait_dma2 semaphore(%run_scoped3A : memref<!tpu.dma_semaphore, #tpu.memory_space<semaphore_mem>>) src(%arg2 : memref<2x128xf32, #tpu.memory_space<hbm>>) dst(%arg5 : memref<2x128xf32, #tpu.memory_space<vmem>>)
      tpu.yield
    }) : () -> ()
    %get3A = arith.constant 0 : i32
    %get3A_35 = arith.index_cast %get3A : i32 to index
    %get3A_36 = arith.constant 0 : index
    %get3A_37 = tpu.vector_load %arg5[%get3A_35, %get3A_36] {strides = array<i32>} : memref<2x128xf32, #tpu.memory_space<vmem>>, vector<1x16xf32>,
    %get3A_38 = vector.shape_cast %get3A_37 : vector<1x16xf32> to vector<16xf32>
    %get3A_39 = arith.constant 0 : i32
    %get3A_40 = arith.index_cast %get3A_39 : i32 to index
    %get3A_41 = arith.constant 16 : index
    %get3A_42 = tpu.vector_load %arg5[%get3A_40, %get3A_41] {strides = array<i32>} : memref<2x128xf32, #tpu.memory_space<vmem>>, vector<1x16xf32>,
    %get3A_43 = vector.shape_cast %get3A_42 : vector<1x16xf32> to vector<16xf32>
    %get3A_44 = arith.constant 0 : i32
    %get3A_45 = arith.index_cast %get3A_44 : i32 to index
    %get3A_46 = arith.constant 32 : index
    %get3A_47 = tpu.vector_load %arg5[%get3A_45, %get3A_46] {strides = array<i32>} : memref<2x128xf32, #tpu.memory_space<vmem>>, vector<1x16xf32>,
    %get3A_48 = vector.shape_cast %get3A_47 : vector<1x16xf32> to vector<16xf32>
    %get3A_49 = arith.constant 0 : i32
    %get3A_50 = arith.index_cast %get3A_49 : i32 to index
    %get3A_51 = arith.constant 48 : index
    %get3A_52 = tpu.vector_load %arg5[%get3A_50, %get3A_51] {strides = array<i32>} : memref<2x128xf32, #tpu.memory_space<vmem>>, vector<1x16xf32>,
    %get3A_53 = vector.shape_cast %get3A_52 : vector<1x16xf32> to vector<16xf32>
    %get3A_54 = arith.constant 0 : i32
    %get3A_55 = arith.index_cast %get3A_54 : i32 to index
    %get3A_56 = arith.constant 64 : index
    %get3A_57 = tpu.vector_load %arg5[%get3A_55, %get3A_56] {strides = array<i32>} : memref<2x128xf32, #tpu.memory_space<vmem>>, vector<1x16xf32>,
    %get3A_58 = vector.shape_cast %get3A_57 : vector<1x16xf32> to vector<16xf32>
    %get3A_59 = arith.constant 0 : i32
    %get3A_60 = arith.index_cast %get3A_59 : i32 to index
    %get3A_61 = arith.constant 80 : index
    %get3A_62 = tpu.vector_load %arg5[%get3A_60, %get3A_61] {strides = array<i32>} : memref<2x128xf32, #tpu.memory_space<vmem>>, vector<1x16xf32>,
    %get3A_63 = vector.shape_cast %get3A_62 : vector<1x16xf32> to vector<16xf32>
    %get3A_64 = arith.constant 0 : i32
    %get3A_65 = arith.index_cast %get3A_64 : i32 to index
    %get3A_66 = arith.constant 96 : index
    %get3A_67 = tpu.vector_load %arg5[%get3A_65, %get3A_66] {strides = array<i32>} : memref<2x128xf32, #tpu.memory_space<vmem>>, vector<1x16xf32>,
    %get3A_68 = vector.shape_cast %get3A_67 : vector<1x16xf32> to vector<16xf32>
    %get3A_69 = arith.constant 0 : i32
    %get3A_70 = arith.index_cast %get3A_69 : i32 to index
    %get3A_71 = arith.constant 112 : index
    %get3A_72 = tpu.vector_load %arg5[%get3A_70, %get3A_71] {strides = array<i32>} : memref<2x128xf32, #tpu.memory_space<vmem>>, vector<1x16xf32>,
    %get3A_73 = vector.shape_cast %get3A_72 : vector<1x16xf32> to vector<16xf32>
    %get3A_74 = arith.constant 1 : i32
    %get3A_75 = arith.index_cast %get3A_74 : i32 to index
    %get3A_76 = arith.constant 0 : index
    %get3A_77 = tpu.vector_load %arg5[%get3A_75, %get3A_76] {strides = array<i32>} : memref<2x128xf32, #tpu.memory_space<vmem>>, vector<1x16xf32>,
    %get3A_78 = vector.shape_cast %get3A_77 : vector<1x16xf32> to vector<16xf32>
    %get3A_79 = arith.constant 1 : i32
    %get3A_80 = arith.index_cast %get3A_79 : i32 to index
    %get3A_81 = arith.constant 16 : index
    %get3A_82 = tpu.vector_load %arg5[%get3A_80, %get3A_81] {strides = array<i32>} : memref<2x128xf32, #tpu.memory_space<vmem>>, vector<1x16xf32>,
    %get3A_83 = vector.shape_cast %get3A_82 : vector<1x16xf32> to vector<16xf32>
    %get3A_84 = arith.constant 1 : i32
    %get3A_85 = arith.index_cast %get3A_84 : i32 to index
    %get3A_86 = arith.constant 32 : index
    %get3A_87 = tpu.vector_load %arg5[%get3A_85, %get3A_86] {strides = array<i32>} : memref<2x128xf32, #tpu.memory_space<vmem>>, vector<1x16xf32>,
    %get3A_88 = vector.shape_cast %get3A_87 : vector<1x16xf32> to vector<16xf32>
    %get3A_89 = arith.constant 1 : i32
    %get3A_90 = arith.index_cast %get3A_89 : i32 to index
    %get3A_91 = arith.constant 48 : index
    %get3A_92 = tpu.vector_load %arg5[%get3A_90, %get3A_91] {strides = array<i32>} : memref<2x128xf32, #tpu.memory_space<vmem>>, vector<1x16xf32>,
    %get3A_93 = vector.shape_cast %get3A_92 : vector<1x16xf32> to vector<16xf32>
    %get3A_94 = arith.constant 1 : i32
    %get3A_95 = arith.index_cast %get3A_94 : i32 to index
    %get3A_96 = arith.constant 64 : index
    %get3A_97 = tpu.vector_load %arg5[%get3A_95, %get3A_96] {strides = array<i32>} : memref<2x128xf32, #tpu.memory_space<vmem>>, vector<1x16xf32>,
    %get3A_98 = vector.shape_cast %get3A_97 : vector<1x16xf32> to vector<16xf32>
    %get3A_99 = arith.constant 1 : i32
    %get3A_100 = arith.index_cast %get3A_99 : i32 to index
    %get3A_101 = arith.constant 80 : index
    %get3A_102 = tpu.vector_load %arg5[%get3A_100, %get3A_101] {strides = array<i32>} : memref<2x128xf32, #tpu.memory_space<vmem>>, vector<1x16xf32>,
    %get3A_103 = vector.shape_cast %get3A_102 : vector<1x16xf32> to vector<16xf32>
    %get3A_104 = arith.constant 1 : i32
    %get3A_105 = arith.index_cast %get3A_104 : i32 to index
    %get3A_106 = arith.constant 96 : index
    %get3A_107 = tpu.vector_load %arg5[%get3A_105, %get3A_106] {strides = array<i32>} : memref<2x128xf32, #tpu.memory_space<vmem>>, vector<1x16xf32>,
    %get3A_108 = vector.shape_cast %get3A_107 : vector<1x16xf32> to vector<16xf32>
    %get3A_109 = arith.constant 1 : i32
    %get3A_110 = arith.index_cast %get3A_109 : i32 to index
    %get3A_111 = arith.constant 112 : index
    %get3A_112 = tpu.vector_load %arg5[%get3A_110, %get3A_111] {strides = array<i32>} : memref<2x128xf32, #tpu.memory_space<vmem>>, vector<1x16xf32>,
    %get3A_113 = vector.shape_cast %get3A_112 : vector<1x16xf32> to vector<16xf32>
    %jit3A_114 = arith.constant 8 : i32
    %div3A_115 = arith.divsi %mul3A_34, %jit3A_114 : i32
    %sign3A_116 = arith.constant 0 : i32
    %sign3A_117 = arith.cmpi sgt, %mul3A_34, %sign3A_116 : i32
    %sign3A_118 = arith.extui %sign3A_117 : i1 to i32
    %sign3A_119 = arith.constant 0 : i32
    %sign3A_120 = arith.cmpi slt, %mul3A_34, %sign3A_119 : i32
    %sign3A_121 = arith.extui %sign3A_120 : i1 to i32
    %sign3A_122 = arith.subi %sign3A_118, %sign3A_121 : i32
    %sign3A_123 = arith.constant 0 : i32
    %sign3A_124 = arith.cmpi sgt, %jit3A_114, %sign3A_123 : i32
    %sign3A_125 = arith.extui %sign3A_124 : i1 to i32
    %sign3A_126 = arith.constant 0 : i32
    %sign3A_127 = arith.cmpi slt, %jit3A_114, %sign3A_126 : i32
    %sign3A_128 = arith.extui %sign3A_127 : i1 to i32
    %sign3A_129 = arith.subi %sign3A_125, %sign3A_128 : i32
    %ne3A_130 = arith.cmpi ne, %sign3A_122, %sign3A_129 : i32
    %rem3A_131 = arith.remsi %mul3A_34, %jit3A_114 : i32
    %ne3A_132 = arith.constant 0 : i32
    %ne3A_133 = arith.cmpi ne, %rem3A_131, %ne3A_132 : i32
    %and3A_134 = arith.andi %ne3A_130, %ne3A_133 : i1
    %sub3A_135 = arith.constant 1 : i32
    %sub3A_136 = arith.subi %div3A_115, %sub3A_135 : i32
    %select_n3A_137 = arith.select %and3A_134, %sub3A_136, %div3A_115 : i32
    %jit3A_138 = arith.constant 8 : i32
    %eq3A_139 = arith.constant 0 : i32
    %eq3A_140 = arith.cmpi eq, %jit3A_138, %eq3A_139 : i32
    %jit3A_141 = arith.constant 1 : i32
    %select_n3A_142 = arith.select %eq3A_140, %jit3A_141, %jit3A_138 : i32
    %rem3A_143 = arith.remsi %mul3A_34, %select_n3A_142 : i32
    %ne3A_144 = arith.constant 0 : i32
    %ne3A_145 = arith.cmpi ne, %rem3A_143, %ne3A_144 : i32
    %lt3A_146 = arith.constant 0 : i32
    %lt3A_147 = arith.cmpi slt, %rem3A_143, %lt3A_146 : i32
    %lt3A_148 = arith.constant 0 : i32
    %lt3A_149 = arith.cmpi slt, %select_n3A_142, %lt3A_148 : i32
    %ne3A_150 = arith.xori %lt3A_147, %lt3A_149 : i1
    %and3A_151 = arith.andi %ne3A_150, %ne3A_145 : i1
    %add3A_152 = arith.addi %rem3A_143, %select_n3A_142 : i32
    %select_n3A_153 = arith.select %and3A_151, %add3A_152, %rem3A_143 : i32
    %dma_start3A = arith.constant 0 : i32
    %dma_start3A_154 = tpu.memref_slice %arg3[%select_n3A_137, %mul3A_11, %select_n3A_153, %dma_start3A] : memref<25x128x8x128xi32, #tpu.memory_space<hbm>> -> memref<1x32x1x128xi32, #tpu.memory_space<hbm>>
    %dma_start3A_155 = tpu.memref_squeeze %dma_start3A_154 : memref<1x32x1x128xi32, #tpu.memory_space<hbm>> -> memref<32x1x128xi32, #tpu.memory_space<hbm>>
    %dma_start3A_156 = arith.constant 0 : i32
    %dma_start3A_157 = tpu.memref_slice %arg3[%select_n3A_137, %mul3A_11, %select_n3A_153, %dma_start3A_156] : memref<25x128x8x128xi32, #tpu.memory_space<hbm>> -> memref<1x32x1x128xi32, #tpu.memory_space<hbm>>
    %dma_start3A_158 = tpu.memref_squeeze %dma_start3A_157 : memref<1x32x1x128xi32, #tpu.memory_space<hbm>> -> memref<32x1x128xi32, #tpu.memory_space<hbm>>
    tpu.enqueue_dma source(%dma_start3A_158 : memref<32x1x128xi32, #tpu.memory_space<hbm>>) target(%arg6 : memref<32x1x128xi32, #tpu.memory_space<vmem>>) target_semaphore(%arg10 : memref<!tpu.dma_semaphore, #tpu.memory_space<semaphore_mem>>)
    %dma_wait3A = arith.constant 0 : i32
    %dma_wait3A_159 = arith.constant 0 : i32
    %dma_wait3A_160 = arith.constant 0 : i32
    %dma_wait3A_161 = tpu.memref_slice %arg3[%dma_wait3A, %mul3A_11, %dma_wait3A_159, %dma_wait3A_160] : memref<25x128x8x128xi32, #tpu.memory_space<hbm>> -> memref<1x32x1x128xi32, #tpu.memory_space<hbm>>
    %dma_wait3A_162 = tpu.memref_squeeze %dma_wait3A_161 : memref<1x32x1x128xi32, #tpu.memory_space<hbm>> -> memref<32x1x128xi32, #tpu.memory_space<hbm>>
    %dma_wait3A_163 = arith.constant 0 : i32
    %dma_wait3A_164 = arith.constant 0 : i32
    %dma_wait3A_165 = tpu.memref_slice %arg3[%dma_wait3A, %mul3A_11, %dma_wait3A_163, %dma_wait3A_164] : memref<25x128x8x128xi32, #tpu.memory_space<hbm>> -> memref<1x32x1x128xi32, #tpu.memory_space<hbm>>
    %dma_wait3A_166 = tpu.memref_squeeze %dma_wait3A_165 : memref<1x32x1x128xi32, #tpu.memory_space<hbm>> -> memref<32x1x128xi32, #tpu.memory_space<hbm>>
    tpu.wait_dma2 semaphore(%arg10 : memref<!tpu.dma_semaphore, #tpu.memory_space<semaphore_mem>>) src(%dma_wait3A_166 : memref<32x1x128xi32, #tpu.memory_space<hbm>>) dst(%arg6 : memref<32x1x128xi32, #tpu.memory_space<vmem>>)
    %add3A_167 = arith.constant 1 : i32
    %add3A_168 = arith.addi %mul3A_34, %add3A_167 : i32
    %jit3A_169 = arith.constant 8 : i32
    %div3A_170 = arith.divsi %add3A_168, %jit3A_169 : i32
    %sign3A_171 = arith.constant 0 : i32
    %sign3A_172 = arith.cmpi sgt, %add3A_168, %sign3A_171 : i32
    %sign3A_173 = arith.extui %sign3A_172 : i1 to i32
    %sign3A_174 = arith.constant 0 : i32
    %sign3A_175 = arith.cmpi slt, %add3A_168, %sign3A_174 : i32
    %sign3A_176 = arith.extui %sign3A_175 : i1 to i32
    %sign3A_177 = arith.subi %sign3A_173, %sign3A_176 : i32
    %sign3A_178 = arith.constant 0 : i32
    %sign3A_179 = arith.cmpi sgt, %jit3A_169, %sign3A_178 : i32
    %sign3A_180 = arith.extui %sign3A_179 : i1 to i32
    %sign3A_181 = arith.constant 0 : i32
    %sign3A_182 = arith.cmpi slt, %jit3A_169, %sign3A_181 : i32
    %sign3A_183 = arith.extui %sign3A_182 : i1 to i32
    %sign3A_184 = arith.subi %sign3A_180, %sign3A_183 : i32
    %ne3A_185 = arith.cmpi ne, %sign3A_177, %sign3A_184 : i32
    %rem3A_186 = arith.remsi %add3A_168, %jit3A_169 : i32
    %ne3A_187 = arith.constant 0 : i32
    %ne3A_188 = arith.cmpi ne, %rem3A_186, %ne3A_187 : i32
    %and3A_189 = arith.andi %ne3A_185, %ne3A_188 : i1
    %sub3A_190 = arith.constant 1 : i32
    %sub3A_191 = arith.subi %div3A_170, %sub3A_190 : i32
    %select_n3A_192 = arith.select %and3A_189, %sub3A_191, %div3A_170 : i32
    %jit3A_193 = arith.constant 8 : i32
    %eq3A_194 = arith.constant 0 : i32
    %eq3A_195 = arith.cmpi eq, %jit3A_193, %eq3A_194 : i32
    %jit3A_196 = arith.constant 1 : i32
    %select_n3A_197 = arith.select %eq3A_195, %jit3A_196, %jit3A_193 : i32
    %rem3A_198 = arith.remsi %add3A_168, %select_n3A_197 : i32
    %ne3A_199 = arith.constant 0 : i32
    %ne3A_200 = arith.cmpi ne, %rem3A_198, %ne3A_199 : i32
    %lt3A_201 = arith.constant 0 : i32
    %lt3A_202 = arith.cmpi slt, %rem3A_198, %lt3A_201 : i32
    %lt3A_203 = arith.constant 0 : i32
    %lt3A_204 = arith.cmpi slt, %select_n3A_197, %lt3A_203 : i32
    %ne3A_205 = arith.xori %lt3A_202, %lt3A_204 : i1
    %and3A_206 = arith.andi %ne3A_205, %ne3A_200 : i1
    %add3A_207 = arith.addi %rem3A_198, %select_n3A_197 : i32
    %select_n3A_208 = arith.select %and3A_206, %add3A_207, %rem3A_198 : i32
    %dma_start3A_209 = arith.constant 0 : i32
    %dma_start3A_210 = tpu.memref_slice %arg3[%select_n3A_192, %mul3A_11, %select_n3A_208, %dma_start3A_209] : memref<25x128x8x128xi32, #tpu.memory_space<hbm>> -> memref<1x32x1x128xi32, #tpu.memory_space<hbm>>
    %dma_start3A_211 = tpu.memref_squeeze %dma_start3A_210 : memref<1x32x1x128xi32, #tpu.memory_space<hbm>> -> memref<32x1x128xi32, #tpu.memory_space<hbm>>
    %dma_start3A_212 = arith.constant 0 : i32
    %dma_start3A_213 = tpu.memref_slice %arg3[%select_n3A_192, %mul3A_11, %select_n3A_208, %dma_start3A_212] : memref<25x128x8x128xi32, #tpu.memory_space<hbm>> -> memref<1x32x1x128xi32, #tpu.memory_space<hbm>>
    %dma_start3A_214 = tpu.memref_squeeze %dma_start3A_213 : memref<1x32x1x128xi32, #tpu.memory_space<hbm>> -> memref<32x1x128xi32, #tpu.memory_space<hbm>>
    tpu.enqueue_dma source(%dma_start3A_214 : memref<32x1x128xi32, #tpu.memory_space<hbm>>) target(%arg7 : memref<32x1x128xi32, #tpu.memory_space<vmem>>) target_semaphore(%arg11 : memref<!tpu.dma_semaphore, #tpu.memory_space<semaphore_mem>>)
    %parallel_loop3A = arith.constant 0 : i32
    %parallel_loop3A_215 = arith.constant 256 : i32
    %parallel_loop3A_216 = arith.constant 1 : i32
    scf.for %parallel_loop3A_329 = %parallel_loop3A to %parallel_loop3A_215 step %parallel_loop3A_216  : i32 {
      %parallel_loop3A_330 = arith.constant 8 : i32
      %parallel_loop3A_331 = arith.divsi %parallel_loop3A_329, %parallel_loop3A_330 : i32
      %parallel_loop3A_332 = arith.constant 0 : i32
      %parallel_loop3A_333 = arith.cmpi sgt, %parallel_loop3A_329, %parallel_loop3A_332 : i32
      %parallel_loop3A_334 = arith.extui %parallel_loop3A_333 : i1 to i32
      %parallel_loop3A_335 = arith.constant 0 : i32
      %parallel_loop3A_336 = arith.cmpi slt, %parallel_loop3A_329, %parallel_loop3A_335 : i32
      %parallel_loop3A_337 = arith.extui %parallel_loop3A_336 : i1 to i32
      %parallel_loop3A_338 = arith.subi %parallel_loop3A_334, %parallel_loop3A_337 : i32
      %parallel_loop3A_339 = arith.constant 0 : i32
      %parallel_loop3A_340 = arith.cmpi sgt, %parallel_loop3A_330, %parallel_loop3A_339 : i32
      %parallel_loop3A_341 = arith.extui %parallel_loop3A_340 : i1 to i32
      %parallel_loop3A_342 = arith.constant 0 : i32
      %parallel_loop3A_343 = arith.cmpi slt, %parallel_loop3A_330, %parallel_loop3A_342 : i32
      %parallel_loop3A_344 = arith.extui %parallel_loop3A_343 : i1 to i32
      %parallel_loop3A_345 = arith.subi %parallel_loop3A_341, %parallel_loop3A_344 : i32
      %parallel_loop3A_346 = arith.cmpi ne, %parallel_loop3A_338, %parallel_loop3A_345 : i32
      %parallel_loop3A_347 = arith.remsi %parallel_loop3A_329, %parallel_loop3A_330 : i32
      %parallel_loop3A_348 = arith.constant 0 : i32
      %parallel_loop3A_349 = arith.cmpi ne, %parallel_loop3A_347, %parallel_loop3A_348 : i32
      %parallel_loop3A_350 = arith.andi %parallel_loop3A_346, %parallel_loop3A_349 : i1
      %parallel_loop3A_351 = arith.constant 1 : i32
      %parallel_loop3A_352 = arith.subi %parallel_loop3A_331, %parallel_loop3A_351 : i32
      %parallel_loop3A_353 = arith.select %parallel_loop3A_350, %parallel_loop3A_352, %parallel_loop3A_331 : i32
      %parallel_loop3A_354 = arith.constant 8 : i32
      %parallel_loop3A_355 = arith.constant 0 : i32
      %parallel_loop3A_356 = arith.cmpi eq, %parallel_loop3A_354, %parallel_loop3A_355 : i32
      %parallel_loop3A_357 = arith.constant 1 : i32
      %parallel_loop3A_358 = arith.select %parallel_loop3A_356, %parallel_loop3A_357, %parallel_loop3A_354 : i32
      %parallel_loop3A_359 = arith.remsi %parallel_loop3A_329, %parallel_loop3A_358 : i32
      %parallel_loop3A_360 = arith.constant 0 : i32
      %parallel_loop3A_361 = arith.cmpi ne, %parallel_loop3A_359, %parallel_loop3A_360 : i32
      %parallel_loop3A_362 = arith.constant 0 : i32
      %parallel_loop3A_363 = arith.cmpi slt, %parallel_loop3A_359, %parallel_loop3A_362 : i32
      %parallel_loop3A_364 = arith.constant 0 : i32
      %parallel_loop3A_365 = arith.cmpi slt, %parallel_loop3A_358, %parallel_loop3A_364 : i32
      %parallel_loop3A_366 = arith.xori %parallel_loop3A_363, %parallel_loop3A_365 : i1
      %parallel_loop3A_367 = arith.andi %parallel_loop3A_366, %parallel_loop3A_361 : i1
      %parallel_loop3A_368 = arith.addi %parallel_loop3A_359, %parallel_loop3A_358 : i32
      %parallel_loop3A_369 = arith.select %parallel_loop3A_367, %parallel_loop3A_368, %parallel_loop3A_359 : i32
      %parallel_loop3A_370 = arith.constant 16 : i32
      %parallel_loop3A_371 = arith.muli %parallel_loop3A_369, %parallel_loop3A_370 : i32
      %parallel_loop3A_372 = arith.constant 0 : i32
      %parallel_loop3A_373 = arith.index_cast %parallel_loop3A_353 : i32 to index
      %parallel_loop3A_374 = arith.index_cast %parallel_loop3A_372 : i32 to index
      %parallel_loop3A_375 = arith.index_cast %parallel_loop3A_371 : i32 to index
      %parallel_loop3A_376 = tpu.vector_load %arg6[%parallel_loop3A_373, %parallel_loop3A_374, %parallel_loop3A_375] {strides = array<i32>} : memref<32x1x128xi32, #tpu.memory_space<vmem>>, vector<1x1x16xi32>,
      %parallel_loop3A_377 = vector.shape_cast %parallel_loop3A_376 : vector<1x1x16xi32> to vector<16xi32>
      %parallel_loop3A_378 = vector.shape_cast %parallel_loop3A_377 : vector<16xi32> to vector<16x1xi32>
      %parallel_loop3A_379 = vector.shape_cast %parallel_loop3A_378 : vector<16x1xi32> to vector<16xi32>
      %parallel_loop3A_380 = tpu.dynamic_gather %get3A_38[%parallel_loop3A_379] in [0] : vector<16xf32>, vector<16xi32> -> vector<16xf32>
      %parallel_loop3A_381 = arith.constant 0 : i32
      %parallel_loop3A_382 = arith.index_cast %parallel_loop3A_353 : i32 to index
      %parallel_loop3A_383 = arith.index_cast %parallel_loop3A_381 : i32 to index
      %parallel_loop3A_384 = arith.index_cast %parallel_loop3A_371 : i32 to index
      %parallel_loop3A_385 = tpu.vector_load %arg8[%parallel_loop3A_382, %parallel_loop3A_383, %parallel_loop3A_384] {strides = array<i32>} : memref<32x8x128xf32, #tpu.memory_space<vmem>>, vector<1x1x16xf32>,
      %parallel_loop3A_386 = vector.shape_cast %parallel_loop3A_385 : vector<1x1x16xf32> to vector<16xf32>
      %parallel_loop3A_387 = vector.shape_cast %parallel_loop3A_380 : vector<16xf32> to vector<1x1x16xf32>
      tpu.vector_store %arg8[%parallel_loop3A_382, %parallel_loop3A_383, %parallel_loop3A_384], %parallel_loop3A_387 {strides = array<i32>} : memref<32x8x128xf32, #tpu.memory_space<vmem>>, vector<1x1x16xf32>,
      %parallel_loop3A_388 = vector.shape_cast %parallel_loop3A_377 : vector<16xi32> to vector<16x1xi32>
      %parallel_loop3A_389 = vector.shape_cast %parallel_loop3A_388 : vector<16x1xi32> to vector<16xi32>
      %parallel_loop3A_390 = tpu.dynamic_gather %get3A_43[%parallel_loop3A_389] in [0] : vector<16xf32>, vector<16xi32> -> vector<16xf32>
      %parallel_loop3A_391 = arith.constant 1 : i32
      %parallel_loop3A_392 = arith.index_cast %parallel_loop3A_353 : i32 to index
      %parallel_loop3A_393 = arith.index_cast %parallel_loop3A_391 : i32 to index
      %parallel_loop3A_394 = arith.index_cast %parallel_loop3A_371 : i32 to index
      %parallel_loop3A_395 = tpu.vector_load %arg8[%parallel_loop3A_392, %parallel_loop3A_393, %parallel_loop3A_394] {strides = array<i32>} : memref<32x8x128xf32, #tpu.memory_space<vmem>>, vector<1x1x16xf32>,
      %parallel_loop3A_396 = vector.shape_cast %parallel_loop3A_395 : vector<1x1x16xf32> to vector<16xf32>
      %parallel_loop3A_397 = vector.shape_cast %parallel_loop3A_390 : vector<16xf32> to vector<1x1x16xf32>
      tpu.vector_store %arg8[%parallel_loop3A_392, %parallel_loop3A_393, %parallel_loop3A_394], %parallel_loop3A_397 {strides = array<i32>} : memref<32x8x128xf32, #tpu.memory_space<vmem>>, vector<1x1x16xf32>,
      %parallel_loop3A_398 = vector.shape_cast %parallel_loop3A_377 : vector<16xi32> to vector<16x1xi32>
      %parallel_loop3A_399 = vector.shape_cast %parallel_loop3A_398 : vector<16x1xi32> to vector<16xi32>
      %parallel_loop3A_400 = tpu.dynamic_gather %get3A_48[%parallel_loop3A_399] in [0] : vector<16xf32>, vector<16xi32> -> vector<16xf32>
      %parallel_loop3A_401 = arith.constant 2 : i32
      %parallel_loop3A_402 = arith.index_cast %parallel_loop3A_353 : i32 to index
      %parallel_loop3A_403 = arith.index_cast %parallel_loop3A_401 : i32 to index
      %parallel_loop3A_404 = arith.index_cast %parallel_loop3A_371 : i32 to index
      %parallel_loop3A_405 = tpu.vector_load %arg8[%parallel_loop3A_402, %parallel_loop3A_403, %parallel_loop3A_404] {strides = array<i32>} : memref<32x8x128xf32, #tpu.memory_space<vmem>>, vector<1x1x16xf32>,
      %parallel_loop3A_406 = vector.shape_cast %parallel_loop3A_405 : vector<1x1x16xf32> to vector<16xf32>
      %parallel_loop3A_407 = vector.shape_cast %parallel_loop3A_400 : vector<16xf32> to vector<1x1x16xf32>
      tpu.vector_store %arg8[%parallel_loop3A_402, %parallel_loop3A_403, %parallel_loop3A_404], %parallel_loop3A_407 {strides = array<i32>} : memref<32x8x128xf32, #tpu.memory_space<vmem>>, vector<1x1x16xf32>,
      %parallel_loop3A_408 = vector.shape_cast %parallel_loop3A_377 : vector<16xi32> to vector<16x1xi32>
      %parallel_loop3A_409 = vector.shape_cast %parallel_loop3A_408 : vector<16x1xi32> to vector<16xi32>
      %parallel_loop3A_410 = tpu.dynamic_gather %get3A_53[%parallel_loop3A_409] in [0] : vector<16xf32>, vector<16xi32> -> vector<16xf32>
      %parallel_loop3A_411 = arith.constant 3 : i32
      %parallel_loop3A_412 = arith.index_cast %parallel_loop3A_353 : i32 to index
      %parallel_loop3A_413 = arith.index_cast %parallel_loop3A_411 : i32 to index
      %parallel_loop3A_414 = arith.index_cast %parallel_loop3A_371 : i32 to index
      %parallel_loop3A_415 = tpu.vector_load %arg8[%parallel_loop3A_412, %parallel_loop3A_413, %parallel_loop3A_414] {strides = array<i32>} : memref<32x8x128xf32, #tpu.memory_space<vmem>>, vector<1x1x16xf32>,
      %parallel_loop3A_416 = vector.shape_cast %parallel_loop3A_415 : vector<1x1x16xf32> to vector<16xf32>
      %parallel_loop3A_417 = vector.shape_cast %parallel_loop3A_410 : vector<16xf32> to vector<1x1x16xf32>
      tpu.vector_store %arg8[%parallel_loop3A_412, %parallel_loop3A_413, %parallel_loop3A_414], %parallel_loop3A_417 {strides = array<i32>} : memref<32x8x128xf32, #tpu.memory_space<vmem>>, vector<1x1x16xf32>,
      %parallel_loop3A_418 = vector.shape_cast %parallel_loop3A_377 : vector<16xi32> to vector<16x1xi32>
      %parallel_loop3A_419 = vector.shape_cast %parallel_loop3A_418 : vector<16x1xi32> to vector<16xi32>
      %parallel_loop3A_420 = tpu.dynamic_gather %get3A_58[%parallel_loop3A_419] in [0] : vector<16xf32>, vector<16xi32> -> vector<16xf32>
      %parallel_loop3A_421 = arith.constant 4 : i32
      %parallel_loop3A_422 = arith.index_cast %parallel_loop3A_353 : i32 to index
      %parallel_loop3A_423 = arith.index_cast %parallel_loop3A_421 : i32 to index
      %parallel_loop3A_424 = arith.index_cast %parallel_loop3A_371 : i32 to index
      %parallel_loop3A_425 = tpu.vector_load %arg8[%parallel_loop3A_422, %parallel_loop3A_423, %parallel_loop3A_424] {strides = array<i32>} : memref<32x8x128xf32, #tpu.memory_space<vmem>>, vector<1x1x16xf32>,
      %parallel_loop3A_426 = vector.shape_cast %parallel_loop3A_425 : vector<1x1x16xf32> to vector<16xf32>
      %parallel_loop3A_427 = vector.shape_cast %parallel_loop3A_420 : vector<16xf32> to vector<1x1x16xf32>
      tpu.vector_store %arg8[%parallel_loop3A_422, %parallel_loop3A_423, %parallel_loop3A_424], %parallel_loop3A_427 {strides = array<i32>} : memref<32x8x128xf32, #tpu.memory_space<vmem>>, vector<1x1x16xf32>,
      %parallel_loop3A_428 = vector.shape_cast %parallel_loop3A_377 : vector<16xi32> to vector<16x1xi32>
      %parallel_loop3A_429 = vector.shape_cast %parallel_loop3A_428 : vector<16x1xi32> to vector<16xi32>
      %parallel_loop3A_430 = tpu.dynamic_gather %get3A_63[%parallel_loop3A_429] in [0] : vector<16xf32>, vector<16xi32> -> vector<16xf32>
      %parallel_loop3A_431 = arith.constant 5 : i32
      %parallel_loop3A_432 = arith.index_cast %parallel_loop3A_353 : i32 to index
      %parallel_loop3A_433 = arith.index_cast %parallel_loop3A_431 : i32 to index
      %parallel_loop3A_434 = arith.index_cast %parallel_loop3A_371 : i32 to index
      %parallel_loop3A_435 = tpu.vector_load %arg8[%parallel_loop3A_432, %parallel_loop3A_433, %parallel_loop3A_434] {strides = array<i32>} : memref<32x8x128xf32, #tpu.memory_space<vmem>>, vector<1x1x16xf32>,
      %parallel_loop3A_436 = vector.shape_cast %parallel_loop3A_435 : vector<1x1x16xf32> to vector<16xf32>
      %parallel_loop3A_437 = vector.shape_cast %parallel_loop3A_430 : vector<16xf32> to vector<1x1x16xf32>
      tpu.vector_store %arg8[%parallel_loop3A_432, %parallel_loop3A_433, %parallel_loop3A_434], %parallel_loop3A_437 {strides = array<i32>} : memref<32x8x128xf32, #tpu.memory_space<vmem>>, vector<1x1x16xf32>,
      %parallel_loop3A_438 = vector.shape_cast %parallel_loop3A_377 : vector<16xi32> to vector<16x1xi32>
      %parallel_loop3A_439 = vector.shape_cast %parallel_loop3A_438 : vector<16x1xi32> to vector<16xi32>
      %parallel_loop3A_440 = tpu.dynamic_gather %get3A_68[%parallel_loop3A_439] in [0] : vector<16xf32>, vector<16xi32> -> vector<16xf32>
      %parallel_loop3A_441 = arith.constant 6 : i32
      %parallel_loop3A_442 = arith.index_cast %parallel_loop3A_353 : i32 to index
      %parallel_loop3A_443 = arith.index_cast %parallel_loop3A_441 : i32 to index
      %parallel_loop3A_444 = arith.index_cast %parallel_loop3A_371 : i32 to index
      %parallel_loop3A_445 = tpu.vector_load %arg8[%parallel_loop3A_442, %parallel_loop3A_443, %parallel_loop3A_444] {strides = array<i32>} : memref<32x8x128xf32, #tpu.memory_space<vmem>>, vector<1x1x16xf32>,
      %parallel_loop3A_446 = vector.shape_cast %parallel_loop3A_445 : vector<1x1x16xf32> to vector<16xf32>
      %parallel_loop3A_447 = vector.shape_cast %parallel_loop3A_440 : vector<16xf32> to vector<1x1x16xf32>
      tpu.vector_store %arg8[%parallel_loop3A_442, %parallel_loop3A_443, %parallel_loop3A_444], %parallel_loop3A_447 {strides = array<i32>} : memref<32x8x128xf32, #tpu.memory_space<vmem>>, vector<1x1x16xf32>,
      %parallel_loop3A_448 = vector.shape_cast %parallel_loop3A_377 : vector<16xi32> to vector<16x1xi32>
      %parallel_loop3A_449 = vector.shape_cast %parallel_loop3A_448 : vector<16x1xi32> to vector<16xi32>
      %parallel_loop3A_450 = tpu.dynamic_gather %get3A_73[%parallel_loop3A_449] in [0] : vector<16xf32>, vector<16xi32> -> vector<16xf32>
      %parallel_loop3A_451 = arith.constant 7 : i32
      %parallel_loop3A_452 = arith.index_cast %parallel_loop3A_353 : i32 to index
      %parallel_loop3A_453 = arith.index_cast %parallel_loop3A_451 : i32 to index
      %parallel_loop3A_454 = arith.index_cast %parallel_loop3A_371 : i32 to index
      %parallel_loop3A_455 = tpu.vector_load %arg8[%parallel_loop3A_452, %parallel_loop3A_453, %parallel_loop3A_454] {strides = array<i32>} : memref<32x8x128xf32, #tpu.memory_space<vmem>>, vector<1x1x16xf32>,
      %parallel_loop3A_456 = vector.shape_cast %parallel_loop3A_455 : vector<1x1x16xf32> to vector<16xf32>
      %parallel_loop3A_457 = vector.shape_cast %parallel_loop3A_450 : vector<16xf32> to vector<1x1x16xf32>
      tpu.vector_store %arg8[%parallel_loop3A_452, %parallel_loop3A_453, %parallel_loop3A_454], %parallel_loop3A_457 {strides = array<i32>} : memref<32x8x128xf32, #tpu.memory_space<vmem>>, vector<1x1x16xf32>,
    } {sc.loop_unroll_factor = 8 : i64, sc.parallel_access}
    %dma_start3A_217 = arith.constant 0 : i32
    %dma_start3A_218 = arith.constant 0 : i32
    %dma_start3A_219 = arith.constant 0 : i32
    %dma_start3A_220 = tpu.memref_slice %arg4[%mul3A_34, %dma_start3A_217, %mul3A_11, %dma_start3A_218, %dma_start3A_219] : memref<200x2x128x8x128xf32, #tpu.memory_space<hbm>> -> memref<1x1x32x8x128xf32, #tpu.memory_space<hbm>>
    %dma_start3A_221 = tpu.memref_squeeze %dma_start3A_220 : memref<1x1x32x8x128xf32, #tpu.memory_space<hbm>> -> memref<32x8x128xf32, #tpu.memory_space<hbm>>
    %dma_start3A_222 = arith.constant 0 : i32
    %dma_start3A_223 = arith.constant 0 : i32
    %dma_start3A_224 = tpu.memref_slice %arg4[%mul3A_34, %dma_start3A_217, %mul3A_11, %dma_start3A_222, %dma_start3A_223] : memref<200x2x128x8x128xf32, #tpu.memory_space<hbm>> -> memref<1x1x32x8x128xf32, #tpu.memory_space<hbm>>
    %dma_start3A_225 = tpu.memref_squeeze %dma_start3A_224 : memref<1x1x32x8x128xf32, #tpu.memory_space<hbm>> -> memref<32x8x128xf32, #tpu.memory_space<hbm>>
    tpu.enqueue_dma source(%arg8 : memref<32x8x128xf32, #tpu.memory_space<vmem>>) target(%dma_start3A_225 : memref<32x8x128xf32, #tpu.memory_space<hbm>>) target_semaphore(%arg12 : memref<!tpu.dma_semaphore, #tpu.memory_space<semaphore_mem>>)
    %parallel_loop3A_226 = arith.constant 0 : i32
    %parallel_loop3A_227 = arith.constant 256 : i32
    %parallel_loop3A_228 = arith.constant 1 : i32
    scf.for %parallel_loop3A_329 = %parallel_loop3A_226 to %parallel_loop3A_227 step %parallel_loop3A_228  : i32 {
      %parallel_loop3A_330 = arith.constant 8 : i32
      %parallel_loop3A_331 = arith.divsi %parallel_loop3A_329, %parallel_loop3A_330 : i32
      %parallel_loop3A_332 = arith.constant 0 : i32
      %parallel_loop3A_333 = arith.cmpi sgt, %parallel_loop3A_329, %parallel_loop3A_332 : i32
      %parallel_loop3A_334 = arith.extui %parallel_loop3A_333 : i1 to i32
      %parallel_loop3A_335 = arith.constant 0 : i32
      %parallel_loop3A_336 = arith.cmpi slt, %parallel_loop3A_329, %parallel_loop3A_335 : i32
      %parallel_loop3A_337 = arith.extui %parallel_loop3A_336 : i1 to i32
      %parallel_loop3A_338 = arith.subi %parallel_loop3A_334, %parallel_loop3A_337 : i32
      %parallel_loop3A_339 = arith.constant 0 : i32
      %parallel_loop3A_340 = arith.cmpi sgt, %parallel_loop3A_330, %parallel_loop3A_339 : i32
      %parallel_loop3A_341 = arith.extui %parallel_loop3A_340 : i1 to i32
      %parallel_loop3A_342 = arith.constant 0 : i32
      %parallel_loop3A_343 = arith.cmpi slt, %parallel_loop3A_330, %parallel_loop3A_342 : i32
      %parallel_loop3A_344 = arith.extui %parallel_loop3A_343 : i1 to i32
      %parallel_loop3A_345 = arith.subi %parallel_loop3A_341, %parallel_loop3A_344 : i32
      %parallel_loop3A_346 = arith.cmpi ne, %parallel_loop3A_338, %parallel_loop3A_345 : i32
      %parallel_loop3A_347 = arith.remsi %parallel_loop3A_329, %parallel_loop3A_330 : i32
      %parallel_loop3A_348 = arith.constant 0 : i32
      %parallel_loop3A_349 = arith.cmpi ne, %parallel_loop3A_347, %parallel_loop3A_348 : i32
      %parallel_loop3A_350 = arith.andi %parallel_loop3A_346, %parallel_loop3A_349 : i1
      %parallel_loop3A_351 = arith.constant 1 : i32
      %parallel_loop3A_352 = arith.subi %parallel_loop3A_331, %parallel_loop3A_351 : i32
      %parallel_loop3A_353 = arith.select %parallel_loop3A_350, %parallel_loop3A_352, %parallel_loop3A_331 : i32
      %parallel_loop3A_354 = arith.constant 8 : i32
      %parallel_loop3A_355 = arith.constant 0 : i32
      %parallel_loop3A_356 = arith.cmpi eq, %parallel_loop3A_354, %parallel_loop3A_355 : i32
      %parallel_loop3A_357 = arith.constant 1 : i32
      %parallel_loop3A_358 = arith.select %parallel_loop3A_356, %parallel_loop3A_357, %parallel_loop3A_354 : i32
      %parallel_loop3A_359 = arith.remsi %parallel_loop3A_329, %parallel_loop3A_358 : i32
      %parallel_loop3A_360 = arith.constant 0 : i32
      %parallel_loop3A_361 = arith.cmpi ne, %parallel_loop3A_359, %parallel_loop3A_360 : i32
      %parallel_loop3A_362 = arith.constant 0 : i32
      %parallel_loop3A_363 = arith.cmpi slt, %parallel_loop3A_359, %parallel_loop3A_362 : i32
      %parallel_loop3A_364 = arith.constant 0 : i32
      %parallel_loop3A_365 = arith.cmpi slt, %parallel_loop3A_358, %parallel_loop3A_364 : i32
      %parallel_loop3A_366 = arith.xori %parallel_loop3A_363, %parallel_loop3A_365 : i1
      %parallel_loop3A_367 = arith.andi %parallel_loop3A_366, %parallel_loop3A_361 : i1
      %parallel_loop3A_368 = arith.addi %parallel_loop3A_359, %parallel_loop3A_358 : i32
      %parallel_loop3A_369 = arith.select %parallel_loop3A_367, %parallel_loop3A_368, %parallel_loop3A_359 : i32
      %parallel_loop3A_370 = arith.constant 16 : i32
      %parallel_loop3A_371 = arith.muli %parallel_loop3A_369, %parallel_loop3A_370 : i32
      %parallel_loop3A_372 = arith.constant 0 : i32
      %parallel_loop3A_373 = arith.index_cast %parallel_loop3A_353 : i32 to index
      %parallel_loop3A_374 = arith.index_cast %parallel_loop3A_372 : i32 to index
      %parallel_loop3A_375 = arith.index_cast %parallel_loop3A_371 : i32 to index
      %parallel_loop3A_376 = tpu.vector_load %arg6[%parallel_loop3A_373, %parallel_loop3A_374, %parallel_loop3A_375] {strides = array<i32>} : memref<32x1x128xi32, #tpu.memory_space<vmem>>, vector<1x1x16xi32>,
      %parallel_loop3A_377 = vector.shape_cast %parallel_loop3A_376 : vector<1x1x16xi32> to vector<16xi32>
      %parallel_loop3A_378 = vector.shape_cast %parallel_loop3A_377 : vector<16xi32> to vector<16x1xi32>
      %parallel_loop3A_379 = vector.shape_cast %parallel_loop3A_378 : vector<16x1xi32> to vector<16xi32>
      %parallel_loop3A_380 = tpu.dynamic_gather %get3A_78[%parallel_loop3A_379] in [0] : vector<16xf32>, vector<16xi32> -> vector<16xf32>
      %parallel_loop3A_381 = arith.constant 0 : i32
      %parallel_loop3A_382 = arith.index_cast %parallel_loop3A_353 : i32 to index
      %parallel_loop3A_383 = arith.index_cast %parallel_loop3A_381 : i32 to index
      %parallel_loop3A_384 = arith.index_cast %parallel_loop3A_371 : i32 to index
      %parallel_loop3A_385 = tpu.vector_load %arg9[%parallel_loop3A_382, %parallel_loop3A_383, %parallel_loop3A_384] {strides = array<i32>} : memref<32x8x128xf32, #tpu.memory_space<vmem>>, vector<1x1x16xf32>,
      %parallel_loop3A_386 = vector.shape_cast %parallel_loop3A_385 : vector<1x1x16xf32> to vector<16xf32>
      %parallel_loop3A_387 = vector.shape_cast %parallel_loop3A_380 : vector<16xf32> to vector<1x1x16xf32>
      tpu.vector_store %arg9[%parallel_loop3A_382, %parallel_loop3A_383, %parallel_loop3A_384], %parallel_loop3A_387 {strides = array<i32>} : memref<32x8x128xf32, #tpu.memory_space<vmem>>, vector<1x1x16xf32>,
      %parallel_loop3A_388 = vector.shape_cast %parallel_loop3A_377 : vector<16xi32> to vector<16x1xi32>
      %parallel_loop3A_389 = vector.shape_cast %parallel_loop3A_388 : vector<16x1xi32> to vector<16xi32>
      %parallel_loop3A_390 = tpu.dynamic_gather %get3A_83[%parallel_loop3A_389] in [0] : vector<16xf32>, vector<16xi32> -> vector<16xf32>
      %parallel_loop3A_391 = arith.constant 1 : i32
      %parallel_loop3A_392 = arith.index_cast %parallel_loop3A_353 : i32 to index
      %parallel_loop3A_393 = arith.index_cast %parallel_loop3A_391 : i32 to index
      %parallel_loop3A_394 = arith.index_cast %parallel_loop3A_371 : i32 to index
      %parallel_loop3A_395 = tpu.vector_load %arg9[%parallel_loop3A_392, %parallel_loop3A_393, %parallel_loop3A_394] {strides = array<i32>} : memref<32x8x128xf32, #tpu.memory_space<vmem>>, vector<1x1x16xf32>,
      %parallel_loop3A_396 = vector.shape_cast %parallel_loop3A_395 : vector<1x1x16xf32> to vector<16xf32>
      %parallel_loop3A_397 = vector.shape_cast %parallel_loop3A_390 : vector<16xf32> to vector<1x1x16xf32>
      tpu.vector_store %arg9[%parallel_loop3A_392, %parallel_loop3A_393, %parallel_loop3A_394], %parallel_loop3A_397 {strides = array<i32>} : memref<32x8x128xf32, #tpu.memory_space<vmem>>, vector<1x1x16xf32>,
      %parallel_loop3A_398 = vector.shape_cast %parallel_loop3A_377 : vector<16xi32> to vector<16x1xi32>
      %parallel_loop3A_399 = vector.shape_cast %parallel_loop3A_398 : vector<16x1xi32> to vector<16xi32>
      %parallel_loop3A_400 = tpu.dynamic_gather %get3A_88[%parallel_loop3A_399] in [0] : vector<16xf32>, vector<16xi32> -> vector<16xf32>
      %parallel_loop3A_401 = arith.constant 2 : i32
      %parallel_loop3A_402 = arith.index_cast %parallel_loop3A_353 : i32 to index
      %parallel_loop3A_403 = arith.index_cast %parallel_loop3A_401 : i32 to index
      %parallel_loop3A_404 = arith.index_cast %parallel_loop3A_371 : i32 to index
      %parallel_loop3A_405 = tpu.vector_load %arg9[%parallel_loop3A_402, %parallel_loop3A_403, %parallel_loop3A_404] {strides = array<i32>} : memref<32x8x128xf32, #tpu.memory_space<vmem>>, vector<1x1x16xf32>,
      %parallel_loop3A_406 = vector.shape_cast %parallel_loop3A_405 : vector<1x1x16xf32> to vector<16xf32>
      %parallel_loop3A_407 = vector.shape_cast %parallel_loop3A_400 : vector<16xf32> to vector<1x1x16xf32>
      tpu.vector_store %arg9[%parallel_loop3A_402, %parallel_loop3A_403, %parallel_loop3A_404], %parallel_loop3A_407 {strides = array<i32>} : memref<32x8x128xf32, #tpu.memory_space<vmem>>, vector<1x1x16xf32>,
      %parallel_loop3A_408 = vector.shape_cast %parallel_loop3A_377 : vector<16xi32> to vector<16x1xi32>
      %parallel_loop3A_409 = vector.shape_cast %parallel_loop3A_408 : vector<16x1xi32> to vector<16xi32>
      %parallel_loop3A_410 = tpu.dynamic_gather %get3A_93[%parallel_loop3A_409] in [0] : vector<16xf32>, vector<16xi32> -> vector<16xf32>
      %parallel_loop3A_411 = arith.constant 3 : i32
      %parallel_loop3A_412 = arith.index_cast %parallel_loop3A_353 : i32 to index
      %parallel_loop3A_413 = arith.index_cast %parallel_loop3A_411 : i32 to index
      %parallel_loop3A_414 = arith.index_cast %parallel_loop3A_371 : i32 to index
      %parallel_loop3A_415 = tpu.vector_load %arg9[%parallel_loop3A_412, %parallel_loop3A_413, %parallel_loop3A_414] {strides = array<i32>} : memref<32x8x128xf32, #tpu.memory_space<vmem>>, vector<1x1x16xf32>,
      %parallel_loop3A_416 = vector.shape_cast %parallel_loop3A_415 : vector<1x1x16xf32> to vector<16xf32>
      %parallel_loop3A_417 = vector.shape_cast %parallel_loop3A_410 : vector<16xf32> to vector<1x1x16xf32>
      tpu.vector_store %arg9[%parallel_loop3A_412, %parallel_loop3A_413, %parallel_loop3A_414], %parallel_loop3A_417 {strides = array<i32>} : memref<32x8x128xf32, #tpu.memory_space<vmem>>, vector<1x1x16xf32>,
      %parallel_loop3A_418 = vector.shape_cast %parallel_loop3A_377 : vector<16xi32> to vector<16x1xi32>
      %parallel_loop3A_419 = vector.shape_cast %parallel_loop3A_418 : vector<16x1xi32> to vector<16xi32>
      %parallel_loop3A_420 = tpu.dynamic_gather %get3A_98[%parallel_loop3A_419] in [0] : vector<16xf32>, vector<16xi32> -> vector<16xf32>
      %parallel_loop3A_421 = arith.constant 4 : i32
      %parallel_loop3A_422 = arith.index_cast %parallel_loop3A_353 : i32 to index
      %parallel_loop3A_423 = arith.index_cast %parallel_loop3A_421 : i32 to index
      %parallel_loop3A_424 = arith.index_cast %parallel_loop3A_371 : i32 to index
      %parallel_loop3A_425 = tpu.vector_load %arg9[%parallel_loop3A_422, %parallel_loop3A_423, %parallel_loop3A_424] {strides = array<i32>} : memref<32x8x128xf32, #tpu.memory_space<vmem>>, vector<1x1x16xf32>,
      %parallel_loop3A_426 = vector.shape_cast %parallel_loop3A_425 : vector<1x1x16xf32> to vector<16xf32>
      %parallel_loop3A_427 = vector.shape_cast %parallel_loop3A_420 : vector<16xf32> to vector<1x1x16xf32>
      tpu.vector_store %arg9[%parallel_loop3A_422, %parallel_loop3A_423, %parallel_loop3A_424], %parallel_loop3A_427 {strides = array<i32>} : memref<32x8x128xf32, #tpu.memory_space<vmem>>, vector<1x1x16xf32>,
      %parallel_loop3A_428 = vector.shape_cast %parallel_loop3A_377 : vector<16xi32> to vector<16x1xi32>
      %parallel_loop3A_429 = vector.shape_cast %parallel_loop3A_428 : vector<16x1xi32> to vector<16xi32>
      %parallel_loop3A_430 = tpu.dynamic_gather %get3A_103[%parallel_loop3A_429] in [0] : vector<16xf32>, vector<16xi32> -> vector<16xf32>
      %parallel_loop3A_431 = arith.constant 5 : i32
      %parallel_loop3A_432 = arith.index_cast %parallel_loop3A_353 : i32 to index
      %parallel_loop3A_433 = arith.index_cast %parallel_loop3A_431 : i32 to index
      %parallel_loop3A_434 = arith.index_cast %parallel_loop3A_371 : i32 to index
      %parallel_loop3A_435 = tpu.vector_load %arg9[%parallel_loop3A_432, %parallel_loop3A_433, %parallel_loop3A_434] {strides = array<i32>} : memref<32x8x128xf32, #tpu.memory_space<vmem>>, vector<1x1x16xf32>,
      %parallel_loop3A_436 = vector.shape_cast %parallel_loop3A_435 : vector<1x1x16xf32> to vector<16xf32>
      %parallel_loop3A_437 = vector.shape_cast %parallel_loop3A_430 : vector<16xf32> to vector<1x1x16xf32>
      tpu.vector_store %arg9[%parallel_loop3A_432, %parallel_loop3A_433, %parallel_loop3A_434], %parallel_loop3A_437 {strides = array<i32>} : memref<32x8x128xf32, #tpu.memory_space<vmem>>, vector<1x1x16xf32>,
      %parallel_loop3A_438 = vector.shape_cast %parallel_loop3A_377 : vector<16xi32> to vector<16x1xi32>
      %parallel_loop3A_439 = vector.shape_cast %parallel_loop3A_438 : vector<16x1xi32> to vector<16xi32>
      %parallel_loop3A_440 = tpu.dynamic_gather %get3A_108[%parallel_loop3A_439] in [0] : vector<16xf32>, vector<16xi32> -> vector<16xf32>
      %parallel_loop3A_441 = arith.constant 6 : i32
      %parallel_loop3A_442 = arith.index_cast %parallel_loop3A_353 : i32 to index
      %parallel_loop3A_443 = arith.index_cast %parallel_loop3A_441 : i32 to index
      %parallel_loop3A_444 = arith.index_cast %parallel_loop3A_371 : i32 to index
      %parallel_loop3A_445 = tpu.vector_load %arg9[%parallel_loop3A_442, %parallel_loop3A_443, %parallel_loop3A_444] {strides = array<i32>} : memref<32x8x128xf32, #tpu.memory_space<vmem>>, vector<1x1x16xf32>,
      %parallel_loop3A_446 = vector.shape_cast %parallel_loop3A_445 : vector<1x1x16xf32> to vector<16xf32>
      %parallel_loop3A_447 = vector.shape_cast %parallel_loop3A_440 : vector<16xf32> to vector<1x1x16xf32>
      tpu.vector_store %arg9[%parallel_loop3A_442, %parallel_loop3A_443, %parallel_loop3A_444], %parallel_loop3A_447 {strides = array<i32>} : memref<32x8x128xf32, #tpu.memory_space<vmem>>, vector<1x1x16xf32>,
      %parallel_loop3A_448 = vector.shape_cast %parallel_loop3A_377 : vector<16xi32> to vector<16x1xi32>
      %parallel_loop3A_449 = vector.shape_cast %parallel_loop3A_448 : vector<16x1xi32> to vector<16xi32>
      %parallel_loop3A_450 = tpu.dynamic_gather %get3A_113[%parallel_loop3A_449] in [0] : vector<16xf32>, vector<16xi32> -> vector<16xf32>
      %parallel_loop3A_451 = arith.constant 7 : i32
      %parallel_loop3A_452 = arith.index_cast %parallel_loop3A_353 : i32 to index
      %parallel_loop3A_453 = arith.index_cast %parallel_loop3A_451 : i32 to index
      %parallel_loop3A_454 = arith.index_cast %parallel_loop3A_371 : i32 to index
      %parallel_loop3A_455 = tpu.vector_load %arg9[%parallel_loop3A_452, %parallel_loop3A_453, %parallel_loop3A_454] {strides = array<i32>} : memref<32x8x128xf32, #tpu.memory_space<vmem>>, vector<1x1x16xf32>,
      %parallel_loop3A_456 = vector.shape_cast %parallel_loop3A_455 : vector<1x1x16xf32> to vector<16xf32>
      %parallel_loop3A_457 = vector.shape_cast %parallel_loop3A_450 : vector<16xf32> to vector<1x1x16xf32>
      tpu.vector_store %arg9[%parallel_loop3A_452, %parallel_loop3A_453, %parallel_loop3A_454], %parallel_loop3A_457 {strides = array<i32>} : memref<32x8x128xf32, #tpu.memory_space<vmem>>, vector<1x1x16xf32>,
    } {sc.loop_unroll_factor = 8 : i64, sc.parallel_access}
    %dma_start3A_229 = arith.constant 1 : i32
    %dma_start3A_230 = arith.constant 0 : i32
    %dma_start3A_231 = arith.constant 0 : i32
    %dma_start3A_232 = tpu.memref_slice %arg4[%mul3A_34, %dma_start3A_229, %mul3A_11, %dma_start3A_230, %dma_start3A_231] : memref<200x2x128x8x128xf32, #tpu.memory_space<hbm>> -> memref<1x1x32x8x128xf32, #tpu.memory_space<hbm>>
    %dma_start3A_233 = tpu.memref_squeeze %dma_start3A_232 : memref<1x1x32x8x128xf32, #tpu.memory_space<hbm>> -> memref<32x8x128xf32, #tpu.memory_space<hbm>>
    %dma_start3A_234 = arith.constant 0 : i32
    %dma_start3A_235 = arith.constant 0 : i32
    %dma_start3A_236 = tpu.memref_slice %arg4[%mul3A_34, %dma_start3A_229, %mul3A_11, %dma_start3A_234, %dma_start3A_235] : memref<200x2x128x8x128xf32, #tpu.memory_space<hbm>> -> memref<1x1x32x8x128xf32, #tpu.memory_space<hbm>>
    %dma_start3A_237 = tpu.memref_squeeze %dma_start3A_236 : memref<1x1x32x8x128xf32, #tpu.memory_space<hbm>> -> memref<32x8x128xf32, #tpu.memory_space<hbm>>
    tpu.enqueue_dma source(%arg9 : memref<32x8x128xf32, #tpu.memory_space<vmem>>) target(%dma_start3A_237 : memref<32x8x128xf32, #tpu.memory_space<hbm>>) target_semaphore(%arg13 : memref<!tpu.dma_semaphore, #tpu.memory_space<semaphore_mem>>)
    %add3A_238 = arith.constant 2 : i32
    %add3A_239 = arith.addi %mul3A_34, %add3A_238 : i32
    %jit3A_240 = arith.constant 8 : i32
    %div3A_241 = arith.divsi %add3A_239, %jit3A_240 : i32
    %sign3A_242 = arith.constant 0 : i32
    %sign3A_243 = arith.cmpi sgt, %add3A_239, %sign3A_242 : i32
    %sign3A_244 = arith.extui %sign3A_243 : i1 to i32
    %sign3A_245 = arith.constant 0 : i32
    %sign3A_246 = arith.cmpi slt, %add3A_239, %sign3A_245 : i32
    %sign3A_247 = arith.extui %sign3A_246 : i1 to i32
    %sign3A_248 = arith.subi %sign3A_244, %sign3A_247 : i32
    %sign3A_249 = arith.constant 0 : i32
    %sign3A_250 = arith.cmpi sgt, %jit3A_240, %sign3A_249 : i32
    %sign3A_251 = arith.extui %sign3A_250 : i1 to i32
    %sign3A_252 = arith.constant 0 : i32
    %sign3A_253 = arith.cmpi slt, %jit3A_240, %sign3A_252 : i32
    %sign3A_254 = arith.extui %sign3A_253 : i1 to i32
    %sign3A_255 = arith.subi %sign3A_251, %sign3A_254 : i32
    %ne3A_256 = arith.cmpi ne, %sign3A_248, %sign3A_255 : i32
    %rem3A_257 = arith.remsi %add3A_239, %jit3A_240 : i32
    %ne3A_258 = arith.constant 0 : i32
    %ne3A_259 = arith.cmpi ne, %rem3A_257, %ne3A_258 : i32
    %and3A_260 = arith.andi %ne3A_256, %ne3A_259 : i1
    %sub3A_261 = arith.constant 1 : i32
    %sub3A_262 = arith.subi %div3A_241, %sub3A_261 : i32
    %select_n3A_263 = arith.select %and3A_260, %sub3A_262, %div3A_241 : i32
    %jit3A_264 = arith.constant 8 : i32
    %eq3A_265 = arith.constant 0 : i32
    %eq3A_266 = arith.cmpi eq, %jit3A_264, %eq3A_265 : i32
    %jit3A_267 = arith.constant 1 : i32
    %select_n3A_268 = arith.select %eq3A_266, %jit3A_267, %jit3A_264 : i32
    %rem3A_269 = arith.remsi %add3A_239, %select_n3A_268 : i32
    %ne3A_270 = arith.constant 0 : i32
    %ne3A_271 = arith.cmpi ne, %rem3A_269, %ne3A_270 : i32
    %lt3A_272 = arith.constant 0 : i32
    %lt3A_273 = arith.cmpi slt, %rem3A_269, %lt3A_272 : i32
    %lt3A_274 = arith.constant 0 : i32
    %lt3A_275 = arith.cmpi slt, %select_n3A_268, %lt3A_274 : i32
    %ne3A_276 = arith.xori %lt3A_273, %lt3A_275 : i1
    %and3A_277 = arith.andi %ne3A_276, %ne3A_271 : i1
    %add3A_278 = arith.addi %rem3A_269, %select_n3A_268 : i32
    %select_n3A_279 = arith.select %and3A_277, %add3A_278, %rem3A_269 : i32
    %dma_start3A_280 = arith.constant 0 : i32
    %dma_start3A_281 = tpu.memref_slice %arg3[%select_n3A_263, %mul3A_11, %select_n3A_279, %dma_start3A_280] : memref<25x128x8x128xi32, #tpu.memory_space<hbm>> -> memref<1x32x1x128xi32, #tpu.memory_space<hbm>>
    %dma_start3A_282 = tpu.memref_squeeze %dma_start3A_281 : memref<1x32x1x128xi32, #tpu.memory_space<hbm>> -> memref<32x1x128xi32, #tpu.memory_space<hbm>>
    %dma_start3A_283 = arith.constant 0 : i32
    %dma_start3A_284 = tpu.memref_slice %arg3[%select_n3A_263, %mul3A_11, %select_n3A_279, %dma_start3A_283] : memref<25x128x8x128xi32, #tpu.memory_space<hbm>> -> memref<1x32x1x128xi32, #tpu.memory_space<hbm>>
    %dma_start3A_285 = tpu.memref_squeeze %dma_start3A_284 : memref<1x32x1x128xi32, #tpu.memory_space<hbm>> -> memref<32x1x128xi32, #tpu.memory_space<hbm>>
    tpu.enqueue_dma source(%dma_start3A_285 : memref<32x1x128xi32, #tpu.memory_space<hbm>>) target(%arg6 : memref<32x1x128xi32, #tpu.memory_space<vmem>>) target_semaphore(%arg10 : memref<!tpu.dma_semaphore, #tpu.memory_space<semaphore_mem>>)
    %scan3A = arith.constant 0 : i32
    %scan3A_286 = arith.constant 0 : i32
    %scan3A_287 = arith.constant 12 : i32
    %scan3A_288 = arith.addi %scan3A_286, %scan3A_287 : i32
    %scan3A_289 = arith.constant 1 : i32
    scf.for %scan3A_329 = %scan3A_286 to %scan3A_288 step %scan3A_289  : i32 {
      %mul3A_330 = arith.constant 2 : i32
      %mul3A_331 = arith.muli %mul3A_330, %scan3A_329 : i32
      %add3A_332 = arith.addi %mul3A_34, %mul3A_331 : i32
      %add3A_333 = arith.constant 1 : i32
      %add3A_334 = arith.addi %add3A_332, %add3A_333 : i32
      %dma_wait3A_335 = arith.constant 0 : i32
      %dma_wait3A_336 = arith.constant 0 : i32
      %dma_wait3A_337 = arith.constant 0 : i32
      %dma_wait3A_338 = tpu.memref_slice %arg3[%dma_wait3A_335, %mul3A_11, %dma_wait3A_336, %dma_wait3A_337] : memref<25x128x8x128xi32, #tpu.memory_space<hbm>> -> memref<1x32x1x128xi32, #tpu.memory_space<hbm>>
      %dma_wait3A_339 = tpu.memref_squeeze %dma_wait3A_338 : memref<1x32x1x128xi32, #tpu.memory_space<hbm>> -> memref<32x1x128xi32, #tpu.memory_space<hbm>>
      %dma_wait3A_340 = arith.constant 0 : i32
      %dma_wait3A_341 = arith.constant 0 : i32
      %dma_wait3A_342 = tpu.memref_slice %arg3[%dma_wait3A_335, %mul3A_11, %dma_wait3A_340, %dma_wait3A_341] : memref<25x128x8x128xi32, #tpu.memory_space<hbm>> -> memref<1x32x1x128xi32, #tpu.memory_space<hbm>>
      %dma_wait3A_343 = tpu.memref_squeeze %dma_wait3A_342 : memref<1x32x1x128xi32, #tpu.memory_space<hbm>> -> memref<32x1x128xi32, #tpu.memory_space<hbm>>
      tpu.wait_dma2 semaphore(%arg11 : memref<!tpu.dma_semaphore, #tpu.memory_space<semaphore_mem>>) src(%dma_wait3A_343 : memref<32x1x128xi32, #tpu.memory_space<hbm>>) dst(%arg7 : memref<32x1x128xi32, #tpu.memory_space<vmem>>)
      %dma_wait3A_344 = arith.constant 0 : i32
      %dma_wait3A_345 = arith.constant 0 : i32
      %dma_wait3A_346 = arith.constant 0 : i32
      %dma_wait3A_347 = arith.constant 0 : i32
      %dma_wait3A_348 = tpu.memref_slice %arg4[%dma_wait3A_344, %dma_wait3A_345, %mul3A_11, %dma_wait3A_346, %dma_wait3A_347] : memref<200x2x128x8x128xf32, #tpu.memory_space<hbm>> -> memref<1x1x32x8x128xf32, #tpu.memory_space<hbm>>
      %dma_wait3A_349 = tpu.memref_squeeze %dma_wait3A_348 : memref<1x1x32x8x128xf32, #tpu.memory_space<hbm>> -> memref<32x8x128xf32, #tpu.memory_space<hbm>>
      %dma_wait3A_350 = arith.constant 0 : i32
      %dma_wait3A_351 = arith.constant 0 : i32
      %dma_wait3A_352 = tpu.memref_slice %arg4[%dma_wait3A_344, %dma_wait3A_345, %mul3A_11, %dma_wait3A_350, %dma_wait3A_351] : memref<200x2x128x8x128xf32, #tpu.memory_space<hbm>> -> memref<1x1x32x8x128xf32, #tpu.memory_space<hbm>>
      %dma_wait3A_353 = tpu.memref_squeeze %dma_wait3A_352 : memref<1x1x32x8x128xf32, #tpu.memory_space<hbm>> -> memref<32x8x128xf32, #tpu.memory_space<hbm>>
      tpu.wait_dma2 semaphore(%arg12 : memref<!tpu.dma_semaphore, #tpu.memory_space<semaphore_mem>>) src(%arg8 : memref<32x8x128xf32, #tpu.memory_space<vmem>>) dst(%dma_wait3A_353 : memref<32x8x128xf32, #tpu.memory_space<hbm>>)
      %parallel_loop3A_354 = arith.constant 0 : i32
      %parallel_loop3A_355 = arith.constant 256 : i32
      %parallel_loop3A_356 = arith.constant 1 : i32
      scf.for %parallel_loop3A_549 = %parallel_loop3A_354 to %parallel_loop3A_355 step %parallel_loop3A_356  : i32 {
        %parallel_loop3A_550 = arith.constant 8 : i32
        %parallel_loop3A_551 = arith.divsi %parallel_loop3A_549, %parallel_loop3A_550 : i32
        %parallel_loop3A_552 = arith.constant 0 : i32
        %parallel_loop3A_553 = arith.cmpi sgt, %parallel_loop3A_549, %parallel_loop3A_552 : i32
        %parallel_loop3A_554 = arith.extui %parallel_loop3A_553 : i1 to i32
        %parallel_loop3A_555 = arith.constant 0 : i32
        %parallel_loop3A_556 = arith.cmpi slt, %parallel_loop3A_549, %parallel_loop3A_555 : i32
        %parallel_loop3A_557 = arith.extui %parallel_loop3A_556 : i1 to i32
        %parallel_loop3A_558 = arith.subi %parallel_loop3A_554, %parallel_loop3A_557 : i32
        %parallel_loop3A_559 = arith.constant 0 : i32
        %parallel_loop3A_560 = arith.cmpi sgt, %parallel_loop3A_550, %parallel_loop3A_559 : i32
        %parallel_loop3A_561 = arith.extui %parallel_loop3A_560 : i1 to i32
        %parallel_loop3A_562 = arith.constant 0 : i32
        %parallel_loop3A_563 = arith.cmpi slt, %parallel_loop3A_550, %parallel_loop3A_562 : i32
        %parallel_loop3A_564 = arith.extui %parallel_loop3A_563 : i1 to i32
        %parallel_loop3A_565 = arith.subi %parallel_loop3A_561, %parallel_loop3A_564 : i32
        %parallel_loop3A_566 = arith.cmpi ne, %parallel_loop3A_558, %parallel_loop3A_565 : i32
        %parallel_loop3A_567 = arith.remsi %parallel_loop3A_549, %parallel_loop3A_550 : i32
        %parallel_loop3A_568 = arith.constant 0 : i32
        %parallel_loop3A_569 = arith.cmpi ne, %parallel_loop3A_567, %parallel_loop3A_568 : i32
        %parallel_loop3A_570 = arith.andi %parallel_loop3A_566, %parallel_loop3A_569 : i1
        %parallel_loop3A_571 = arith.constant 1 : i32
        %parallel_loop3A_572 = arith.subi %parallel_loop3A_551, %parallel_loop3A_571 : i32
        %parallel_loop3A_573 = arith.select %parallel_loop3A_570, %parallel_loop3A_572, %parallel_loop3A_551 : i32
        %parallel_loop3A_574 = arith.constant 8 : i32
        %parallel_loop3A_575 = arith.constant 0 : i32
        %parallel_loop3A_576 = arith.cmpi eq, %parallel_loop3A_574, %parallel_loop3A_575 : i32
        %parallel_loop3A_577 = arith.constant 1 : i32
        %parallel_loop3A_578 = arith.select %parallel_loop3A_576, %parallel_loop3A_577, %parallel_loop3A_574 : i32
        %parallel_loop3A_579 = arith.remsi %parallel_loop3A_549, %parallel_loop3A_578 : i32
        %parallel_loop3A_580 = arith.constant 0 : i32
        %parallel_loop3A_581 = arith.cmpi ne, %parallel_loop3A_579, %parallel_loop3A_580 : i32
        %parallel_loop3A_582 = arith.constant 0 : i32
        %parallel_loop3A_583 = arith.cmpi slt, %parallel_loop3A_579, %parallel_loop3A_582 : i32
        %parallel_loop3A_584 = arith.constant 0 : i32
        %parallel_loop3A_585 = arith.cmpi slt, %parallel_loop3A_578, %parallel_loop3A_584 : i32
        %parallel_loop3A_586 = arith.xori %parallel_loop3A_583, %parallel_loop3A_585 : i1
        %parallel_loop3A_587 = arith.andi %parallel_loop3A_586, %parallel_loop3A_581 : i1
        %parallel_loop3A_588 = arith.addi %parallel_loop3A_579, %parallel_loop3A_578 : i32
        %parallel_loop3A_589 = arith.select %parallel_loop3A_587, %parallel_loop3A_588, %parallel_loop3A_579 : i32
        %parallel_loop3A_590 = arith.constant 16 : i32
        %parallel_loop3A_591 = arith.muli %parallel_loop3A_589, %parallel_loop3A_590 : i32
        %parallel_loop3A_592 = arith.constant 0 : i32
        %parallel_loop3A_593 = arith.index_cast %parallel_loop3A_573 : i32 to index
        %parallel_loop3A_594 = arith.index_cast %parallel_loop3A_592 : i32 to index
        %parallel_loop3A_595 = arith.index_cast %parallel_loop3A_591 : i32 to index
        %parallel_loop3A_596 = tpu.vector_load %arg7[%parallel_loop3A_593, %parallel_loop3A_594, %parallel_loop3A_595] {strides = array<i32>} : memref<32x1x128xi32, #tpu.memory_space<vmem>>, vector<1x1x16xi32>,
        %parallel_loop3A_597 = vector.shape_cast %parallel_loop3A_596 : vector<1x1x16xi32> to vector<16xi32>
        %parallel_loop3A_598 = vector.shape_cast %parallel_loop3A_597 : vector<16xi32> to vector<16x1xi32>
        %parallel_loop3A_599 = vector.shape_cast %parallel_loop3A_598 : vector<16x1xi32> to vector<16xi32>
        %parallel_loop3A_600 = tpu.dynamic_gather %get3A_38[%parallel_loop3A_599] in [0] : vector<16xf32>, vector<16xi32> -> vector<16xf32>
        %parallel_loop3A_601 = arith.constant 0 : i32
        %parallel_loop3A_602 = arith.index_cast %parallel_loop3A_573 : i32 to index
        %parallel_loop3A_603 = arith.index_cast %parallel_loop3A_601 : i32 to index
        %parallel_loop3A_604 = arith.index_cast %parallel_loop3A_591 : i32 to index
        %parallel_loop3A_605 = tpu.vector_load %arg8[%parallel_loop3A_602, %parallel_loop3A_603, %parallel_loop3A_604] {strides = array<i32>} : memref<32x8x128xf32, #tpu.memory_space<vmem>>, vector<1x1x16xf32>,
        %parallel_loop3A_606 = vector.shape_cast %parallel_loop3A_605 : vector<1x1x16xf32> to vector<16xf32>
        %parallel_loop3A_607 = vector.shape_cast %parallel_loop3A_600 : vector<16xf32> to vector<1x1x16xf32>
        tpu.vector_store %arg8[%parallel_loop3A_602, %parallel_loop3A_603, %parallel_loop3A_604], %parallel_loop3A_607 {strides = array<i32>} : memref<32x8x128xf32, #tpu.memory_space<vmem>>, vector<1x1x16xf32>,
        %parallel_loop3A_608 = vector.shape_cast %parallel_loop3A_597 : vector<16xi32> to vector<16x1xi32>
        %parallel_loop3A_609 = vector.shape_cast %parallel_loop3A_608 : vector<16x1xi32> to vector<16xi32>
        %parallel_loop3A_610 = tpu.dynamic_gather %get3A_43[%parallel_loop3A_609] in [0] : vector<16xf32>, vector<16xi32> -> vector<16xf32>
        %parallel_loop3A_611 = arith.constant 1 : i32
        %parallel_loop3A_612 = arith.index_cast %parallel_loop3A_573 : i32 to index
        %parallel_loop3A_613 = arith.index_cast %parallel_loop3A_611 : i32 to index
        %parallel_loop3A_614 = arith.index_cast %parallel_loop3A_591 : i32 to index
        %parallel_loop3A_615 = tpu.vector_load %arg8[%parallel_loop3A_612, %parallel_loop3A_613, %parallel_loop3A_614] {strides = array<i32>} : memref<32x8x128xf32, #tpu.memory_space<vmem>>, vector<1x1x16xf32>,
        %parallel_loop3A_616 = vector.shape_cast %parallel_loop3A_615 : vector<1x1x16xf32> to vector<16xf32>
        %parallel_loop3A_617 = vector.shape_cast %parallel_loop3A_610 : vector<16xf32> to vector<1x1x16xf32>
        tpu.vector_store %arg8[%parallel_loop3A_612, %parallel_loop3A_613, %parallel_loop3A_614], %parallel_loop3A_617 {strides = array<i32>} : memref<32x8x128xf32, #tpu.memory_space<vmem>>, vector<1x1x16xf32>,
        %parallel_loop3A_618 = vector.shape_cast %parallel_loop3A_597 : vector<16xi32> to vector<16x1xi32>
        %parallel_loop3A_619 = vector.shape_cast %parallel_loop3A_618 : vector<16x1xi32> to vector<16xi32>
        %parallel_loop3A_620 = tpu.dynamic_gather %get3A_48[%parallel_loop3A_619] in [0] : vector<16xf32>, vector<16xi32> -> vector<16xf32>
        %parallel_loop3A_621 = arith.constant 2 : i32
        %parallel_loop3A_622 = arith.index_cast %parallel_loop3A_573 : i32 to index
        %parallel_loop3A_623 = arith.index_cast %parallel_loop3A_621 : i32 to index
        %parallel_loop3A_624 = arith.index_cast %parallel_loop3A_591 : i32 to index
        %parallel_loop3A_625 = tpu.vector_load %arg8[%parallel_loop3A_622, %parallel_loop3A_623, %parallel_loop3A_624] {strides = array<i32>} : memref<32x8x128xf32, #tpu.memory_space<vmem>>, vector<1x1x16xf32>,
        %parallel_loop3A_626 = vector.shape_cast %parallel_loop3A_625 : vector<1x1x16xf32> to vector<16xf32>
        %parallel_loop3A_627 = vector.shape_cast %parallel_loop3A_620 : vector<16xf32> to vector<1x1x16xf32>
        tpu.vector_store %arg8[%parallel_loop3A_622, %parallel_loop3A_623, %parallel_loop3A_624], %parallel_loop3A_627 {strides = array<i32>} : memref<32x8x128xf32, #tpu.memory_space<vmem>>, vector<1x1x16xf32>,
        %parallel_loop3A_628 = vector.shape_cast %parallel_loop3A_597 : vector<16xi32> to vector<16x1xi32>
        %parallel_loop3A_629 = vector.shape_cast %parallel_loop3A_628 : vector<16x1xi32> to vector<16xi32>
        %parallel_loop3A_630 = tpu.dynamic_gather %get3A_53[%parallel_loop3A_629] in [0] : vector<16xf32>, vector<16xi32> -> vector<16xf32>
        %parallel_loop3A_631 = arith.constant 3 : i32
        %parallel_loop3A_632 = arith.index_cast %parallel_loop3A_573 : i32 to index
        %parallel_loop3A_633 = arith.index_cast %parallel_loop3A_631 : i32 to index
        %parallel_loop3A_634 = arith.index_cast %parallel_loop3A_591 : i32 to index
        %parallel_loop3A_635 = tpu.vector_load %arg8[%parallel_loop3A_632, %parallel_loop3A_633, %parallel_loop3A_634] {strides = array<i32>} : memref<32x8x128xf32, #tpu.memory_space<vmem>>, vector<1x1x16xf32>,
        %parallel_loop3A_636 = vector.shape_cast %parallel_loop3A_635 : vector<1x1x16xf32> to vector<16xf32>
        %parallel_loop3A_637 = vector.shape_cast %parallel_loop3A_630 : vector<16xf32> to vector<1x1x16xf32>
        tpu.vector_store %arg8[%parallel_loop3A_632, %parallel_loop3A_633, %parallel_loop3A_634], %parallel_loop3A_637 {strides = array<i32>} : memref<32x8x128xf32, #tpu.memory_space<vmem>>, vector<1x1x16xf32>,
        %parallel_loop3A_638 = vector.shape_cast %parallel_loop3A_597 : vector<16xi32> to vector<16x1xi32>
        %parallel_loop3A_639 = vector.shape_cast %parallel_loop3A_638 : vector<16x1xi32> to vector<16xi32>
        %parallel_loop3A_640 = tpu.dynamic_gather %get3A_58[%parallel_loop3A_639] in [0] : vector<16xf32>, vector<16xi32> -> vector<16xf32>
        %parallel_loop3A_641 = arith.constant 4 : i32
        %parallel_loop3A_642 = arith.index_cast %parallel_loop3A_573 : i32 to index
        %parallel_loop3A_643 = arith.index_cast %parallel_loop3A_641 : i32 to index
        %parallel_loop3A_644 = arith.index_cast %parallel_loop3A_591 : i32 to index
        %parallel_loop3A_645 = tpu.vector_load %arg8[%parallel_loop3A_642, %parallel_loop3A_643, %parallel_loop3A_644] {strides = array<i32>} : memref<32x8x128xf32, #tpu.memory_space<vmem>>, vector<1x1x16xf32>,
        %parallel_loop3A_646 = vector.shape_cast %parallel_loop3A_645 : vector<1x1x16xf32> to vector<16xf32>
        %parallel_loop3A_647 = vector.shape_cast %parallel_loop3A_640 : vector<16xf32> to vector<1x1x16xf32>
        tpu.vector_store %arg8[%parallel_loop3A_642, %parallel_loop3A_643, %parallel_loop3A_644], %parallel_loop3A_647 {strides = array<i32>} : memref<32x8x128xf32, #tpu.memory_space<vmem>>, vector<1x1x16xf32>,
        %parallel_loop3A_648 = vector.shape_cast %parallel_loop3A_597 : vector<16xi32> to vector<16x1xi32>
        %parallel_loop3A_649 = vector.shape_cast %parallel_loop3A_648 : vector<16x1xi32> to vector<16xi32>
        %parallel_loop3A_650 = tpu.dynamic_gather %get3A_63[%parallel_loop3A_649] in [0] : vector<16xf32>, vector<16xi32> -> vector<16xf32>
        %parallel_loop3A_651 = arith.constant 5 : i32
        %parallel_loop3A_652 = arith.index_cast %parallel_loop3A_573 : i32 to index
        %parallel_loop3A_653 = arith.index_cast %parallel_loop3A_651 : i32 to index
        %parallel_loop3A_654 = arith.index_cast %parallel_loop3A_591 : i32 to index
        %parallel_loop3A_655 = tpu.vector_load %arg8[%parallel_loop3A_652, %parallel_loop3A_653, %parallel_loop3A_654] {strides = array<i32>} : memref<32x8x128xf32, #tpu.memory_space<vmem>>, vector<1x1x16xf32>,
        %parallel_loop3A_656 = vector.shape_cast %parallel_loop3A_655 : vector<1x1x16xf32> to vector<16xf32>
        %parallel_loop3A_657 = vector.shape_cast %parallel_loop3A_650 : vector<16xf32> to vector<1x1x16xf32>
        tpu.vector_store %arg8[%parallel_loop3A_652, %parallel_loop3A_653, %parallel_loop3A_654], %parallel_loop3A_657 {strides = array<i32>} : memref<32x8x128xf32, #tpu.memory_space<vmem>>, vector<1x1x16xf32>,
        %parallel_loop3A_658 = vector.shape_cast %parallel_loop3A_597 : vector<16xi32> to vector<16x1xi32>
        %parallel_loop3A_659 = vector.shape_cast %parallel_loop3A_658 : vector<16x1xi32> to vector<16xi32>
        %parallel_loop3A_660 = tpu.dynamic_gather %get3A_68[%parallel_loop3A_659] in [0] : vector<16xf32>, vector<16xi32> -> vector<16xf32>
        %parallel_loop3A_661 = arith.constant 6 : i32
        %parallel_loop3A_662 = arith.index_cast %parallel_loop3A_573 : i32 to index
        %parallel_loop3A_663 = arith.index_cast %parallel_loop3A_661 : i32 to index
        %parallel_loop3A_664 = arith.index_cast %parallel_loop3A_591 : i32 to index
        %parallel_loop3A_665 = tpu.vector_load %arg8[%parallel_loop3A_662, %parallel_loop3A_663, %parallel_loop3A_664] {strides = array<i32>} : memref<32x8x128xf32, #tpu.memory_space<vmem>>, vector<1x1x16xf32>,
        %parallel_loop3A_666 = vector.shape_cast %parallel_loop3A_665 : vector<1x1x16xf32> to vector<16xf32>
        %parallel_loop3A_667 = vector.shape_cast %parallel_loop3A_660 : vector<16xf32> to vector<1x1x16xf32>
        tpu.vector_store %arg8[%parallel_loop3A_662, %parallel_loop3A_663, %parallel_loop3A_664], %parallel_loop3A_667 {strides = array<i32>} : memref<32x8x128xf32, #tpu.memory_space<vmem>>, vector<1x1x16xf32>,
        %parallel_loop3A_668 = vector.shape_cast %parallel_loop3A_597 : vector<16xi32> to vector<16x1xi32>
        %parallel_loop3A_669 = vector.shape_cast %parallel_loop3A_668 : vector<16x1xi32> to vector<16xi32>
        %parallel_loop3A_670 = tpu.dynamic_gather %get3A_73[%parallel_loop3A_669] in [0] : vector<16xf32>, vector<16xi32> -> vector<16xf32>
        %parallel_loop3A_671 = arith.constant 7 : i32
        %parallel_loop3A_672 = arith.index_cast %parallel_loop3A_573 : i32 to index
        %parallel_loop3A_673 = arith.index_cast %parallel_loop3A_671 : i32 to index
        %parallel_loop3A_674 = arith.index_cast %parallel_loop3A_591 : i32 to index
        %parallel_loop3A_675 = tpu.vector_load %arg8[%parallel_loop3A_672, %parallel_loop3A_673, %parallel_loop3A_674] {strides = array<i32>} : memref<32x8x128xf32, #tpu.memory_space<vmem>>, vector<1x1x16xf32>,
        %parallel_loop3A_676 = vector.shape_cast %parallel_loop3A_675 : vector<1x1x16xf32> to vector<16xf32>
        %parallel_loop3A_677 = vector.shape_cast %parallel_loop3A_670 : vector<16xf32> to vector<1x1x16xf32>
        tpu.vector_store %arg8[%parallel_loop3A_672, %parallel_loop3A_673, %parallel_loop3A_674], %parallel_loop3A_677 {strides = array<i32>} : memref<32x8x128xf32, #tpu.memory_space<vmem>>, vector<1x1x16xf32>,
      } {sc.loop_unroll_factor = 8 : i64, sc.parallel_access}
      %dma_start3A_357 = arith.constant 0 : i32
      %dma_start3A_358 = arith.constant 0 : i32
      %dma_start3A_359 = arith.constant 0 : i32
      %dma_start3A_360 = tpu.memref_slice %arg4[%add3A_334, %dma_start3A_357, %mul3A_11, %dma_start3A_358, %dma_start3A_359] : memref<200x2x128x8x128xf32, #tpu.memory_space<hbm>> -> memref<1x1x32x8x128xf32, #tpu.memory_space<hbm>>
      %dma_start3A_361 = tpu.memref_squeeze %dma_start3A_360 : memref<1x1x32x8x128xf32, #tpu.memory_space<hbm>> -> memref<32x8x128xf32, #tpu.memory_space<hbm>>
      %dma_start3A_362 = arith.constant 0 : i32
      %dma_start3A_363 = arith.constant 0 : i32
      %dma_start3A_364 = tpu.memref_slice %arg4[%add3A_334, %dma_start3A_357, %mul3A_11, %dma_start3A_362, %dma_start3A_363] : memref<200x2x128x8x128xf32, #tpu.memory_space<hbm>> -> memref<1x1x32x8x128xf32, #tpu.memory_space<hbm>>
      %dma_start3A_365 = tpu.memref_squeeze %dma_start3A_364 : memref<1x1x32x8x128xf32, #tpu.memory_space<hbm>> -> memref<32x8x128xf32, #tpu.memory_space<hbm>>
      tpu.enqueue_dma source(%arg8 : memref<32x8x128xf32, #tpu.memory_space<vmem>>) target(%dma_start3A_365 : memref<32x8x128xf32, #tpu.memory_space<hbm>>) target_semaphore(%arg12 : memref<!tpu.dma_semaphore, #tpu.memory_space<semaphore_mem>>)
      %dma_wait3A_366 = arith.constant 0 : i32
      %dma_wait3A_367 = arith.constant 0 : i32
      %dma_wait3A_368 = arith.constant 0 : i32
      %dma_wait3A_369 = arith.constant 0 : i32
      %dma_wait3A_370 = tpu.memref_slice %arg4[%dma_wait3A_366, %dma_wait3A_367, %mul3A_11, %dma_wait3A_368, %dma_wait3A_369] : memref<200x2x128x8x128xf32, #tpu.memory_space<hbm>> -> memref<1x1x32x8x128xf32, #tpu.memory_space<hbm>>
      %dma_wait3A_371 = tpu.memref_squeeze %dma_wait3A_370 : memref<1x1x32x8x128xf32, #tpu.memory_space<hbm>> -> memref<32x8x128xf32, #tpu.memory_space<hbm>>
      %dma_wait3A_372 = arith.constant 0 : i32
      %dma_wait3A_373 = arith.constant 0 : i32
      %dma_wait3A_374 = tpu.memref_slice %arg4[%dma_wait3A_366, %dma_wait3A_367, %mul3A_11, %dma_wait3A_372, %dma_wait3A_373] : memref<200x2x128x8x128xf32, #tpu.memory_space<hbm>> -> memref<1x1x32x8x128xf32, #tpu.memory_space<hbm>>
      %dma_wait3A_375 = tpu.memref_squeeze %dma_wait3A_374 : memref<1x1x32x8x128xf32, #tpu.memory_space<hbm>> -> memref<32x8x128xf32, #tpu.memory_space<hbm>>
      tpu.wait_dma2 semaphore(%arg13 : memref<!tpu.dma_semaphore, #tpu.memory_space<semaphore_mem>>) src(%arg9 : memref<32x8x128xf32, #tpu.memory_space<vmem>>) dst(%dma_wait3A_375 : memref<32x8x128xf32, #tpu.memory_space<hbm>>)
      %parallel_loop3A_376 = arith.constant 0 : i32
      %parallel_loop3A_377 = arith.constant 256 : i32
      %parallel_loop3A_378 = arith.constant 1 : i32
      scf.for %parallel_loop3A_549 = %parallel_loop3A_376 to %parallel_loop3A_377 step %parallel_loop3A_378  : i32 {
        %parallel_loop3A_550 = arith.constant 8 : i32
        %parallel_loop3A_551 = arith.divsi %parallel_loop3A_549, %parallel_loop3A_550 : i32
        %parallel_loop3A_552 = arith.constant 0 : i32
        %parallel_loop3A_553 = arith.cmpi sgt, %parallel_loop3A_549, %parallel_loop3A_552 : i32
        %parallel_loop3A_554 = arith.extui %parallel_loop3A_553 : i1 to i32
        %parallel_loop3A_555 = arith.constant 0 : i32
        %parallel_loop3A_556 = arith.cmpi slt, %parallel_loop3A_549, %parallel_loop3A_555 : i32
        %parallel_loop3A_557 = arith.extui %parallel_loop3A_556 : i1 to i32
        %parallel_loop3A_558 = arith.subi %parallel_loop3A_554, %parallel_loop3A_557 : i32
        %parallel_loop3A_559 = arith.constant 0 : i32
        %parallel_loop3A_560 = arith.cmpi sgt, %parallel_loop3A_550, %parallel_loop3A_559 : i32
        %parallel_loop3A_561 = arith.extui %parallel_loop3A_560 : i1 to i32
        %parallel_loop3A_562 = arith.constant 0 : i32
        %parallel_loop3A_563 = arith.cmpi slt, %parallel_loop3A_550, %parallel_loop3A_562 : i32
        %parallel_loop3A_564 = arith.extui %parallel_loop3A_563 : i1 to i32
        %parallel_loop3A_565 = arith.subi %parallel_loop3A_561, %parallel_loop3A_564 : i32
        %parallel_loop3A_566 = arith.cmpi ne, %parallel_loop3A_558, %parallel_loop3A_565 : i32
        %parallel_loop3A_567 = arith.remsi %parallel_loop3A_549, %parallel_loop3A_550 : i32
        %parallel_loop3A_568 = arith.constant 0 : i32
        %parallel_loop3A_569 = arith.cmpi ne, %parallel_loop3A_567, %parallel_loop3A_568 : i32
        %parallel_loop3A_570 = arith.andi %parallel_loop3A_566, %parallel_loop3A_569 : i1
        %parallel_loop3A_571 = arith.constant 1 : i32
        %parallel_loop3A_572 = arith.subi %parallel_loop3A_551, %parallel_loop3A_571 : i32
        %parallel_loop3A_573 = arith.select %parallel_loop3A_570, %parallel_loop3A_572, %parallel_loop3A_551 : i32
        %parallel_loop3A_574 = arith.constant 8 : i32
        %parallel_loop3A_575 = arith.constant 0 : i32
        %parallel_loop3A_576 = arith.cmpi eq, %parallel_loop3A_574, %parallel_loop3A_575 : i32
        %parallel_loop3A_577 = arith.constant 1 : i32
        %parallel_loop3A_578 = arith.select %parallel_loop3A_576, %parallel_loop3A_577, %parallel_loop3A_574 : i32
        %parallel_loop3A_579 = arith.remsi %parallel_loop3A_549, %parallel_loop3A_578 : i32
        %parallel_loop3A_580 = arith.constant 0 : i32
        %parallel_loop3A_581 = arith.cmpi ne, %parallel_loop3A_579, %parallel_loop3A_580 : i32
        %parallel_loop3A_582 = arith.constant 0 : i32
        %parallel_loop3A_583 = arith.cmpi slt, %parallel_loop3A_579, %parallel_loop3A_582 : i32
        %parallel_loop3A_584 = arith.constant 0 : i32
        %parallel_loop3A_585 = arith.cmpi slt, %parallel_loop3A_578, %parallel_loop3A_584 : i32
        %parallel_loop3A_586 = arith.xori %parallel_loop3A_583, %parallel_loop3A_585 : i1
        %parallel_loop3A_587 = arith.andi %parallel_loop3A_586, %parallel_loop3A_581 : i1
        %parallel_loop3A_588 = arith.addi %parallel_loop3A_579, %parallel_loop3A_578 : i32
        %parallel_loop3A_589 = arith.select %parallel_loop3A_587, %parallel_loop3A_588, %parallel_loop3A_579 : i32
        %parallel_loop3A_590 = arith.constant 16 : i32
        %parallel_loop3A_591 = arith.muli %parallel_loop3A_589, %parallel_loop3A_590 : i32
        %parallel_loop3A_592 = arith.constant 0 : i32
        %parallel_loop3A_593 = arith.index_cast %parallel_loop3A_573 : i32 to index
        %parallel_loop3A_594 = arith.index_cast %parallel_loop3A_592 : i32 to index
        %parallel_loop3A_595 = arith.index_cast %parallel_loop3A_591 : i32 to index
        %parallel_loop3A_596 = tpu.vector_load %arg7[%parallel_loop3A_593, %parallel_loop3A_594, %parallel_loop3A_595] {strides = array<i32>} : memref<32x1x128xi32, #tpu.memory_space<vmem>>, vector<1x1x16xi32>,
        %parallel_loop3A_597 = vector.shape_cast %parallel_loop3A_596 : vector<1x1x16xi32> to vector<16xi32>
        %parallel_loop3A_598 = vector.shape_cast %parallel_loop3A_597 : vector<16xi32> to vector<16x1xi32>
        %parallel_loop3A_599 = vector.shape_cast %parallel_loop3A_598 : vector<16x1xi32> to vector<16xi32>
        %parallel_loop3A_600 = tpu.dynamic_gather %get3A_78[%parallel_loop3A_599] in [0] : vector<16xf32>, vector<16xi32> -> vector<16xf32>
        %parallel_loop3A_601 = arith.constant 0 : i32
        %parallel_loop3A_602 = arith.index_cast %parallel_loop3A_573 : i32 to index
        %parallel_loop3A_603 = arith.index_cast %parallel_loop3A_601 : i32 to index
        %parallel_loop3A_604 = arith.index_cast %parallel_loop3A_591 : i32 to index
        %parallel_loop3A_605 = tpu.vector_load %arg9[%parallel_loop3A_602, %parallel_loop3A_603, %parallel_loop3A_604] {strides = array<i32>} : memref<32x8x128xf32, #tpu.memory_space<vmem>>, vector<1x1x16xf32>,
        %parallel_loop3A_606 = vector.shape_cast %parallel_loop3A_605 : vector<1x1x16xf32> to vector<16xf32>
        %parallel_loop3A_607 = vector.shape_cast %parallel_loop3A_600 : vector<16xf32> to vector<1x1x16xf32>
        tpu.vector_store %arg9[%parallel_loop3A_602, %parallel_loop3A_603, %parallel_loop3A_604], %parallel_loop3A_607 {strides = array<i32>} : memref<32x8x128xf32, #tpu.memory_space<vmem>>, vector<1x1x16xf32>,
        %parallel_loop3A_608 = vector.shape_cast %parallel_loop3A_597 : vector<16xi32> to vector<16x1xi32>
        %parallel_loop3A_609 = vector.shape_cast %parallel_loop3A_608 : vector<16x1xi32> to vector<16xi32>
        %parallel_loop3A_610 = tpu.dynamic_gather %get3A_83[%parallel_loop3A_609] in [0] : vector<16xf32>, vector<16xi32> -> vector<16xf32>
        %parallel_loop3A_611 = arith.constant 1 : i32
        %parallel_loop3A_612 = arith.index_cast %parallel_loop3A_573 : i32 to index
        %parallel_loop3A_613 = arith.index_cast %parallel_loop3A_611 : i32 to index
        %parallel_loop3A_614 = arith.index_cast %parallel_loop3A_591 : i32 to index
        %parallel_loop3A_615 = tpu.vector_load %arg9[%parallel_loop3A_612, %parallel_loop3A_613, %parallel_loop3A_614] {strides = array<i32>} : memref<32x8x128xf32, #tpu.memory_space<vmem>>, vector<1x1x16xf32>,
        %parallel_loop3A_616 = vector.shape_cast %parallel_loop3A_615 : vector<1x1x16xf32> to vector<16xf32>
        %parallel_loop3A_617 = vector.shape_cast %parallel_loop3A_610 : vector<16xf32> to vector<1x1x16xf32>
        tpu.vector_store %arg9[%parallel_loop3A_612, %parallel_loop3A_613, %parallel_loop3A_614], %parallel_loop3A_617 {strides = array<i32>} : memref<32x8x128xf32, #tpu.memory_space<vmem>>, vector<1x1x16xf32>,
        %parallel_loop3A_618 = vector.shape_cast %parallel_loop3A_597 : vector<16xi32> to vector<16x1xi32>
        %parallel_loop3A_619 = vector.shape_cast %parallel_loop3A_618 : vector<16x1xi32> to vector<16xi32>
        %parallel_loop3A_620 = tpu.dynamic_gather %get3A_88[%parallel_loop3A_619] in [0] : vector<16xf32>, vector<16xi32> -> vector<16xf32>
        %parallel_loop3A_621 = arith.constant 2 : i32
        %parallel_loop3A_622 = arith.index_cast %parallel_loop3A_573 : i32 to index
        %parallel_loop3A_623 = arith.index_cast %parallel_loop3A_621 : i32 to index
        %parallel_loop3A_624 = arith.index_cast %parallel_loop3A_591 : i32 to index
        %parallel_loop3A_625 = tpu.vector_load %arg9[%parallel_loop3A_622, %parallel_loop3A_623, %parallel_loop3A_624] {strides = array<i32>} : memref<32x8x128xf32, #tpu.memory_space<vmem>>, vector<1x1x16xf32>,
        %parallel_loop3A_626 = vector.shape_cast %parallel_loop3A_625 : vector<1x1x16xf32> to vector<16xf32>
        %parallel_loop3A_627 = vector.shape_cast %parallel_loop3A_620 : vector<16xf32> to vector<1x1x16xf32>
        tpu.vector_store %arg9[%parallel_loop3A_622, %parallel_loop3A_623, %parallel_loop3A_624], %parallel_loop3A_627 {strides = array<i32>} : memref<32x8x128xf32, #tpu.memory_space<vmem>>, vector<1x1x16xf32>,
        %parallel_loop3A_628 = vector.shape_cast %parallel_loop3A_597 : vector<16xi32> to vector<16x1xi32>
        %parallel_loop3A_629 = vector.shape_cast %parallel_loop3A_628 : vector<16x1xi32> to vector<16xi32>
        %parallel_loop3A_630 = tpu.dynamic_gather %get3A_93[%parallel_loop3A_629] in [0] : vector<16xf32>, vector<16xi32> -> vector<16xf32>
        %parallel_loop3A_631 = arith.constant 3 : i32
        %parallel_loop3A_632 = arith.index_cast %parallel_loop3A_573 : i32 to index
        %parallel_loop3A_633 = arith.index_cast %parallel_loop3A_631 : i32 to index
        %parallel_loop3A_634 = arith.index_cast %parallel_loop3A_591 : i32 to index
        %parallel_loop3A_635 = tpu.vector_load %arg9[%parallel_loop3A_632, %parallel_loop3A_633, %parallel_loop3A_634] {strides = array<i32>} : memref<32x8x128xf32, #tpu.memory_space<vmem>>, vector<1x1x16xf32>,
        %parallel_loop3A_636 = vector.shape_cast %parallel_loop3A_635 : vector<1x1x16xf32> to vector<16xf32>
        %parallel_loop3A_637 = vector.shape_cast %parallel_loop3A_630 : vector<16xf32> to vector<1x1x16xf32>
        tpu.vector_store %arg9[%parallel_loop3A_632, %parallel_loop3A_633, %parallel_loop3A_634], %parallel_loop3A_637 {strides = array<i32>} : memref<32x8x128xf32, #tpu.memory_space<vmem>>, vector<1x1x16xf32>,
        %parallel_loop3A_638 = vector.shape_cast %parallel_loop3A_597 : vector<16xi32> to vector<16x1xi32>
        %parallel_loop3A_639 = vector.shape_cast %parallel_loop3A_638 : vector<16x1xi32> to vector<16xi32>
        %parallel_loop3A_640 = tpu.dynamic_gather %get3A_98[%parallel_loop3A_639] in [0] : vector<16xf32>, vector<16xi32> -> vector<16xf32>
        %parallel_loop3A_641 = arith.constant 4 : i32
        %parallel_loop3A_642 = arith.index_cast %parallel_loop3A_573 : i32 to index
        %parallel_loop3A_643 = arith.index_cast %parallel_loop3A_641 : i32 to index
        %parallel_loop3A_644 = arith.index_cast %parallel_loop3A_591 : i32 to index
        %parallel_loop3A_645 = tpu.vector_load %arg9[%parallel_loop3A_642, %parallel_loop3A_643, %parallel_loop3A_644] {strides = array<i32>} : memref<32x8x128xf32, #tpu.memory_space<vmem>>, vector<1x1x16xf32>,
        %parallel_loop3A_646 = vector.shape_cast %parallel_loop3A_645 : vector<1x1x16xf32> to vector<16xf32>
        %parallel_loop3A_647 = vector.shape_cast %parallel_loop3A_640 : vector<16xf32> to vector<1x1x16xf32>
        tpu.vector_store %arg9[%parallel_loop3A_642, %parallel_loop3A_643, %parallel_loop3A_644], %parallel_loop3A_647 {strides = array<i32>} : memref<32x8x128xf32, #tpu.memory_space<vmem>>, vector<1x1x16xf32>,
        %parallel_loop3A_648 = vector.shape_cast %parallel_loop3A_597 : vector<16xi32> to vector<16x1xi32>
        %parallel_loop3A_649 = vector.shape_cast %parallel_loop3A_648 : vector<16x1xi32> to vector<16xi32>
        %parallel_loop3A_650 = tpu.dynamic_gather %get3A_103[%parallel_loop3A_649] in [0] : vector<16xf32>, vector<16xi32> -> vector<16xf32>
        %parallel_loop3A_651 = arith.constant 5 : i32
        %parallel_loop3A_652 = arith.index_cast %parallel_loop3A_573 : i32 to index
        %parallel_loop3A_653 = arith.index_cast %parallel_loop3A_651 : i32 to index
        %parallel_loop3A_654 = arith.index_cast %parallel_loop3A_591 : i32 to index
        %parallel_loop3A_655 = tpu.vector_load %arg9[%parallel_loop3A_652, %parallel_loop3A_653, %parallel_loop3A_654] {strides = array<i32>} : memref<32x8x128xf32, #tpu.memory_space<vmem>>, vector<1x1x16xf32>,
        %parallel_loop3A_656 = vector.shape_cast %parallel_loop3A_655 : vector<1x1x16xf32> to vector<16xf32>
        %parallel_loop3A_657 = vector.shape_cast %parallel_loop3A_650 : vector<16xf32> to vector<1x1x16xf32>
        tpu.vector_store %arg9[%parallel_loop3A_652, %parallel_loop3A_653, %parallel_loop3A_654], %parallel_loop3A_657 {strides = array<i32>} : memref<32x8x128xf32, #tpu.memory_space<vmem>>, vector<1x1x16xf32>,
        %parallel_loop3A_658 = vector.shape_cast %parallel_loop3A_597 : vector<16xi32> to vector<16x1xi32>
        %parallel_loop3A_659 = vector.shape_cast %parallel_loop3A_658 : vector<16x1xi32> to vector<16xi32>
        %parallel_loop3A_660 = tpu.dynamic_gather %get3A_108[%parallel_loop3A_659] in [0] : vector<16xf32>, vector<16xi32> -> vector<16xf32>
        %parallel_loop3A_661 = arith.constant 6 : i32
        %parallel_loop3A_662 = arith.index_cast %parallel_loop3A_573 : i32 to index
        %parallel_loop3A_663 = arith.index_cast %parallel_loop3A_661 : i32 to index
        %parallel_loop3A_664 = arith.index_cast %parallel_loop3A_591 : i32 to index
        %parallel_loop3A_665 = tpu.vector_load %arg9[%parallel_loop3A_662, %parallel_loop3A_663, %parallel_loop3A_664] {strides = array<i32>} : memref<32x8x128xf32, #tpu.memory_space<vmem>>, vector<1x1x16xf32>,
        %parallel_loop3A_666 = vector.shape_cast %parallel_loop3A_665 : vector<1x1x16xf32> to vector<16xf32>
        %parallel_loop3A_667 = vector.shape_cast %parallel_loop3A_660 : vector<16xf32> to vector<1x1x16xf32>
        tpu.vector_store %arg9[%parallel_loop3A_662, %parallel_loop3A_663, %parallel_loop3A_664], %parallel_loop3A_667 {strides = array<i32>} : memref<32x8x128xf32, #tpu.memory_space<vmem>>, vector<1x1x16xf32>,
        %parallel_loop3A_668 = vector.shape_cast %parallel_loop3A_597 : vector<16xi32> to vector<16x1xi32>
        %parallel_loop3A_669 = vector.shape_cast %parallel_loop3A_668 : vector<16x1xi32> to vector<16xi32>
        %parallel_loop3A_670 = tpu.dynamic_gather %get3A_113[%parallel_loop3A_669] in [0] : vector<16xf32>, vector<16xi32> -> vector<16xf32>
        %parallel_loop3A_671 = arith.constant 7 : i32
        %parallel_loop3A_672 = arith.index_cast %parallel_loop3A_573 : i32 to index
        %parallel_loop3A_673 = arith.index_cast %parallel_loop3A_671 : i32 to index
        %parallel_loop3A_674 = arith.index_cast %parallel_loop3A_591 : i32 to index
        %parallel_loop3A_675 = tpu.vector_load %arg9[%parallel_loop3A_672, %parallel_loop3A_673, %parallel_loop3A_674] {strides = array<i32>} : memref<32x8x128xf32, #tpu.memory_space<vmem>>, vector<1x1x16xf32>,
        %parallel_loop3A_676 = vector.shape_cast %parallel_loop3A_675 : vector<1x1x16xf32> to vector<16xf32>
        %parallel_loop3A_677 = vector.shape_cast %parallel_loop3A_670 : vector<16xf32> to vector<1x1x16xf32>
        tpu.vector_store %arg9[%parallel_loop3A_672, %parallel_loop3A_673, %parallel_loop3A_674], %parallel_loop3A_677 {strides = array<i32>} : memref<32x8x128xf32, #tpu.memory_space<vmem>>, vector<1x1x16xf32>,
      } {sc.loop_unroll_factor = 8 : i64, sc.parallel_access}
      %dma_start3A_379 = arith.constant 1 : i32
      %dma_start3A_380 = arith.constant 0 : i32
      %dma_start3A_381 = arith.constant 0 : i32
      %dma_start3A_382 = tpu.memref_slice %arg4[%add3A_334, %dma_start3A_379, %mul3A_11, %dma_start3A_380, %dma_start3A_381] : memref<200x2x128x8x128xf32, #tpu.memory_space<hbm>> -> memref<1x1x32x8x128xf32, #tpu.memory_space<hbm>>
      %dma_start3A_383 = tpu.memref_squeeze %dma_start3A_382 : memref<1x1x32x8x128xf32, #tpu.memory_space<hbm>> -> memref<32x8x128xf32, #tpu.memory_space<hbm>>
      %dma_start3A_384 = arith.constant 0 : i32
      %dma_start3A_385 = arith.constant 0 : i32
      %dma_start3A_386 = tpu.memref_slice %arg4[%add3A_334, %dma_start3A_379, %mul3A_11, %dma_start3A_384, %dma_start3A_385] : memref<200x2x128x8x128xf32, #tpu.memory_space<hbm>> -> memref<1x1x32x8x128xf32, #tpu.memory_space<hbm>>
      %dma_start3A_387 = tpu.memref_squeeze %dma_start3A_386 : memref<1x1x32x8x128xf32, #tpu.memory_space<hbm>> -> memref<32x8x128xf32, #tpu.memory_space<hbm>>
      tpu.enqueue_dma source(%arg9 : memref<32x8x128xf32, #tpu.memory_space<vmem>>) target(%dma_start3A_387 : memref<32x8x128xf32, #tpu.memory_space<hbm>>) target_semaphore(%arg13 : memref<!tpu.dma_semaphore, #tpu.memory_space<semaphore_mem>>)
      %mul3A_388 = arith.constant 2 : i32
      %mul3A_389 = arith.muli %mul3A_388, %scan3A_329 : i32
      %add3A_390 = arith.constant 3 : i32
      %add3A_391 = arith.addi %mul3A_389, %add3A_390 : i32
      %rem3A_392 = arith.constant 25 : i32
      %rem3A_393 = arith.remsi %add3A_391, %rem3A_392 : i32
      %add3A_394 = arith.addi %mul3A_34, %rem3A_393 : i32
      %jit3A_395 = arith.constant 8 : i32
      %div3A_396 = arith.divsi %add3A_394, %jit3A_395 : i32
      %sign3A_397 = arith.constant 0 : i32
      %sign3A_398 = arith.cmpi sgt, %add3A_394, %sign3A_397 : i32
      %sign3A_399 = arith.extui %sign3A_398 : i1 to i32
      %sign3A_400 = arith.constant 0 : i32
      %sign3A_401 = arith.cmpi slt, %add3A_394, %sign3A_400 : i32
      %sign3A_402 = arith.extui %sign3A_401 : i1 to i32
      %sign3A_403 = arith.subi %sign3A_399, %sign3A_402 : i32
      %sign3A_404 = arith.constant 0 : i32
      %sign3A_405 = arith.cmpi sgt, %jit3A_395, %sign3A_404 : i32
      %sign3A_406 = arith.extui %sign3A_405 : i1 to i32
      %sign3A_407 = arith.constant 0 : i32
      %sign3A_408 = arith.cmpi slt, %jit3A_395, %sign3A_407 : i32
      %sign3A_409 = arith.extui %sign3A_408 : i1 to i32
      %sign3A_410 = arith.subi %sign3A_406, %sign3A_409 : i32
      %ne3A_411 = arith.cmpi ne, %sign3A_403, %sign3A_410 : i32
      %rem3A_412 = arith.remsi %add3A_394, %jit3A_395 : i32
      %ne3A_413 = arith.constant 0 : i32
      %ne3A_414 = arith.cmpi ne, %rem3A_412, %ne3A_413 : i32
      %and3A_415 = arith.andi %ne3A_411, %ne3A_414 : i1
      %sub3A_416 = arith.constant 1 : i32
      %sub3A_417 = arith.subi %div3A_396, %sub3A_416 : i32
      %select_n3A_418 = arith.select %and3A_415, %sub3A_417, %div3A_396 : i32
      %jit3A_419 = arith.constant 8 : i32
      %eq3A_420 = arith.constant 0 : i32
      %eq3A_421 = arith.cmpi eq, %jit3A_419, %eq3A_420 : i32
      %jit3A_422 = arith.constant 1 : i32
      %select_n3A_423 = arith.select %eq3A_421, %jit3A_422, %jit3A_419 : i32
      %rem3A_424 = arith.remsi %add3A_394, %select_n3A_423 : i32
      %ne3A_425 = arith.constant 0 : i32
      %ne3A_426 = arith.cmpi ne, %rem3A_424, %ne3A_425 : i32
      %lt3A_427 = arith.constant 0 : i32
      %lt3A_428 = arith.cmpi slt, %rem3A_424, %lt3A_427 : i32
      %lt3A_429 = arith.constant 0 : i32
      %lt3A_430 = arith.cmpi slt, %select_n3A_423, %lt3A_429 : i32
      %ne3A_431 = arith.xori %lt3A_428, %lt3A_430 : i1
      %and3A_432 = arith.andi %ne3A_431, %ne3A_426 : i1
      %add3A_433 = arith.addi %rem3A_424, %select_n3A_423 : i32
      %select_n3A_434 = arith.select %and3A_432, %add3A_433, %rem3A_424 : i32
      %dma_start3A_435 = arith.constant 0 : i32
      %dma_start3A_436 = tpu.memref_slice %arg3[%select_n3A_418, %mul3A_11, %select_n3A_434, %dma_start3A_435] : memref<25x128x8x128xi32, #tpu.memory_space<hbm>> -> memref<1x32x1x128xi32, #tpu.memory_space<hbm>>
      %dma_start3A_437 = tpu.memref_squeeze %dma_start3A_436 : memref<1x32x1x128xi32, #tpu.memory_space<hbm>> -> memref<32x1x128xi32, #tpu.memory_space<hbm>>
      %dma_start3A_438 = arith.constant 0 : i32
      %dma_start3A_439 = tpu.memref_slice %arg3[%select_n3A_418, %mul3A_11, %select_n3A_434, %dma_start3A_438] : memref<25x128x8x128xi32, #tpu.memory_space<hbm>> -> memref<1x32x1x128xi32, #tpu.memory_space<hbm>>
      %dma_start3A_440 = tpu.memref_squeeze %dma_start3A_439 : memref<1x32x1x128xi32, #tpu.memory_space<hbm>> -> memref<32x1x128xi32, #tpu.memory_space<hbm>>
      tpu.enqueue_dma source(%dma_start3A_440 : memref<32x1x128xi32, #tpu.memory_space<hbm>>) target(%arg7 : memref<32x1x128xi32, #tpu.memory_space<vmem>>) target_semaphore(%arg11 : memref<!tpu.dma_semaphore, #tpu.memory_space<semaphore_mem>>)
      %dma_wait3A_441 = arith.constant 0 : i32
      %dma_wait3A_442 = arith.constant 0 : i32
      %dma_wait3A_443 = arith.constant 0 : i32
      %dma_wait3A_444 = tpu.memref_slice %arg3[%dma_wait3A_441, %mul3A_11, %dma_wait3A_442, %dma_wait3A_443] : memref<25x128x8x128xi32, #tpu.memory_space<hbm>> -> memref<1x32x1x128xi32, #tpu.memory_space<hbm>>
      %dma_wait3A_445 = tpu.memref_squeeze %dma_wait3A_444 : memref<1x32x1x128xi32, #tpu.memory_space<hbm>> -> memref<32x1x128xi32, #tpu.memory_space<hbm>>
      %dma_wait3A_446 = arith.constant 0 : i32
      %dma_wait3A_447 = arith.constant 0 : i32
      %dma_wait3A_448 = tpu.memref_slice %arg3[%dma_wait3A_441, %mul3A_11, %dma_wait3A_446, %dma_wait3A_447] : memref<25x128x8x128xi32, #tpu.memory_space<hbm>> -> memref<1x32x1x128xi32, #tpu.memory_space<hbm>>
      %dma_wait3A_449 = tpu.memref_squeeze %dma_wait3A_448 : memref<1x32x1x128xi32, #tpu.memory_space<hbm>> -> memref<32x1x128xi32, #tpu.memory_space<hbm>>
      tpu.wait_dma2 semaphore(%arg10 : memref<!tpu.dma_semaphore, #tpu.memory_space<semaphore_mem>>) src(%dma_wait3A_449 : memref<32x1x128xi32, #tpu.memory_space<hbm>>) dst(%arg6 : memref<32x1x128xi32, #tpu.memory_space<vmem>>)
      %add3A_450 = arith.constant 1 : i32
      %add3A_451 = arith.addi %add3A_334, %add3A_450 : i32
      %dma_wait3A_452 = arith.constant 0 : i32
      %dma_wait3A_453 = arith.constant 0 : i32
      %dma_wait3A_454 = arith.constant 0 : i32
      %dma_wait3A_455 = arith.constant 0 : i32
      %dma_wait3A_456 = tpu.memref_slice %arg4[%dma_wait3A_452, %dma_wait3A_453, %mul3A_11, %dma_wait3A_454, %dma_wait3A_455] : memref<200x2x128x8x128xf32, #tpu.memory_space<hbm>> -> memref<1x1x32x8x128xf32, #tpu.memory_space<hbm>>
      %dma_wait3A_457 = tpu.memref_squeeze %dma_wait3A_456 : memref<1x1x32x8x128xf32, #tpu.memory_space<hbm>> -> memref<32x8x128xf32, #tpu.memory_space<hbm>>
      %dma_wait3A_458 = arith.constant 0 : i32
      %dma_wait3A_459 = arith.constant 0 : i32
      %dma_wait3A_460 = tpu.memref_slice %arg4[%dma_wait3A_452, %dma_wait3A_453, %mul3A_11, %dma_wait3A_458, %dma_wait3A_459] : memref<200x2x128x8x128xf32, #tpu.memory_space<hbm>> -> memref<1x1x32x8x128xf32, #tpu.memory_space<hbm>>
      %dma_wait3A_461 = tpu.memref_squeeze %dma_wait3A_460 : memref<1x1x32x8x128xf32, #tpu.memory_space<hbm>> -> memref<32x8x128xf32, #tpu.memory_space<hbm>>
      tpu.wait_dma2 semaphore(%arg12 : memref<!tpu.dma_semaphore, #tpu.memory_space<semaphore_mem>>) src(%arg8 : memref<32x8x128xf32, #tpu.memory_space<vmem>>) dst(%dma_wait3A_461 : memref<32x8x128xf32, #tpu.memory_space<hbm>>)
      %parallel_loop3A_462 = arith.constant 0 : i32
      %parallel_loop3A_463 = arith.constant 256 : i32
      %parallel_loop3A_464 = arith.constant 1 : i32
      scf.for %parallel_loop3A_549 = %parallel_loop3A_462 to %parallel_loop3A_463 step %parallel_loop3A_464  : i32 {
        %parallel_loop3A_550 = arith.constant 8 : i32
        %parallel_loop3A_551 = arith.divsi %parallel_loop3A_549, %parallel_loop3A_550 : i32
        %parallel_loop3A_552 = arith.constant 0 : i32
        %parallel_loop3A_553 = arith.cmpi sgt, %parallel_loop3A_549, %parallel_loop3A_552 : i32
        %parallel_loop3A_554 = arith.extui %parallel_loop3A_553 : i1 to i32
        %parallel_loop3A_555 = arith.constant 0 : i32
        %parallel_loop3A_556 = arith.cmpi slt, %parallel_loop3A_549, %parallel_loop3A_555 : i32
        %parallel_loop3A_557 = arith.extui %parallel_loop3A_556 : i1 to i32
        %parallel_loop3A_558 = arith.subi %parallel_loop3A_554, %parallel_loop3A_557 : i32
        %parallel_loop3A_559 = arith.constant 0 : i32
        %parallel_loop3A_560 = arith.cmpi sgt, %parallel_loop3A_550, %parallel_loop3A_559 : i32
        %parallel_loop3A_561 = arith.extui %parallel_loop3A_560 : i1 to i32
        %parallel_loop3A_562 = arith.constant 0 : i32
        %parallel_loop3A_563 = arith.cmpi slt, %parallel_loop3A_550, %parallel_loop3A_562 : i32
        %parallel_loop3A_564 = arith.extui %parallel_loop3A_563 : i1 to i32
        %parallel_loop3A_565 = arith.subi %parallel_loop3A_561, %parallel_loop3A_564 : i32
        %parallel_loop3A_566 = arith.cmpi ne, %parallel_loop3A_558, %parallel_loop3A_565 : i32
        %parallel_loop3A_567 = arith.remsi %parallel_loop3A_549, %parallel_loop3A_550 : i32
        %parallel_loop3A_568 = arith.constant 0 : i32
        %parallel_loop3A_569 = arith.cmpi ne, %parallel_loop3A_567, %parallel_loop3A_568 : i32
        %parallel_loop3A_570 = arith.andi %parallel_loop3A_566, %parallel_loop3A_569 : i1
        %parallel_loop3A_571 = arith.constant 1 : i32
        %parallel_loop3A_572 = arith.subi %parallel_loop3A_551, %parallel_loop3A_571 : i32
        %parallel_loop3A_573 = arith.select %parallel_loop3A_570, %parallel_loop3A_572, %parallel_loop3A_551 : i32
        %parallel_loop3A_574 = arith.constant 8 : i32
        %parallel_loop3A_575 = arith.constant 0 : i32
        %parallel_loop3A_576 = arith.cmpi eq, %parallel_loop3A_574, %parallel_loop3A_575 : i32
        %parallel_loop3A_577 = arith.constant 1 : i32
        %parallel_loop3A_578 = arith.select %parallel_loop3A_576, %parallel_loop3A_577, %parallel_loop3A_574 : i32
        %parallel_loop3A_579 = arith.remsi %parallel_loop3A_549, %parallel_loop3A_578 : i32
        %parallel_loop3A_580 = arith.constant 0 : i32
        %parallel_loop3A_581 = arith.cmpi ne, %parallel_loop3A_579, %parallel_loop3A_580 : i32
        %parallel_loop3A_582 = arith.constant 0 : i32
        %parallel_loop3A_583 = arith.cmpi slt, %parallel_loop3A_579, %parallel_loop3A_582 : i32
        %parallel_loop3A_584 = arith.constant 0 : i32
        %parallel_loop3A_585 = arith.cmpi slt, %parallel_loop3A_578, %parallel_loop3A_584 : i32
        %parallel_loop3A_586 = arith.xori %parallel_loop3A_583, %parallel_loop3A_585 : i1
        %parallel_loop3A_587 = arith.andi %parallel_loop3A_586, %parallel_loop3A_581 : i1
        %parallel_loop3A_588 = arith.addi %parallel_loop3A_579, %parallel_loop3A_578 : i32
        %parallel_loop3A_589 = arith.select %parallel_loop3A_587, %parallel_loop3A_588, %parallel_loop3A_579 : i32
        %parallel_loop3A_590 = arith.constant 16 : i32
        %parallel_loop3A_591 = arith.muli %parallel_loop3A_589, %parallel_loop3A_590 : i32
        %parallel_loop3A_592 = arith.constant 0 : i32
        %parallel_loop3A_593 = arith.index_cast %parallel_loop3A_573 : i32 to index
        %parallel_loop3A_594 = arith.index_cast %parallel_loop3A_592 : i32 to index
        %parallel_loop3A_595 = arith.index_cast %parallel_loop3A_591 : i32 to index
        %parallel_loop3A_596 = tpu.vector_load %arg6[%parallel_loop3A_593, %parallel_loop3A_594, %parallel_loop3A_595] {strides = array<i32>} : memref<32x1x128xi32, #tpu.memory_space<vmem>>, vector<1x1x16xi32>,
        %parallel_loop3A_597 = vector.shape_cast %parallel_loop3A_596 : vector<1x1x16xi32> to vector<16xi32>
        %parallel_loop3A_598 = vector.shape_cast %parallel_loop3A_597 : vector<16xi32> to vector<16x1xi32>
        %parallel_loop3A_599 = vector.shape_cast %parallel_loop3A_598 : vector<16x1xi32> to vector<16xi32>
        %parallel_loop3A_600 = tpu.dynamic_gather %get3A_38[%parallel_loop3A_599] in [0] : vector<16xf32>, vector<16xi32> -> vector<16xf32>
        %parallel_loop3A_601 = arith.constant 0 : i32
        %parallel_loop3A_602 = arith.index_cast %parallel_loop3A_573 : i32 to index
        %parallel_loop3A_603 = arith.index_cast %parallel_loop3A_601 : i32 to index
        %parallel_loop3A_604 = arith.index_cast %parallel_loop3A_591 : i32 to index
        %parallel_loop3A_605 = tpu.vector_load %arg8[%parallel_loop3A_602, %parallel_loop3A_603, %parallel_loop3A_604] {strides = array<i32>} : memref<32x8x128xf32, #tpu.memory_space<vmem>>, vector<1x1x16xf32>,
        %parallel_loop3A_606 = vector.shape_cast %parallel_loop3A_605 : vector<1x1x16xf32> to vector<16xf32>
        %parallel_loop3A_607 = vector.shape_cast %parallel_loop3A_600 : vector<16xf32> to vector<1x1x16xf32>
        tpu.vector_store %arg8[%parallel_loop3A_602, %parallel_loop3A_603, %parallel_loop3A_604], %parallel_loop3A_607 {strides = array<i32>} : memref<32x8x128xf32, #tpu.memory_space<vmem>>, vector<1x1x16xf32>,
        %parallel_loop3A_608 = vector.shape_cast %parallel_loop3A_597 : vector<16xi32> to vector<16x1xi32>
        %parallel_loop3A_609 = vector.shape_cast %parallel_loop3A_608 : vector<16x1xi32> to vector<16xi32>
        %parallel_loop3A_610 = tpu.dynamic_gather %get3A_43[%parallel_loop3A_609] in [0] : vector<16xf32>, vector<16xi32> -> vector<16xf32>
        %parallel_loop3A_611 = arith.constant 1 : i32
        %parallel_loop3A_612 = arith.index_cast %parallel_loop3A_573 : i32 to index
        %parallel_loop3A_613 = arith.index_cast %parallel_loop3A_611 : i32 to index
        %parallel_loop3A_614 = arith.index_cast %parallel_loop3A_591 : i32 to index
        %parallel_loop3A_615 = tpu.vector_load %arg8[%parallel_loop3A_612, %parallel_loop3A_613, %parallel_loop3A_614] {strides = array<i32>} : memref<32x8x128xf32, #tpu.memory_space<vmem>>, vector<1x1x16xf32>,
        %parallel_loop3A_616 = vector.shape_cast %parallel_loop3A_615 : vector<1x1x16xf32> to vector<16xf32>
        %parallel_loop3A_617 = vector.shape_cast %parallel_loop3A_610 : vector<16xf32> to vector<1x1x16xf32>
        tpu.vector_store %arg8[%parallel_loop3A_612, %parallel_loop3A_613, %parallel_loop3A_614], %parallel_loop3A_617 {strides = array<i32>} : memref<32x8x128xf32, #tpu.memory_space<vmem>>, vector<1x1x16xf32>,
        %parallel_loop3A_618 = vector.shape_cast %parallel_loop3A_597 : vector<16xi32> to vector<16x1xi32>
        %parallel_loop3A_619 = vector.shape_cast %parallel_loop3A_618 : vector<16x1xi32> to vector<16xi32>
        %parallel_loop3A_620 = tpu.dynamic_gather %get3A_48[%parallel_loop3A_619] in [0] : vector<16xf32>, vector<16xi32> -> vector<16xf32>
        %parallel_loop3A_621 = arith.constant 2 : i32
        %parallel_loop3A_622 = arith.index_cast %parallel_loop3A_573 : i32 to index
        %parallel_loop3A_623 = arith.index_cast %parallel_loop3A_621 : i32 to index
        %parallel_loop3A_624 = arith.index_cast %parallel_loop3A_591 : i32 to index
        %parallel_loop3A_625 = tpu.vector_load %arg8[%parallel_loop3A_622, %parallel_loop3A_623, %parallel_loop3A_624] {strides = array<i32>} : memref<32x8x128xf32, #tpu.memory_space<vmem>>, vector<1x1x16xf32>,
        %parallel_loop3A_626 = vector.shape_cast %parallel_loop3A_625 : vector<1x1x16xf32> to vector<16xf32>
        %parallel_loop3A_627 = vector.shape_cast %parallel_loop3A_620 : vector<16xf32> to vector<1x1x16xf32>
        tpu.vector_store %arg8[%parallel_loop3A_622, %parallel_loop3A_623, %parallel_loop3A_624], %parallel_loop3A_627 {strides = array<i32>} : memref<32x8x128xf32, #tpu.memory_space<vmem>>, vector<1x1x16xf32>,
        %parallel_loop3A_628 = vector.shape_cast %parallel_loop3A_597 : vector<16xi32> to vector<16x1xi32>
        %parallel_loop3A_629 = vector.shape_cast %parallel_loop3A_628 : vector<16x1xi32> to vector<16xi32>
        %parallel_loop3A_630 = tpu.dynamic_gather %get3A_53[%parallel_loop3A_629] in [0] : vector<16xf32>, vector<16xi32> -> vector<16xf32>
        %parallel_loop3A_631 = arith.constant 3 : i32
        %parallel_loop3A_632 = arith.index_cast %parallel_loop3A_573 : i32 to index
        %parallel_loop3A_633 = arith.index_cast %parallel_loop3A_631 : i32 to index
        %parallel_loop3A_634 = arith.index_cast %parallel_loop3A_591 : i32 to index
        %parallel_loop3A_635 = tpu.vector_load %arg8[%parallel_loop3A_632, %parallel_loop3A_633, %parallel_loop3A_634] {strides = array<i32>} : memref<32x8x128xf32, #tpu.memory_space<vmem>>, vector<1x1x16xf32>,
        %parallel_loop3A_636 = vector.shape_cast %parallel_loop3A_635 : vector<1x1x16xf32> to vector<16xf32>
        %parallel_loop3A_637 = vector.shape_cast %parallel_loop3A_630 : vector<16xf32> to vector<1x1x16xf32>
        tpu.vector_store %arg8[%parallel_loop3A_632, %parallel_loop3A_633, %parallel_loop3A_634], %parallel_loop3A_637 {strides = array<i32>} : memref<32x8x128xf32, #tpu.memory_space<vmem>>, vector<1x1x16xf32>,
        %parallel_loop3A_638 = vector.shape_cast %parallel_loop3A_597 : vector<16xi32> to vector<16x1xi32>
        %parallel_loop3A_639 = vector.shape_cast %parallel_loop3A_638 : vector<16x1xi32> to vector<16xi32>
        %parallel_loop3A_640 = tpu.dynamic_gather %get3A_58[%parallel_loop3A_639] in [0] : vector<16xf32>, vector<16xi32> -> vector<16xf32>
        %parallel_loop3A_641 = arith.constant 4 : i32
        %parallel_loop3A_642 = arith.index_cast %parallel_loop3A_573 : i32 to index
        %parallel_loop3A_643 = arith.index_cast %parallel_loop3A_641 : i32 to index
        %parallel_loop3A_644 = arith.index_cast %parallel_loop3A_591 : i32 to index
        %parallel_loop3A_645 = tpu.vector_load %arg8[%parallel_loop3A_642, %parallel_loop3A_643, %parallel_loop3A_644] {strides = array<i32>} : memref<32x8x128xf32, #tpu.memory_space<vmem>>, vector<1x1x16xf32>,
        %parallel_loop3A_646 = vector.shape_cast %parallel_loop3A_645 : vector<1x1x16xf32> to vector<16xf32>
        %parallel_loop3A_647 = vector.shape_cast %parallel_loop3A_640 : vector<16xf32> to vector<1x1x16xf32>
        tpu.vector_store %arg8[%parallel_loop3A_642, %parallel_loop3A_643, %parallel_loop3A_644], %parallel_loop3A_647 {strides = array<i32>} : memref<32x8x128xf32, #tpu.memory_space<vmem>>, vector<1x1x16xf32>,
        %parallel_loop3A_648 = vector.shape_cast %parallel_loop3A_597 : vector<16xi32> to vector<16x1xi32>
        %parallel_loop3A_649 = vector.shape_cast %parallel_loop3A_648 : vector<16x1xi32> to vector<16xi32>
        %parallel_loop3A_650 = tpu.dynamic_gather %get3A_63[%parallel_loop3A_649] in [0] : vector<16xf32>, vector<16xi32> -> vector<16xf32>
        %parallel_loop3A_651 = arith.constant 5 : i32
        %parallel_loop3A_652 = arith.index_cast %parallel_loop3A_573 : i32 to index
        %parallel_loop3A_653 = arith.index_cast %parallel_loop3A_651 : i32 to index
        %parallel_loop3A_654 = arith.index_cast %parallel_loop3A_591 : i32 to index
        %parallel_loop3A_655 = tpu.vector_load %arg8[%parallel_loop3A_652, %parallel_loop3A_653, %parallel_loop3A_654] {strides = array<i32>} : memref<32x8x128xf32, #tpu.memory_space<vmem>>, vector<1x1x16xf32>,
        %parallel_loop3A_656 = vector.shape_cast %parallel_loop3A_655 : vector<1x1x16xf32> to vector<16xf32>
        %parallel_loop3A_657 = vector.shape_cast %parallel_loop3A_650 : vector<16xf32> to vector<1x1x16xf32>
        tpu.vector_store %arg8[%parallel_loop3A_652, %parallel_loop3A_653, %parallel_loop3A_654], %parallel_loop3A_657 {strides = array<i32>} : memref<32x8x128xf32, #tpu.memory_space<vmem>>, vector<1x1x16xf32>,
        %parallel_loop3A_658 = vector.shape_cast %parallel_loop3A_597 : vector<16xi32> to vector<16x1xi32>
        %parallel_loop3A_659 = vector.shape_cast %parallel_loop3A_658 : vector<16x1xi32> to vector<16xi32>
        %parallel_loop3A_660 = tpu.dynamic_gather %get3A_68[%parallel_loop3A_659] in [0] : vector<16xf32>, vector<16xi32> -> vector<16xf32>
        %parallel_loop3A_661 = arith.constant 6 : i32
        %parallel_loop3A_662 = arith.index_cast %parallel_loop3A_573 : i32 to index
        %parallel_loop3A_663 = arith.index_cast %parallel_loop3A_661 : i32 to index
        %parallel_loop3A_664 = arith.index_cast %parallel_loop3A_591 : i32 to index
        %parallel_loop3A_665 = tpu.vector_load %arg8[%parallel_loop3A_662, %parallel_loop3A_663, %parallel_loop3A_664] {strides = array<i32>} : memref<32x8x128xf32, #tpu.memory_space<vmem>>, vector<1x1x16xf32>,
        %parallel_loop3A_666 = vector.shape_cast %parallel_loop3A_665 : vector<1x1x16xf32> to vector<16xf32>
        %parallel_loop3A_667 = vector.shape_cast %parallel_loop3A_660 : vector<16xf32> to vector<1x1x16xf32>
        tpu.vector_store %arg8[%parallel_loop3A_662, %parallel_loop3A_663, %parallel_loop3A_664], %parallel_loop3A_667 {strides = array<i32>} : memref<32x8x128xf32, #tpu.memory_space<vmem>>, vector<1x1x16xf32>,
        %parallel_loop3A_668 = vector.shape_cast %parallel_loop3A_597 : vector<16xi32> to vector<16x1xi32>
        %parallel_loop3A_669 = vector.shape_cast %parallel_loop3A_668 : vector<16x1xi32> to vector<16xi32>
        %parallel_loop3A_670 = tpu.dynamic_gather %get3A_73[%parallel_loop3A_669] in [0] : vector<16xf32>, vector<16xi32> -> vector<16xf32>
        %parallel_loop3A_671 = arith.constant 7 : i32
        %parallel_loop3A_672 = arith.index_cast %parallel_loop3A_573 : i32 to index
        %parallel_loop3A_673 = arith.index_cast %parallel_loop3A_671 : i32 to index
        %parallel_loop3A_674 = arith.index_cast %parallel_loop3A_591 : i32 to index
        %parallel_loop3A_675 = tpu.vector_load %arg8[%parallel_loop3A_672, %parallel_loop3A_673, %parallel_loop3A_674] {strides = array<i32>} : memref<32x8x128xf32, #tpu.memory_space<vmem>>, vector<1x1x16xf32>,
        %parallel_loop3A_676 = vector.shape_cast %parallel_loop3A_675 : vector<1x1x16xf32> to vector<16xf32>
        %parallel_loop3A_677 = vector.shape_cast %parallel_loop3A_670 : vector<16xf32> to vector<1x1x16xf32>
        tpu.vector_store %arg8[%parallel_loop3A_672, %parallel_loop3A_673, %parallel_loop3A_674], %parallel_loop3A_677 {strides = array<i32>} : memref<32x8x128xf32, #tpu.memory_space<vmem>>, vector<1x1x16xf32>,
      } {sc.loop_unroll_factor = 8 : i64, sc.parallel_access}
      %dma_start3A_465 = arith.constant 0 : i32
      %dma_start3A_466 = arith.constant 0 : i32
      %dma_start3A_467 = arith.constant 0 : i32
      %dma_start3A_468 = tpu.memref_slice %arg4[%add3A_451, %dma_start3A_465, %mul3A_11, %dma_start3A_466, %dma_start3A_467] : memref<200x2x128x8x128xf32, #tpu.memory_space<hbm>> -> memref<1x1x32x8x128xf32, #tpu.memory_space<hbm>>
      %dma_start3A_469 = tpu.memref_squeeze %dma_start3A_468 : memref<1x1x32x8x128xf32, #tpu.memory_space<hbm>> -> memref<32x8x128xf32, #tpu.memory_space<hbm>>
      %dma_start3A_470 = arith.constant 0 : i32
      %dma_start3A_471 = arith.constant 0 : i32
      %dma_start3A_472 = tpu.memref_slice %arg4[%add3A_451, %dma_start3A_465, %mul3A_11, %dma_start3A_470, %dma_start3A_471] : memref<200x2x128x8x128xf32, #tpu.memory_space<hbm>> -> memref<1x1x32x8x128xf32, #tpu.memory_space<hbm>>
      %dma_start3A_473 = tpu.memref_squeeze %dma_start3A_472 : memref<1x1x32x8x128xf32, #tpu.memory_space<hbm>> -> memref<32x8x128xf32, #tpu.memory_space<hbm>>
      tpu.enqueue_dma source(%arg8 : memref<32x8x128xf32, #tpu.memory_space<vmem>>) target(%dma_start3A_473 : memref<32x8x128xf32, #tpu.memory_space<hbm>>) target_semaphore(%arg12 : memref<!tpu.dma_semaphore, #tpu.memory_space<semaphore_mem>>)
      %dma_wait3A_474 = arith.constant 0 : i32
      %dma_wait3A_475 = arith.constant 0 : i32
      %dma_wait3A_476 = arith.constant 0 : i32
      %dma_wait3A_477 = arith.constant 0 : i32
      %dma_wait3A_478 = tpu.memref_slice %arg4[%dma_wait3A_474, %dma_wait3A_475, %mul3A_11, %dma_wait3A_476, %dma_wait3A_477] : memref<200x2x128x8x128xf32, #tpu.memory_space<hbm>> -> memref<1x1x32x8x128xf32, #tpu.memory_space<hbm>>
      %dma_wait3A_479 = tpu.memref_squeeze %dma_wait3A_478 : memref<1x1x32x8x128xf32, #tpu.memory_space<hbm>> -> memref<32x8x128xf32, #tpu.memory_space<hbm>>
      %dma_wait3A_480 = arith.constant 0 : i32
      %dma_wait3A_481 = arith.constant 0 : i32
      %dma_wait3A_482 = tpu.memref_slice %arg4[%dma_wait3A_474, %dma_wait3A_475, %mul3A_11, %dma_wait3A_480, %dma_wait3A_481] : memref<200x2x128x8x128xf32, #tpu.memory_space<hbm>> -> memref<1x1x32x8x128xf32, #tpu.memory_space<hbm>>
      %dma_wait3A_483 = tpu.memref_squeeze %dma_wait3A_482 : memref<1x1x32x8x128xf32, #tpu.memory_space<hbm>> -> memref<32x8x128xf32, #tpu.memory_space<hbm>>
      tpu.wait_dma2 semaphore(%arg13 : memref<!tpu.dma_semaphore, #tpu.memory_space<semaphore_mem>>) src(%arg9 : memref<32x8x128xf32, #tpu.memory_space<vmem>>) dst(%dma_wait3A_483 : memref<32x8x128xf32, #tpu.memory_space<hbm>>)
      %parallel_loop3A_484 = arith.constant 0 : i32
      %parallel_loop3A_485 = arith.constant 256 : i32
      %parallel_loop3A_486 = arith.constant 1 : i32
      scf.for %parallel_loop3A_549 = %parallel_loop3A_484 to %parallel_loop3A_485 step %parallel_loop3A_486  : i32 {
        %parallel_loop3A_550 = arith.constant 8 : i32
        %parallel_loop3A_551 = arith.divsi %parallel_loop3A_549, %parallel_loop3A_550 : i32
        %parallel_loop3A_552 = arith.constant 0 : i32
        %parallel_loop3A_553 = arith.cmpi sgt, %parallel_loop3A_549, %parallel_loop3A_552 : i32
        %parallel_loop3A_554 = arith.extui %parallel_loop3A_553 : i1 to i32
        %parallel_loop3A_555 = arith.constant 0 : i32
        %parallel_loop3A_556 = arith.cmpi slt, %parallel_loop3A_549, %parallel_loop3A_555 : i32
        %parallel_loop3A_557 = arith.extui %parallel_loop3A_556 : i1 to i32
        %parallel_loop3A_558 = arith.subi %parallel_loop3A_554, %parallel_loop3A_557 : i32
        %parallel_loop3A_559 = arith.constant 0 : i32
        %parallel_loop3A_560 = arith.cmpi sgt, %parallel_loop3A_550, %parallel_loop3A_559 : i32
        %parallel_loop3A_561 = arith.extui %parallel_loop3A_560 : i1 to i32
        %parallel_loop3A_562 = arith.constant 0 : i32
        %parallel_loop3A_563 = arith.cmpi slt, %parallel_loop3A_550, %parallel_loop3A_562 : i32
        %parallel_loop3A_564 = arith.extui %parallel_loop3A_563 : i1 to i32
        %parallel_loop3A_565 = arith.subi %parallel_loop3A_561, %parallel_loop3A_564 : i32
        %parallel_loop3A_566 = arith.cmpi ne, %parallel_loop3A_558, %parallel_loop3A_565 : i32
        %parallel_loop3A_567 = arith.remsi %parallel_loop3A_549, %parallel_loop3A_550 : i32
        %parallel_loop3A_568 = arith.constant 0 : i32
        %parallel_loop3A_569 = arith.cmpi ne, %parallel_loop3A_567, %parallel_loop3A_568 : i32
        %parallel_loop3A_570 = arith.andi %parallel_loop3A_566, %parallel_loop3A_569 : i1
        %parallel_loop3A_571 = arith.constant 1 : i32
        %parallel_loop3A_572 = arith.subi %parallel_loop3A_551, %parallel_loop3A_571 : i32
        %parallel_loop3A_573 = arith.select %parallel_loop3A_570, %parallel_loop3A_572, %parallel_loop3A_551 : i32
        %parallel_loop3A_574 = arith.constant 8 : i32
        %parallel_loop3A_575 = arith.constant 0 : i32
        %parallel_loop3A_576 = arith.cmpi eq, %parallel_loop3A_574, %parallel_loop3A_575 : i32
        %parallel_loop3A_577 = arith.constant 1 : i32
        %parallel_loop3A_578 = arith.select %parallel_loop3A_576, %parallel_loop3A_577, %parallel_loop3A_574 : i32
        %parallel_loop3A_579 = arith.remsi %parallel_loop3A_549, %parallel_loop3A_578 : i32
        %parallel_loop3A_580 = arith.constant 0 : i32
        %parallel_loop3A_581 = arith.cmpi ne, %parallel_loop3A_579, %parallel_loop3A_580 : i32
        %parallel_loop3A_582 = arith.constant 0 : i32
        %parallel_loop3A_583 = arith.cmpi slt, %parallel_loop3A_579, %parallel_loop3A_582 : i32
        %parallel_loop3A_584 = arith.constant 0 : i32
        %parallel_loop3A_585 = arith.cmpi slt, %parallel_loop3A_578, %parallel_loop3A_584 : i32
        %parallel_loop3A_586 = arith.xori %parallel_loop3A_583, %parallel_loop3A_585 : i1
        %parallel_loop3A_587 = arith.andi %parallel_loop3A_586, %parallel_loop3A_581 : i1
        %parallel_loop3A_588 = arith.addi %parallel_loop3A_579, %parallel_loop3A_578 : i32
        %parallel_loop3A_589 = arith.select %parallel_loop3A_587, %parallel_loop3A_588, %parallel_loop3A_579 : i32
        %parallel_loop3A_590 = arith.constant 16 : i32
        %parallel_loop3A_591 = arith.muli %parallel_loop3A_589, %parallel_loop3A_590 : i32
        %parallel_loop3A_592 = arith.constant 0 : i32
        %parallel_loop3A_593 = arith.index_cast %parallel_loop3A_573 : i32 to index
        %parallel_loop3A_594 = arith.index_cast %parallel_loop3A_592 : i32 to index
        %parallel_loop3A_595 = arith.index_cast %parallel_loop3A_591 : i32 to index
        %parallel_loop3A_596 = tpu.vector_load %arg6[%parallel_loop3A_593, %parallel_loop3A_594, %parallel_loop3A_595] {strides = array<i32>} : memref<32x1x128xi32, #tpu.memory_space<vmem>>, vector<1x1x16xi32>,
        %parallel_loop3A_597 = vector.shape_cast %parallel_loop3A_596 : vector<1x1x16xi32> to vector<16xi32>
        %parallel_loop3A_598 = vector.shape_cast %parallel_loop3A_597 : vector<16xi32> to vector<16x1xi32>
        %parallel_loop3A_599 = vector.shape_cast %parallel_loop3A_598 : vector<16x1xi32> to vector<16xi32>
        %parallel_loop3A_600 = tpu.dynamic_gather %get3A_78[%parallel_loop3A_599] in [0] : vector<16xf32>, vector<16xi32> -> vector<16xf32>
        %parallel_loop3A_601 = arith.constant 0 : i32
        %parallel_loop3A_602 = arith.index_cast %parallel_loop3A_573 : i32 to index
        %parallel_loop3A_603 = arith.index_cast %parallel_loop3A_601 : i32 to index
        %parallel_loop3A_604 = arith.index_cast %parallel_loop3A_591 : i32 to index
        %parallel_loop3A_605 = tpu.vector_load %arg9[%parallel_loop3A_602, %parallel_loop3A_603, %parallel_loop3A_604] {strides = array<i32>} : memref<32x8x128xf32, #tpu.memory_space<vmem>>, vector<1x1x16xf32>,
        %parallel_loop3A_606 = vector.shape_cast %parallel_loop3A_605 : vector<1x1x16xf32> to vector<16xf32>
        %parallel_loop3A_607 = vector.shape_cast %parallel_loop3A_600 : vector<16xf32> to vector<1x1x16xf32>
        tpu.vector_store %arg9[%parallel_loop3A_602, %parallel_loop3A_603, %parallel_loop3A_604], %parallel_loop3A_607 {strides = array<i32>} : memref<32x8x128xf32, #tpu.memory_space<vmem>>, vector<1x1x16xf32>,
        %parallel_loop3A_608 = vector.shape_cast %parallel_loop3A_597 : vector<16xi32> to vector<16x1xi32>
        %parallel_loop3A_609 = vector.shape_cast %parallel_loop3A_608 : vector<16x1xi32> to vector<16xi32>
        %parallel_loop3A_610 = tpu.dynamic_gather %get3A_83[%parallel_loop3A_609] in [0] : vector<16xf32>, vector<16xi32> -> vector<16xf32>
        %parallel_loop3A_611 = arith.constant 1 : i32
        %parallel_loop3A_612 = arith.index_cast %parallel_loop3A_573 : i32 to index
        %parallel_loop3A_613 = arith.index_cast %parallel_loop3A_611 : i32 to index
        %parallel_loop3A_614 = arith.index_cast %parallel_loop3A_591 : i32 to index
        %parallel_loop3A_615 = tpu.vector_load %arg9[%parallel_loop3A_612, %parallel_loop3A_613, %parallel_loop3A_614] {strides = array<i32>} : memref<32x8x128xf32, #tpu.memory_space<vmem>>, vector<1x1x16xf32>,
        %parallel_loop3A_616 = vector.shape_cast %parallel_loop3A_615 : vector<1x1x16xf32> to vector<16xf32>
        %parallel_loop3A_617 = vector.shape_cast %parallel_loop3A_610 : vector<16xf32> to vector<1x1x16xf32>
        tpu.vector_store %arg9[%parallel_loop3A_612, %parallel_loop3A_613, %parallel_loop3A_614], %parallel_loop3A_617 {strides = array<i32>} : memref<32x8x128xf32, #tpu.memory_space<vmem>>, vector<1x1x16xf32>,
        %parallel_loop3A_618 = vector.shape_cast %parallel_loop3A_597 : vector<16xi32> to vector<16x1xi32>
        %parallel_loop3A_619 = vector.shape_cast %parallel_loop3A_618 : vector<16x1xi32> to vector<16xi32>
        %parallel_loop3A_620 = tpu.dynamic_gather %get3A_88[%parallel_loop3A_619] in [0] : vector<16xf32>, vector<16xi32> -> vector<16xf32>
        %parallel_loop3A_621 = arith.constant 2 : i32
        %parallel_loop3A_622 = arith.index_cast %parallel_loop3A_573 : i32 to index
        %parallel_loop3A_623 = arith.index_cast %parallel_loop3A_621 : i32 to index
        %parallel_loop3A_624 = arith.index_cast %parallel_loop3A_591 : i32 to index
        %parallel_loop3A_625 = tpu.vector_load %arg9[%parallel_loop3A_622, %parallel_loop3A_623, %parallel_loop3A_624] {strides = array<i32>} : memref<32x8x128xf32, #tpu.memory_space<vmem>>, vector<1x1x16xf32>,
        %parallel_loop3A_626 = vector.shape_cast %parallel_loop3A_625 : vector<1x1x16xf32> to vector<16xf32>
        %parallel_loop3A_627 = vector.shape_cast %parallel_loop3A_620 : vector<16xf32> to vector<1x1x16xf32>
        tpu.vector_store %arg9[%parallel_loop3A_622, %parallel_loop3A_623, %parallel_loop3A_624], %parallel_loop3A_627 {strides = array<i32>} : memref<32x8x128xf32, #tpu.memory_space<vmem>>, vector<1x1x16xf32>,
        %parallel_loop3A_628 = vector.shape_cast %parallel_loop3A_597 : vector<16xi32> to vector<16x1xi32>
        %parallel_loop3A_629 = vector.shape_cast %parallel_loop3A_628 : vector<16x1xi32> to vector<16xi32>
        %parallel_loop3A_630 = tpu.dynamic_gather %get3A_93[%parallel_loop3A_629] in [0] : vector<16xf32>, vector<16xi32> -> vector<16xf32>
        %parallel_loop3A_631 = arith.constant 3 : i32
        %parallel_loop3A_632 = arith.index_cast %parallel_loop3A_573 : i32 to index
        %parallel_loop3A_633 = arith.index_cast %parallel_loop3A_631 : i32 to index
        %parallel_loop3A_634 = arith.index_cast %parallel_loop3A_591 : i32 to index
        %parallel_loop3A_635 = tpu.vector_load %arg9[%parallel_loop3A_632, %parallel_loop3A_633, %parallel_loop3A_634] {strides = array<i32>} : memref<32x8x128xf32, #tpu.memory_space<vmem>>, vector<1x1x16xf32>,
        %parallel_loop3A_636 = vector.shape_cast %parallel_loop3A_635 : vector<1x1x16xf32> to vector<16xf32>
        %parallel_loop3A_637 = vector.shape_cast %parallel_loop3A_630 : vector<16xf32> to vector<1x1x16xf32>
        tpu.vector_store %arg9[%parallel_loop3A_632, %parallel_loop3A_633, %parallel_loop3A_634], %parallel_loop3A_637 {strides = array<i32>} : memref<32x8x128xf32, #tpu.memory_space<vmem>>, vector<1x1x16xf32>,
        %parallel_loop3A_638 = vector.shape_cast %parallel_loop3A_597 : vector<16xi32> to vector<16x1xi32>
        %parallel_loop3A_639 = vector.shape_cast %parallel_loop3A_638 : vector<16x1xi32> to vector<16xi32>
        %parallel_loop3A_640 = tpu.dynamic_gather %get3A_98[%parallel_loop3A_639] in [0] : vector<16xf32>, vector<16xi32> -> vector<16xf32>
        %parallel_loop3A_641 = arith.constant 4 : i32
        %parallel_loop3A_642 = arith.index_cast %parallel_loop3A_573 : i32 to index
        %parallel_loop3A_643 = arith.index_cast %parallel_loop3A_641 : i32 to index
        %parallel_loop3A_644 = arith.index_cast %parallel_loop3A_591 : i32 to index
        %parallel_loop3A_645 = tpu.vector_load %arg9[%parallel_loop3A_642, %parallel_loop3A_643, %parallel_loop3A_644] {strides = array<i32>} : memref<32x8x128xf32, #tpu.memory_space<vmem>>, vector<1x1x16xf32>,
        %parallel_loop3A_646 = vector.shape_cast %parallel_loop3A_645 : vector<1x1x16xf32> to vector<16xf32>
        %parallel_loop3A_647 = vector.shape_cast %parallel_loop3A_640 : vector<16xf32> to vector<1x1x16xf32>
        tpu.vector_store %arg9[%parallel_loop3A_642, %parallel_loop3A_643, %parallel_loop3A_644], %parallel_loop3A_647 {strides = array<i32>} : memref<32x8x128xf32, #tpu.memory_space<vmem>>, vector<1x1x16xf32>,
        %parallel_loop3A_648 = vector.shape_cast %parallel_loop3A_597 : vector<16xi32> to vector<16x1xi32>
        %parallel_loop3A_649 = vector.shape_cast %parallel_loop3A_648 : vector<16x1xi32> to vector<16xi32>
        %parallel_loop3A_650 = tpu.dynamic_gather %get3A_103[%parallel_loop3A_649] in [0] : vector<16xf32>, vector<16xi32> -> vector<16xf32>
        %parallel_loop3A_651 = arith.constant 5 : i32
        %parallel_loop3A_652 = arith.index_cast %parallel_loop3A_573 : i32 to index
        %parallel_loop3A_653 = arith.index_cast %parallel_loop3A_651 : i32 to index
        %parallel_loop3A_654 = arith.index_cast %parallel_loop3A_591 : i32 to index
        %parallel_loop3A_655 = tpu.vector_load %arg9[%parallel_loop3A_652, %parallel_loop3A_653, %parallel_loop3A_654] {strides = array<i32>} : memref<32x8x128xf32, #tpu.memory_space<vmem>>, vector<1x1x16xf32>,
        %parallel_loop3A_656 = vector.shape_cast %parallel_loop3A_655 : vector<1x1x16xf32> to vector<16xf32>
        %parallel_loop3A_657 = vector.shape_cast %parallel_loop3A_650 : vector<16xf32> to vector<1x1x16xf32>
        tpu.vector_store %arg9[%parallel_loop3A_652, %parallel_loop3A_653, %parallel_loop3A_654], %parallel_loop3A_657 {strides = array<i32>} : memref<32x8x128xf32, #tpu.memory_space<vmem>>, vector<1x1x16xf32>,
        %parallel_loop3A_658 = vector.shape_cast %parallel_loop3A_597 : vector<16xi32> to vector<16x1xi32>
        %parallel_loop3A_659 = vector.shape_cast %parallel_loop3A_658 : vector<16x1xi32> to vector<16xi32>
        %parallel_loop3A_660 = tpu.dynamic_gather %get3A_108[%parallel_loop3A_659] in [0] : vector<16xf32>, vector<16xi32> -> vector<16xf32>
        %parallel_loop3A_661 = arith.constant 6 : i32
        %parallel_loop3A_662 = arith.index_cast %parallel_loop3A_573 : i32 to index
        %parallel_loop3A_663 = arith.index_cast %parallel_loop3A_661 : i32 to index
        %parallel_loop3A_664 = arith.index_cast %parallel_loop3A_591 : i32 to index
        %parallel_loop3A_665 = tpu.vector_load %arg9[%parallel_loop3A_662, %parallel_loop3A_663, %parallel_loop3A_664] {strides = array<i32>} : memref<32x8x128xf32, #tpu.memory_space<vmem>>, vector<1x1x16xf32>,
        %parallel_loop3A_666 = vector.shape_cast %parallel_loop3A_665 : vector<1x1x16xf32> to vector<16xf32>
        %parallel_loop3A_667 = vector.shape_cast %parallel_loop3A_660 : vector<16xf32> to vector<1x1x16xf32>
        tpu.vector_store %arg9[%parallel_loop3A_662, %parallel_loop3A_663, %parallel_loop3A_664], %parallel_loop3A_667 {strides = array<i32>} : memref<32x8x128xf32, #tpu.memory_space<vmem>>, vector<1x1x16xf32>,
        %parallel_loop3A_668 = vector.shape_cast %parallel_loop3A_597 : vector<16xi32> to vector<16x1xi32>
        %parallel_loop3A_669 = vector.shape_cast %parallel_loop3A_668 : vector<16x1xi32> to vector<16xi32>
        %parallel_loop3A_670 = tpu.dynamic_gather %get3A_113[%parallel_loop3A_669] in [0] : vector<16xf32>, vector<16xi32> -> vector<16xf32>
        %parallel_loop3A_671 = arith.constant 7 : i32
        %parallel_loop3A_672 = arith.index_cast %parallel_loop3A_573 : i32 to index
        %parallel_loop3A_673 = arith.index_cast %parallel_loop3A_671 : i32 to index
        %parallel_loop3A_674 = arith.index_cast %parallel_loop3A_591 : i32 to index
        %parallel_loop3A_675 = tpu.vector_load %arg9[%parallel_loop3A_672, %parallel_loop3A_673, %parallel_loop3A_674] {strides = array<i32>} : memref<32x8x128xf32, #tpu.memory_space<vmem>>, vector<1x1x16xf32>,
        %parallel_loop3A_676 = vector.shape_cast %parallel_loop3A_675 : vector<1x1x16xf32> to vector<16xf32>
        %parallel_loop3A_677 = vector.shape_cast %parallel_loop3A_670 : vector<16xf32> to vector<1x1x16xf32>
        tpu.vector_store %arg9[%parallel_loop3A_672, %parallel_loop3A_673, %parallel_loop3A_674], %parallel_loop3A_677 {strides = array<i32>} : memref<32x8x128xf32, #tpu.memory_space<vmem>>, vector<1x1x16xf32>,
      } {sc.loop_unroll_factor = 8 : i64, sc.parallel_access}
      %dma_start3A_487 = arith.constant 1 : i32
      %dma_start3A_488 = arith.constant 0 : i32
      %dma_start3A_489 = arith.constant 0 : i32
      %dma_start3A_490 = tpu.memref_slice %arg4[%add3A_451, %dma_start3A_487, %mul3A_11, %dma_start3A_488, %dma_start3A_489] : memref<200x2x128x8x128xf32, #tpu.memory_space<hbm>> -> memref<1x1x32x8x128xf32, #tpu.memory_space<hbm>>
      %dma_start3A_491 = tpu.memref_squeeze %dma_start3A_490 : memref<1x1x32x8x128xf32, #tpu.memory_space<hbm>> -> memref<32x8x128xf32, #tpu.memory_space<hbm>>
      %dma_start3A_492 = arith.constant 0 : i32
      %dma_start3A_493 = arith.constant 0 : i32
      %dma_start3A_494 = tpu.memref_slice %arg4[%add3A_451, %dma_start3A_487, %mul3A_11, %dma_start3A_492, %dma_start3A_493] : memref<200x2x128x8x128xf32, #tpu.memory_space<hbm>> -> memref<1x1x32x8x128xf32, #tpu.memory_space<hbm>>
      %dma_start3A_495 = tpu.memref_squeeze %dma_start3A_494 : memref<1x1x32x8x128xf32, #tpu.memory_space<hbm>> -> memref<32x8x128xf32, #tpu.memory_space<hbm>>
      tpu.enqueue_dma source(%arg9 : memref<32x8x128xf32, #tpu.memory_space<vmem>>) target(%dma_start3A_495 : memref<32x8x128xf32, #tpu.memory_space<hbm>>) target_semaphore(%arg13 : memref<!tpu.dma_semaphore, #tpu.memory_space<semaphore_mem>>)
      %mul3A_496 = arith.constant 2 : i32
      %mul3A_497 = arith.muli %mul3A_496, %scan3A_329 : i32
      %add3A_498 = arith.constant 4 : i32
      %add3A_499 = arith.addi %mul3A_497, %add3A_498 : i32
      %rem3A_500 = arith.constant 25 : i32
      %rem3A_501 = arith.remsi %add3A_499, %rem3A_500 : i32
      %add3A_502 = arith.addi %mul3A_34, %rem3A_501 : i32
      %jit3A_503 = arith.constant 8 : i32
      %div3A_504 = arith.divsi %add3A_502, %jit3A_503 : i32
      %sign3A_505 = arith.constant 0 : i32
      %sign3A_506 = arith.cmpi sgt, %add3A_502, %sign3A_505 : i32
      %sign3A_507 = arith.extui %sign3A_506 : i1 to i32
      %sign3A_508 = arith.constant 0 : i32
      %sign3A_509 = arith.cmpi slt, %add3A_502, %sign3A_508 : i32
      %sign3A_510 = arith.extui %sign3A_509 : i1 to i32
      %sign3A_511 = arith.subi %sign3A_507, %sign3A_510 : i32
      %sign3A_512 = arith.constant 0 : i32
      %sign3A_513 = arith.cmpi sgt, %jit3A_503, %sign3A_512 : i32
      %sign3A_514 = arith.extui %sign3A_513 : i1 to i32
      %sign3A_515 = arith.constant 0 : i32
      %sign3A_516 = arith.cmpi slt, %jit3A_503, %sign3A_515 : i32
      %sign3A_517 = arith.extui %sign3A_516 : i1 to i32
      %sign3A_518 = arith.subi %sign3A_514, %sign3A_517 : i32
      %ne3A_519 = arith.cmpi ne, %sign3A_511, %sign3A_518 : i32
      %rem3A_520 = arith.remsi %add3A_502, %jit3A_503 : i32
      %ne3A_521 = arith.constant 0 : i32
      %ne3A_522 = arith.cmpi ne, %rem3A_520, %ne3A_521 : i32
      %and3A_523 = arith.andi %ne3A_519, %ne3A_522 : i1
      %sub3A_524 = arith.constant 1 : i32
      %sub3A_525 = arith.subi %div3A_504, %sub3A_524 : i32
      %select_n3A_526 = arith.select %and3A_523, %sub3A_525, %div3A_504 : i32
      %jit3A_527 = arith.constant 8 : i32
      %eq3A_528 = arith.constant 0 : i32
      %eq3A_529 = arith.cmpi eq, %jit3A_527, %eq3A_528 : i32
      %jit3A_530 = arith.constant 1 : i32
      %select_n3A_531 = arith.select %eq3A_529, %jit3A_530, %jit3A_527 : i32
      %rem3A_532 = arith.remsi %add3A_502, %select_n3A_531 : i32
      %ne3A_533 = arith.constant 0 : i32
      %ne3A_534 = arith.cmpi ne, %rem3A_532, %ne3A_533 : i32
      %lt3A_535 = arith.constant 0 : i32
      %lt3A_536 = arith.cmpi slt, %rem3A_532, %lt3A_535 : i32
      %lt3A_537 = arith.constant 0 : i32
      %lt3A_538 = arith.cmpi slt, %select_n3A_531, %lt3A_537 : i32
      %ne3A_539 = arith.xori %lt3A_536, %lt3A_538 : i1
      %and3A_540 = arith.andi %ne3A_539, %ne3A_534 : i1
      %add3A_541 = arith.addi %rem3A_532, %select_n3A_531 : i32
      %select_n3A_542 = arith.select %and3A_540, %add3A_541, %rem3A_532 : i32
      %dma_start3A_543 = arith.constant 0 : i32
      %dma_start3A_544 = tpu.memref_slice %arg3[%select_n3A_526, %mul3A_11, %select_n3A_542, %dma_start3A_543] : memref<25x128x8x128xi32, #tpu.memory_space<hbm>> -> memref<1x32x1x128xi32, #tpu.memory_space<hbm>>
      %dma_start3A_545 = tpu.memref_squeeze %dma_start3A_544 : memref<1x32x1x128xi32, #tpu.memory_space<hbm>> -> memref<32x1x128xi32, #tpu.memory_space<hbm>>
      %dma_start3A_546 = arith.constant 0 : i32
      %dma_start3A_547 = tpu.memref_slice %arg3[%select_n3A_526, %mul3A_11, %select_n3A_542, %dma_start3A_546] : memref<25x128x8x128xi32, #tpu.memory_space<hbm>> -> memref<1x32x1x128xi32, #tpu.memory_space<hbm>>
      %dma_start3A_548 = tpu.memref_squeeze %dma_start3A_547 : memref<1x32x1x128xi32, #tpu.memory_space<hbm>> -> memref<32x1x128xi32, #tpu.memory_space<hbm>>
      tpu.enqueue_dma source(%dma_start3A_548 : memref<32x1x128xi32, #tpu.memory_space<hbm>>) target(%arg6 : memref<32x1x128xi32, #tpu.memory_space<vmem>>) target_semaphore(%arg10 : memref<!tpu.dma_semaphore, #tpu.memory_space<semaphore_mem>>)
    }
    %scan3A_290 = arith.constant 12 : i32
    %dma_wait3A_291 = arith.constant 0 : i32
    %dma_wait3A_292 = arith.constant 0 : i32
    %dma_wait3A_293 = arith.constant 0 : i32
    %dma_wait3A_294 = tpu.memref_slice %arg3[%dma_wait3A_291, %mul3A_11, %dma_wait3A_292, %dma_wait3A_293] : memref<25x128x8x128xi32, #tpu.memory_space<hbm>> -> memref<1x32x1x128xi32, #tpu.memory_space<hbm>>
    %dma_wait3A_295 = tpu.memref_squeeze %dma_wait3A_294 : memref<1x32x1x128xi32, #tpu.memory_space<hbm>> -> memref<32x1x128xi32, #tpu.memory_space<hbm>>
    %dma_wait3A_296 = arith.constant 0 : i32
    %dma_wait3A_297 = arith.constant 0 : i32
    %dma_wait3A_298 = tpu.memref_slice %arg3[%dma_wait3A_291, %mul3A_11, %dma_wait3A_296, %dma_wait3A_297] : memref<25x128x8x128xi32, #tpu.memory_space<hbm>> -> memref<1x32x1x128xi32, #tpu.memory_space<hbm>>
    %dma_wait3A_299 = tpu.memref_squeeze %dma_wait3A_298 : memref<1x32x1x128xi32, #tpu.memory_space<hbm>> -> memref<32x1x128xi32, #tpu.memory_space<hbm>>
    tpu.wait_dma2 semaphore(%arg10 : memref<!tpu.dma_semaphore, #tpu.memory_space<semaphore_mem>>) src(%dma_wait3A_299 : memref<32x1x128xi32, #tpu.memory_space<hbm>>) dst(%arg6 : memref<32x1x128xi32, #tpu.memory_space<vmem>>)
    %dma_wait3A_300 = arith.constant 0 : i32
    %dma_wait3A_301 = arith.constant 0 : i32
    %dma_wait3A_302 = arith.constant 0 : i32
    %dma_wait3A_303 = tpu.memref_slice %arg3[%dma_wait3A_300, %mul3A_11, %dma_wait3A_301, %dma_wait3A_302] : memref<25x128x8x128xi32, #tpu.memory_space<hbm>> -> memref<1x32x1x128xi32, #tpu.memory_space<hbm>>
    %dma_wait3A_304 = tpu.memref_squeeze %dma_wait3A_303 : memref<1x32x1x128xi32, #tpu.memory_space<hbm>> -> memref<32x1x128xi32, #tpu.memory_space<hbm>>
    %dma_wait3A_305 = arith.constant 0 : i32
    %dma_wait3A_306 = arith.constant 0 : i32
    %dma_wait3A_307 = tpu.memref_slice %arg3[%dma_wait3A_300, %mul3A_11, %dma_wait3A_305, %dma_wait3A_306] : memref<25x128x8x128xi32, #tpu.memory_space<hbm>> -> memref<1x32x1x128xi32, #tpu.memory_space<hbm>>
    %dma_wait3A_308 = tpu.memref_squeeze %dma_wait3A_307 : memref<1x32x1x128xi32, #tpu.memory_space<hbm>> -> memref<32x1x128xi32, #tpu.memory_space<hbm>>
    tpu.wait_dma2 semaphore(%arg11 : memref<!tpu.dma_semaphore, #tpu.memory_space<semaphore_mem>>) src(%dma_wait3A_308 : memref<32x1x128xi32, #tpu.memory_space<hbm>>) dst(%arg7 : memref<32x1x128xi32, #tpu.memory_space<vmem>>)
    %dma_wait3A_309 = arith.constant 0 : i32
    %dma_wait3A_310 = arith.constant 0 : i32
    %dma_wait3A_311 = arith.constant 0 : i32
    %dma_wait3A_312 = arith.constant 0 : i32
    %dma_wait3A_313 = tpu.memref_slice %arg4[%dma_wait3A_309, %dma_wait3A_310, %mul3A_11, %dma_wait3A_311, %dma_wait3A_312] : memref<200x2x128x8x128xf32, #tpu.memory_space<hbm>> -> memref<1x1x32x8x128xf32, #tpu.memory_space<hbm>>
    %dma_wait3A_314 = tpu.memref_squeeze %dma_wait3A_313 : memref<1x1x32x8x128xf32, #tpu.memory_space<hbm>> -> memref<32x8x128xf32, #tpu.memory_space<hbm>>
    %dma_wait3A_315 = arith.constant 0 : i32
    %dma_wait3A_316 = arith.constant 0 : i32
    %dma_wait3A_317 = tpu.memref_slice %arg4[%dma_wait3A_309, %dma_wait3A_310, %mul3A_11, %dma_wait3A_315, %dma_wait3A_316] : memref<200x2x128x8x128xf32, #tpu.memory_space<hbm>> -> memref<1x1x32x8x128xf32, #tpu.memory_space<hbm>>
    %dma_wait3A_318 = tpu.memref_squeeze %dma_wait3A_317 : memref<1x1x32x8x128xf32, #tpu.memory_space<hbm>> -> memref<32x8x128xf32, #tpu.memory_space<hbm>>
    tpu.wait_dma2 semaphore(%arg12 : memref<!tpu.dma_semaphore, #tpu.memory_space<semaphore_mem>>) src(%arg8 : memref<32x8x128xf32, #tpu.memory_space<vmem>>) dst(%dma_wait3A_318 : memref<32x8x128xf32, #tpu.memory_space<hbm>>)
    %dma_wait3A_319 = arith.constant 0 : i32
    %dma_wait3A_320 = arith.constant 0 : i32
    %dma_wait3A_321 = arith.constant 0 : i32
    %dma_wait3A_322 = arith.constant 0 : i32
    %dma_wait3A_323 = tpu.memref_slice %arg4[%dma_wait3A_319, %dma_wait3A_320, %mul3A_11, %dma_wait3A_321, %dma_wait3A_322] : memref<200x2x128x8x128xf32, #tpu.memory_space<hbm>> -> memref<1x1x32x8x128xf32, #tpu.memory_space<hbm>>
    %dma_wait3A_324 = tpu.memref_squeeze %dma_wait3A_323 : memref<1x1x32x8x128xf32, #tpu.memory_space<hbm>> -> memref<32x8x128xf32, #tpu.memory_space<hbm>>
    %dma_wait3A_325 = arith.constant 0 : i32
    %dma_wait3A_326 = arith.constant 0 : i32
    %dma_wait3A_327 = tpu.memref_slice %arg4[%dma_wait3A_319, %dma_wait3A_320, %mul3A_11, %dma_wait3A_325, %dma_wait3A_326] : memref<200x2x128x8x128xf32, #tpu.memory_space<hbm>> -> memref<1x1x32x8x128xf32, #tpu.memory_space<hbm>>
    %dma_wait3A_328 = tpu.memref_squeeze %dma_wait3A_327 : memref<1x1x32x8x128xf32, #tpu.memory_space<hbm>> -> memref<32x8x128xf32, #tpu.memory_space<hbm>>
    tpu.wait_dma2 semaphore(%arg13 : memref<!tpu.dma_semaphore, #tpu.memory_space<semaphore_mem>>) src(%arg9 : memref<32x8x128xf32, #tpu.memory_space<vmem>>) dst(%dma_wait3A_328 : memref<32x8x128xf32, #tpu.memory_space<hbm>>)
    return
  }
}

module attributes {stable_mosaic.version = 14 : i64} {
  func.func @_table_body(%arg0: memref<16x4xf32, #tpu.memory_space<vmem>>, %arg1: memref<16x4xf32, #tpu.memory_space<vmem>>, %arg2: memref<2x128xf32, #tpu.memory_space<vmem>>) attributes {dimension_semantics = [], scalar_prefetch = 0 : i64, scratch_operands = 0 : i64, tpu.core_type = #tpu.core_type<tc>} {
    %get3A = arith.constant 0 : index
    %get3A_0 = arith.constant 0 : index
    %get3A_1 = vector.load %arg1[%get3A, %get3A_0] : memref<16x4xf32, #tpu.memory_space<vmem>>, vector<16x4xf32>
    %get3A_2 = arith.constant 0 : index
    %get3A_3 = arith.constant 0 : index
    %get3A_4 = vector.load %arg0[%get3A_2, %get3A_3] : memref<16x4xf32, #tpu.memory_space<vmem>>, vector<16x4xf32>
    %transpose3A = tpu.transpose %get3A_4, [1, 0] : vector<16x4xf32> -> vector<4x16xf32>
    %dot_general3A = arith.constant dense<0.000000e+00> : vector<16x16xf32>
    %dot_general3A_5 = tpu.matmul %get3A_1, %transpose3A, %dot_general3A {dimension_numbers = #tpu.dot_dimension_numbers<[1], [0], [0], [1], [0, 0, 1, 1], [], []>, transpose_lhs_hint = false} : vector<16x4xf32>, vector<4x16xf32>, vector<16x16xf32> -> vector<16x16xf32>
    %iota3A = tpu.iota {dimensions = array<i32: 0>} : vector<16x128xi32>
    %iota3A_6 = tpu.iota {dimensions = array<i32: 1>} : vector<16x128xi32>
    %jit3A = arith.constant 16 : i32
    %eq3A = arith.constant 0 : i32
    %eq3A_7 = arith.cmpi eq, %jit3A, %eq3A : i32
    %jit3A_8 = arith.constant 1 : i32
    %select_n3A = arith.select %eq3A_7, %jit3A_8, %jit3A : i32
    %rem3A = vector.broadcast %select_n3A : i32 to vector<16x128xi32>
    %rem3A_9 = arith.remsi %iota3A_6, %rem3A : vector<16x128xi32>
    %ne3A = arith.constant 0 : i32
    %ne3A_10 = vector.broadcast %ne3A : i32 to vector<16x128xi32>
    %ne3A_11 = arith.cmpi ne, %rem3A_9, %ne3A_10 : vector<16x128xi32>
    %lt3A = arith.constant 0 : i32
    %lt3A_12 = vector.broadcast %lt3A : i32 to vector<16x128xi32>
    %lt3A_13 = arith.cmpi slt, %rem3A_9, %lt3A_12 : vector<16x128xi32>
    %lt3A_14 = arith.constant 0 : i32
    %lt3A_15 = arith.cmpi slt, %select_n3A, %lt3A_14 : i32
    %ne3A_16 = vector.broadcast %lt3A_15 : i1 to vector<16x128xi1>
    %ne3A_17 = vector.broadcast %ne3A_16 : vector<16x128xi1> to vector<16x128xi1>
    %ne3A_18 = arith.xori %lt3A_13, %ne3A_17 : vector<16x128xi1>
    %and3A = arith.andi %ne3A_18, %ne3A_11 : vector<16x128xi1>
    %add3A = vector.broadcast %select_n3A : i32 to vector<16x128xi32>
    %add3A_19 = arith.addi %rem3A_9, %add3A : vector<16x128xi32>
    %select_n3A_20 = arith.select %and3A, %add3A_19, %rem3A_9 : vector<16x128xi1>, vector<16x128xi32>
    %eq3A_21 = arith.cmpi eq, %iota3A, %select_n3A_20 : vector<16x128xi32>
    %convert_element_type3A = arith.extui %eq3A_21 : vector<16x128xi1> to vector<16x128xi32>
    %convert_element_type3A_22 = arith.sitofp %convert_element_type3A : vector<16x128xi32> to vector<16x128xf32>
    %dot_general3A_23 = arith.constant dense<0.000000e+00> : vector<16x128xf32>
    %dot_general3A_24 = tpu.matmul %dot_general3A_5, %convert_element_type3A_22, %dot_general3A_23 {dimension_numbers = #tpu.dot_dimension_numbers<[1], [0], [0], [1], [0, 0, 1, 1], [], []>, transpose_lhs_hint = false} : vector<16x16xf32>, vector<16x128xf32>, vector<16x128xf32> -> vector<16x128xf32>
    %jit3A_25 = arith.constant 8 : i32
    %eq3A_26 = arith.constant 0 : i32
    %eq3A_27 = arith.cmpi eq, %jit3A_25, %eq3A_26 : i32
    %jit3A_28 = arith.constant 1 : i32
    %select_n3A_29 = arith.select %eq3A_27, %jit3A_28, %jit3A_25 : i32
    %rem3A_30 = vector.broadcast %select_n3A_29 : i32 to vector<16x128xi32>
    %rem3A_31 = arith.remsi %iota3A, %rem3A_30 : vector<16x128xi32>
    %ne3A_32 = arith.constant 0 : i32
    %ne3A_33 = vector.broadcast %ne3A_32 : i32 to vector<16x128xi32>
    %ne3A_34 = arith.cmpi ne, %rem3A_31, %ne3A_33 : vector<16x128xi32>
    %lt3A_35 = arith.constant 0 : i32
    %lt3A_36 = vector.broadcast %lt3A_35 : i32 to vector<16x128xi32>
    %lt3A_37 = arith.cmpi slt, %rem3A_31, %lt3A_36 : vector<16x128xi32>
    %lt3A_38 = arith.constant 0 : i32
    %lt3A_39 = arith.cmpi slt, %select_n3A_29, %lt3A_38 : i32
    %ne3A_40 = vector.broadcast %lt3A_39 : i1 to vector<16x128xi1>
    %ne3A_41 = vector.broadcast %ne3A_40 : vector<16x128xi1> to vector<16x128xi1>
    %ne3A_42 = arith.xori %lt3A_37, %ne3A_41 : vector<16x128xi1>
    %and3A_43 = arith.andi %ne3A_42, %ne3A_34 : vector<16x128xi1>
    %add3A_44 = vector.broadcast %select_n3A_29 : i32 to vector<16x128xi32>
    %add3A_45 = arith.addi %rem3A_31, %add3A_44 : vector<16x128xi32>
    %select_n3A_46 = arith.select %and3A_43, %add3A_45, %rem3A_31 : vector<16x128xi1>, vector<16x128xi32>
    %jit3A_47 = arith.constant 16 : i32
    %div3A = vector.broadcast %jit3A_47 : i32 to vector<16x128xi32>
    %div3A_48 = arith.divsi %iota3A_6, %div3A : vector<16x128xi32>
    %sign3A = arith.constant 0 : i32
    %sign3A_49 = vector.broadcast %sign3A : i32 to vector<16x128xi32>
    %sign3A_50 = arith.cmpi sgt, %iota3A_6, %sign3A_49 : vector<16x128xi32>
    %sign3A_51 = arith.extui %sign3A_50 : vector<16x128xi1> to vector<16x128xi32>
    %sign3A_52 = arith.constant 0 : i32
    %sign3A_53 = vector.broadcast %sign3A_52 : i32 to vector<16x128xi32>
    %sign3A_54 = arith.cmpi slt, %iota3A_6, %sign3A_53 : vector<16x128xi32>
    %sign3A_55 = arith.extui %sign3A_54 : vector<16x128xi1> to vector<16x128xi32>
    %sign3A_56 = arith.subi %sign3A_51, %sign3A_55 : vector<16x128xi32>
    %sign3A_57 = arith.constant 0 : i32
    %sign3A_58 = arith.cmpi sgt, %jit3A_47, %sign3A_57 : i32
    %sign3A_59 = arith.extui %sign3A_58 : i1 to i32
    %sign3A_60 = arith.constant 0 : i32
    %sign3A_61 = arith.cmpi slt, %jit3A_47, %sign3A_60 : i32
    %sign3A_62 = arith.extui %sign3A_61 : i1 to i32
    %sign3A_63 = arith.subi %sign3A_59, %sign3A_62 : i32
    %ne3A_64 = vector.broadcast %sign3A_63 : i32 to vector<16x128xi32>
    %ne3A_65 = arith.cmpi ne, %sign3A_56, %ne3A_64 : vector<16x128xi32>
    %rem3A_66 = vector.broadcast %jit3A_47 : i32 to vector<16x128xi32>
    %rem3A_67 = arith.remsi %iota3A_6, %rem3A_66 : vector<16x128xi32>
    %ne3A_68 = arith.constant 0 : i32
    %ne3A_69 = vector.broadcast %ne3A_68 : i32 to vector<16x128xi32>
    %ne3A_70 = arith.cmpi ne, %rem3A_67, %ne3A_69 : vector<16x128xi32>
    %and3A_71 = arith.andi %ne3A_65, %ne3A_70 : vector<16x128xi1>
    %sub3A = arith.constant 1 : i32
    %sub3A_72 = vector.broadcast %sub3A : i32 to vector<16x128xi32>
    %sub3A_73 = arith.subi %div3A_48, %sub3A_72 : vector<16x128xi32>
    %select_n3A_74 = arith.select %and3A_71, %sub3A_73, %div3A_48 : vector<16x128xi1>, vector<16x128xi32>
    %eq3A_75 = arith.cmpi eq, %select_n3A_46, %select_n3A_74 : vector<16x128xi32>
    %jit3A_76 = arith.constant 0.000000e+00 : f32
    %broadcast_in_dim3A = vector.broadcast %jit3A_76 : f32 to vector<16x128xf32>
    %select_n3A_77 = arith.select %eq3A_75, %dot_general3A_24, %broadcast_in_dim3A : vector<16x128xi1>, vector<16x128xf32>
    %iota3A_78 = tpu.iota {dimensions = array<i32: 0>} : vector<2x16xi32>
    %iota3A_79 = tpu.iota {dimensions = array<i32: 1>} : vector<2x16xi32>
    %jit3A_80 = arith.constant 8 : i32
    %div3A_81 = vector.broadcast %jit3A_80 : i32 to vector<2x16xi32>
    %div3A_82 = arith.divsi %iota3A_79, %div3A_81 : vector<2x16xi32>
    %sign3A_83 = arith.constant 0 : i32
    %sign3A_84 = vector.broadcast %sign3A_83 : i32 to vector<2x16xi32>
    %sign3A_85 = arith.cmpi sgt, %iota3A_79, %sign3A_84 : vector<2x16xi32>
    %sign3A_86 = arith.extui %sign3A_85 : vector<2x16xi1> to vector<2x16xi32>
    %sign3A_87 = arith.constant 0 : i32
    %sign3A_88 = vector.broadcast %sign3A_87 : i32 to vector<2x16xi32>
    %sign3A_89 = arith.cmpi slt, %iota3A_79, %sign3A_88 : vector<2x16xi32>
    %sign3A_90 = arith.extui %sign3A_89 : vector<2x16xi1> to vector<2x16xi32>
    %sign3A_91 = arith.subi %sign3A_86, %sign3A_90 : vector<2x16xi32>
    %sign3A_92 = arith.constant 0 : i32
    %sign3A_93 = arith.cmpi sgt, %jit3A_80, %sign3A_92 : i32
    %sign3A_94 = arith.extui %sign3A_93 : i1 to i32
    %sign3A_95 = arith.constant 0 : i32
    %sign3A_96 = arith.cmpi slt, %jit3A_80, %sign3A_95 : i32
    %sign3A_97 = arith.extui %sign3A_96 : i1 to i32
    %sign3A_98 = arith.subi %sign3A_94, %sign3A_97 : i32
    %ne3A_99 = vector.broadcast %sign3A_98 : i32 to vector<2x16xi32>
    %ne3A_100 = arith.cmpi ne, %sign3A_91, %ne3A_99 : vector<2x16xi32>
    %rem3A_101 = vector.broadcast %jit3A_80 : i32 to vector<2x16xi32>
    %rem3A_102 = arith.remsi %iota3A_79, %rem3A_101 : vector<2x16xi32>
    %ne3A_103 = arith.constant 0 : i32
    %ne3A_104 = vector.broadcast %ne3A_103 : i32 to vector<2x16xi32>
    %ne3A_105 = arith.cmpi ne, %rem3A_102, %ne3A_104 : vector<2x16xi32>
    %and3A_106 = arith.andi %ne3A_100, %ne3A_105 : vector<2x16xi1>
    %sub3A_107 = arith.constant 1 : i32
    %sub3A_108 = vector.broadcast %sub3A_107 : i32 to vector<2x16xi32>
    %sub3A_109 = arith.subi %div3A_82, %sub3A_108 : vector<2x16xi32>
    %select_n3A_110 = arith.select %and3A_106, %sub3A_109, %div3A_82 : vector<2x16xi1>, vector<2x16xi32>
    %eq3A_111 = arith.cmpi eq, %select_n3A_110, %iota3A_78 : vector<2x16xi32>
    %convert_element_type3A_112 = arith.extui %eq3A_111 : vector<2x16xi1> to vector<2x16xi32>
    %convert_element_type3A_113 = arith.sitofp %convert_element_type3A_112 : vector<2x16xi32> to vector<2x16xf32>
    %dot_general3A_114 = arith.constant dense<0.000000e+00> : vector<2x128xf32>
    %dot_general3A_115 = tpu.matmul %convert_element_type3A_113, %select_n3A_77, %dot_general3A_114 {dimension_numbers = #tpu.dot_dimension_numbers<[1], [0], [0], [1], [0, 0, 1, 1], [], []>, transpose_lhs_hint = false} : vector<2x16xf32>, vector<16x128xf32>, vector<2x128xf32> -> vector<2x128xf32>
    %swap3A = arith.constant 0 : index
    %swap3A_116 = arith.constant 0 : index
    %swap3A_117 = vector.load %arg2[%swap3A, %swap3A_116] : memref<2x128xf32, #tpu.memory_space<vmem>>, vector<2x128xf32>
    tpu.vector_store %arg2[%swap3A, %swap3A_116], %dot_general3A_115 {strides = array<i32>} : memref<2x128xf32, #tpu.memory_space<vmem>>, vector<2x128xf32>,
    return
  }
}

</mosaic_0001>

<sc_bundles>
// kernel: kernel.4.cloned.1.call-start
scs
__scs_entry_jumppad:
0x0: {  	(pc) =	sbr.rel $0x88, $3  }
0x1: {  	(tag) =	ssettag $0x0;
	lr =	simm.s32 $0x1  }
0x2: {  	[smem:$0x3F9E] =	sst lr;
	_ =	strace $0xD0000000  }
0x3: {  	_ = 	snop  }
0x4: {  	_ = 	snop  }
0x5: {  	_ = 	snop  }
0x6: {  	_ = 	snop  }
0x7: {  	_ = 	snop  }
__scs_overlays_trampoline_lowered:
0x8: {  	[smem:$0x3FAD] =	sst s0  }
0x9: {  	[smem:$0x3FAE] =	sst s1  }
0xa: {  	[smem:$0x3FAF] =	sst s2  }
0xb: {  	[smem:$0x3FB0] =	sst s3  }
0xc: {  	[smem:$0x3FB1] =	sst s4  }
0xd: {  	[smem:$0x3FB2] =	sst s5  }
0xe: {  	[smem:$0x3FB3] =	sst s6  }
0xf: {  	[smem:$0x3FB4] =	sst s7  }
0x10: {  	[smem:$0x3FB5] =	sst s8  }
0x11: {  	[smem:$0x3FB6] =	sst s9;
	s0 =	simm.s32 @!p0 $0x0  }
0x12: {  	s1 =	sld [smem:$0x3F9C];
	s0 =	simm.s32 @p0 $0x1  }
0x13: {  	[smem:$0x3FB7] =	sst s0;
	s0 =	simm.s32 @!p1 $0x0  }
0x14: {  	s2 =	sld [smem:$0x3F9B];
	s0 =	simm.s32 @p1 $0x1  }
0x15: {  	[smem:$0x3FB8] =	sst s0;
	s0 =	simm.s32 @!p2 $0x0  }
0x16: {  	s3 =	sld [smem:$0x3FDB];
	s0 =	simm.s32 @p2 $0x1  }
0x17: {  	s4 =	simm.s32 $0x1BF5;
	[smem:$0x3FBA] =	sst s0  }
0x18: {  	s0 =	sld [smem:$0x3F9D];
	_ =	swait.ge [sflag:s4], $0x0  }
0x19: {  	s7 =	sld [smem:$0x3F9E]  }
0x1a: {  	s8 =	sadd.s32 $0xFFFFE003, lr  }
0x1b: {  	s9 =	sadd.s32 $0xFFFFFEF7, lr;
	s5 =	simm.s32 $0xFFFFFFFF;
	p2 =	slt.u32 s8, $0xFFFFF086  }
0x1c: {  	p1 =	slt.u32 s9, $0xF7A;
	s5 =	simm.s32 @!p2 $0x0  }
0x1d: {  	s5 =	simm.s32 @p1 $0x1;
	p0 =	seq.s32 s7, s2  }
0x1e: {  	s7 =	smul.u32 @!p0 $0xF7A, s2;
	p2 =	seq.s32 @!p0 s5, $0x0  }
0x1f: {  	s9 =	smul.u32 $0xF7A, s1;
	s8 =	simm.s32 @!p0 $0x1BF5;
	p2 =	por !p2, p0  }
0x20: {  	[sflag:s8] =	ssyncset.s32 @!p0 $0xFFFFF086;
	s6 =	sadd.s32 @!p0 s3, s7;
	s7 =	simm.s32 @!p0 $0x108  }
0x21: {  	s3 =	sadd.s32 s3, s9;
	s6 =	sadd.s32 @!p0 $0x88, s6;
	s7 =	simm.s32 @p2 $0x1082  }
0x22: {  	[simem:s7], [sflag:s8] =	dma.local @!p0 [hbm:s6], $0xF7A  }
0x23: {  	s9 =	sor.u32 $0xD0000000, s2;
	s6 =	simm.s32 $0x108;
	_ =	swait.ge @!p0 [sflag:s8], $0x0  }
0x24: {  	s3 =	sadd.s32 $0x88, s3;
	s6 =	simm.s32 @!p1 $0x1082;
	[sflag:s4] =	ssyncset.s32 $0xFFFFF086  }
0x25: {  	[simem:s6], [sflag:s4] =	dma.local [hbm:s3], $0xF7A  }
0x26: {  	[smem:$0x3F9E] =	sst s1;
	(tag) =	ssettag s2;
	_ =	strace s9  }
0x27: {  	s1 =	sld [smem:$0x3FAE]  }
0x28: {  	s2 =	sld [smem:$0x3FAF]  }
0x29: {  	s4 =	sld [smem:$0x3FB1]  }
0x2a: {  	p0 =	seq.s32 s5, $0x0;
	s5 =	sld [smem:$0x3FB2]  }
0x2b: {  	s6 =	sld [smem:$0x3FB3]  }
0x2c: {  	s7 =	sld [smem:$0x3FB4]  }
0x2d: {  	s3 =	simm.s32 $0x108;
	s8 =	sld [smem:$0x3FB5]  }
0x2e: {  	s3 =	simm.s32 @!p0 $0x1082;
	s9 =	sld [smem:$0x3FB6]  }
0x2f: {  	lr =	sadd.s32 s0, s3;
	s0 =	sld [smem:$0x3FAD]  }
0x30: {  	s3 =	sld [smem:$0x3FB0]  }
0x31: {  	[smem:$0x3FB9] =	sst s10  }
0x32: {  	s10 =	sld [smem:$0x3FB7];
	_ =	sdelay $0x3  }
0x33: {  	p0 =	seq.s32 s10, $0x1;
	s10 =	sld [smem:$0x3FB9];
	_ =	sdelay $0x3  }
0x34: {  	[smem:$0x3FB9] =	sst s10  }
0x35: {  	s10 =	sld [smem:$0x3FB8];
	_ =	sdelay $0x3  }
0x36: {  	p1 =	seq.s32 s10, $0x1;
	s10 =	sld [smem:$0x3FB9];
	_ =	sdelay $0x3  }
0x37: {  	[smem:$0x3FB9] =	sst s10  }
0x38: {  	s10 =	sld [smem:$0x3FBA]  }
0x39: {  	_ = 	snop;
	(pc) =	sbr.ind lr, $3  }
0x3a: {  	_ = 	snop  }
0x3b: {  	_ = 	snop  }
0x3c: {  	p2 =	seq.s32 s10, $0x1;
	s10 =	sld [smem:$0x3FB9]  }
0x3d: {  	_ =	shalt  }
0x3e: {  	_ =	shalt  }
0x3f: {  	_ =	shalt  }
0x40: {  	_ =	shalt  }
0x41: {  	_ =	shalt  }
0x42: {  	_ =	shalt  }
0x43: {  	_ =	shalt  }
0x44: {  	_ =	shalt  }
0x45: {  	_ =	shalt  }
0x46: {  	_ =	shalt  }
0x47: {  	_ =	shalt  }
0x48: {  	_ =	shalt  }
0x49: {  	_ =	shalt  }
0x4a: {  	_ =	shalt  }
0x4b: {  	_ =	shalt  }
0x4c: {  	_ =	shalt  }
0x4d: {  	_ =	shalt  }
0x4e: {  	_ =	shalt  }
0x4f: {  	_ =	shalt  }
0x50: {  	_ =	shalt  }
0x51: {  	_ =	shalt  }
0x52: {  	_ =	shalt  }
0x53: {  	_ =	shalt  }
0x54: {  	_ =	shalt  }
0x55: {  	_ =	shalt  }
0x56: {  	_ =	shalt  }
0x57: {  	_ =	shalt  }
0x58: {  	_ =	shalt  }
0x59: {  	_ =	shalt  }
0x5a: {  	_ =	shalt  }
0x5b: {  	_ =	shalt  }
0x5c: {  	_ =	shalt  }
0x5d: {  	_ =	shalt  }
0x5e: {  	_ =	shalt  }
0x5f: {  	_ =	shalt  }
0x60: {  	_ =	shalt  }
0x61: {  	_ =	shalt  }
0x62: {  	_ =	shalt  }
0x63: {  	_ =	shalt  }
0x64: {  	_ =	shalt  }
0x65: {  	_ =	shalt  }
0x66: {  	_ =	shalt  }
0x67: {  	_ =	shalt  }
0x68: {  	_ =	shalt  }
0x69: {  	_ =	shalt  }
0x6a: {  	_ =	shalt  }
0x6b: {  	_ =	shalt  }
0x6c: {  	_ =	shalt  }
0x6d: {  	_ =	shalt  }
0x6e: {  	_ =	shalt  }
0x6f: {  	_ =	shalt  }
0x70: {  	_ =	shalt  }
0x71: {  	_ =	shalt  }
0x72: {  	_ =	shalt  }
0x73: {  	_ =	shalt  }
0x74: {  	_ =	shalt  }
0x75: {  	_ =	shalt  }
0x76: {  	_ =	shalt  }
0x77: {  	_ =	shalt  }
0x78: {  	_ =	shalt  }
0x79: {  	_ =	shalt  }
0x7a: {  	_ =	shalt  }
0x7b: {  	_ =	shalt  }
0x7c: {  	_ =	shalt  }
0x7d: {  	_ =	shalt  }
0x7e: {  	_ =	shalt  }
0x7f: {  	_ =	shalt  }
0x80: {  	_ =	shalt  }
0x81: {  	_ =	shalt  }
0x82: {  	_ =	shalt  }
0x83: {  	_ =	shalt  }
0x84: {  	_ =	shalt  }
0x85: {  	_ =	shalt  }
0x86: {  	_ =	shalt  }
0x87: {  	_ =	shalt  }
.Lfunc_end0:
.L_simem_size_0:
called_computation_lowered:
.L_overlay_start_0:
0x88: {  	s2 =	sld [smem:$0x3FD9]  }
0x89: {  	s3 =	sld [smem:$0x3FFE];
	_ =	sdelay $0x1  }
0x8a: {  	s1 =	srdreg.scid  }
0x8b: {  	s0 =	sand.u32 $0x1, s1  }
0x8c: {  	s17 =	sshll.u32 s0, $0xA;
	s2 =	sadd.s32 s3, s2  }
0x8d: {  	s2 =	sadd.s32 s2, s17  }
0x8e: {  	[smem:$0x3FC5] =	sst s2  }
0x8f: {  	_ = 	snop  }
0x90: {  	s2 =	sld [smem:$0x3FC9]  }
0x91: {  	s18 =	sld [smem:$0x3FD0];
	(tm) =	ssettm $0x1  }
0x92: {  	s4 =	sld [smem:$0x3FFB];
	_ =	sdelay $0x3  }
0x93: {  	_ =	strace s4  }
0x94: {  	s4 =	sld [smem:$0x3FFC];
	_ =	sdelay $0x3  }
0x95: {  	_ =	strace s4  }
0x96: {  	s4 =	sld [smem:$0x3FFD];
	_ =	sdelay $0x3  }
0x97: {  	_ =	strace s4  }
0x98: {  	_ =	strace $0x8FFFFFFF  }
0x99: {  	s19 =	sld [smem:$0x3FDB];
	_ =	sdelay $0x1  }
0x9a: {  	s5 =	simm.s32 $_scs_section_size  }
0x9b: {  	s6 =	simm.s32 $_size__tile_overlayer_lowered;
	s7 =	simm.s32 $_tile_overlayer_lowered  }
0x9c: {  	s22 =	simm.s32 $0x1BFF;
	s21 =	sshll.u32 s7, $0x1;
	s4 =	sadd.s32 s5, s19  }
0x9d: {  	s8 =	simm.s32 $0x0;
	s20 =	sshll.u32 s6, $0x1;
	s6 =	sadd.s32 s21, s4  }
0x9e: {  	[timem:s8], [sflag:s22] =	dma.local [hbm:s6], s20  }
0x9f: {  	_ =	swait.ge [sflag:s22], s20  }
0xa0: {  	s5 =	ssub.s32 $0x0, s20;
	[sflag:s22] =	ssyncset.done $0x0  }
0xa1: {  	[sflag:s22] =	ssyncadd.s32 s5;
	_ =	sdelay $0x1  }
0xa2: {  	s23 =	simm.s32 $0x1B8B  }
0xa3: {  	_ =	swait.ge [sflag:s23], $0x1  }
0xa4: {  	[sflag:s23] =	ssyncset.done $0x0  }
0xa5: {  	s25 =	simm.s32 $0x1B8E;
	s24 =	sld [smem:$0x3FFE];
	[sflag:s23] =	ssyncadd.s32 $0xFFFFFFFF  }
0xa6: {  	s26 =	simm.s32 $execute0_lowered;
	[smem:$0x3FD2] =	sst s25  }
0xa7: {  	s6 =	sshll.u32 s26, $0x1;
	_ =	strace $0x80000046;
	[dreg:$0x1] =	wrdreg $0xFFFFFFFF  }
0xa8: {  	s28 =	simm.s32 $_size_execute0_lowered;
	s4 =	sadd.s32 s4, s6;
	[dreg:$0x0] =	wrdreg $0x0  }
0xa9: {  	s6 =	sshll.u32 s28, $0x1;
	[dreg:$0x2] =	wrdreg s4  }
0xaa: {  	[dreg:$0x3] =	wrdreg s6  }
0xab: {  	[dreg:$0x4] =	wrdreg $0xC0  }
0xac: {  	_ =	task [dreg:s8], $0x5FFFF  }
0xad: {  	[dreg:$0x1] =	wrdreg $0xFFFFFFFF  }
0xae: {  	[dreg:$0x0] =	wrdreg $0x60  }
0xaf: {  	[dreg:$0x2] =	wrdreg s24  }
0xb0: {  	[dreg:$0x3] =	wrdreg s2  }
0xb1: {  	[dreg:$0x4] =	wrdreg s18  }
0xb2: {  	[dreg:$0x5] =	wrdreg $0x9  }
0xb3: {  	_ =	task.clear_ibuf [dreg:s8], $0x6FFFF;
	_ =	strace $0x90000046  }
0xb4: {  	s29 =	simm.s32 $0x9;
	_ =	strace $0x80000048  }
0xb5: {  	_ =	swait.ge [sflag:s29], $0x1  }
0xb6: {  	[sflag:s29] =	ssyncadd.s32 $0xFFFFFFFF  }
0xb7: {  	_ =	strace $0x90000048  }
0xb8: {  	_ =	sfence  }
0xb9: {  	s30 =	sld [smem:$0x0];
	_ =	sdelay $0x2  }
0xba: {  	s31 =	sshll.u32 s1, $0xD;
	s1 =	sshrl.u32 s1, $0x2  }
0xbb: {  	s3 =	sand.u32 $0x4000, s31;
	s1 =	sadd.s32 s1, s30  }
0xbc: {  	s0 =	sor.u32 s3, s0;
	s1 =	sshll.u32 s1, $0x11  }
0xbd: {  	s0 =	sor.u32 s1, s0  }
0xbe: {  	s0 =	sadd.s32 $0x8F2B, s0  }
0xbf: {  	[sflag:s0] =	ssyncadd.remote.s32 $0x1  }
0xc0: {  	_ =	sfence.sel $0xFFFF  }
0xc1: {  	[dreg:$0x0] =	wrdreg $0xFFFFFFFF;
	(pc) =	sbr.abs _section_cstart, $3  }
0xc2: {  	[dreg:$0x1] =	wrdreg $0xFFFFFFFF  }
0xc3: {  	_ =	task.clear_ibuf [dreg:s8], $0x2FFFF;
	_ =	strace $0x9FFFFFFF  }
0xc4: {  	(tm) =	ssettm $0x7FFFFFFF  }
0xc5: {  	_ =	shalt  }
tec
execute0_lowered:
.L_overlay_start_1:
0x0: {  	(tag) =	ssettag $0x1  }
0x1: {  	s0 =	rddreg [dreg:$0x0]  }
0x2: {  	s1 =	rddreg [dreg:$0x1]  }
0x3: {  	s2 =	rddreg [dreg:$0x2]  }
0x4: {  	s4 =	simm.s32 $0x0;
	s3 =	srdreg.scid;
	s7 =	stileid.u32  }
0x5: {  	s17 =	simm.s32 $0x5;
	s18 =	simm.s32 $0x80;
	s19 =	simm.s32 $0x400  }
0x6: {  	s28 =	simm.s32 $0x4;
	s29 =	simm.s32 $0x0;
	[smem:$0x7FF] =	sst s4  }
0x7: {  	s3 =	sand.u32 $0x1, s3;
	s0 =	sadd.s32 $0x600, s0;
	s5 =	sshrl.u32 s7, $0x1  }
0x8: {  	s7 =	sshll.u32 s7, $0x1;
	_ =	strace $0x80000047;
	[dreg:$0x4] =	wrdreg s0  }
0x9: {  	s20 =	ssub.s32 $0x2, s3;
	s8 =	smul.u32 $0x64000, s5;
	s7 =	sand.u32 $0x2, s7  }
0xa: {  	s9 =	sshll.u32 s5, $0x7;
	s6 =	sshrl.u32 s20, $0x1;
	s3 =	sor.u32 s3, s7  }
0xb: {  	s0 =	ssub.s32 s20, s6;
	s6 =	smul.u32 $0x19, s5;
	s8 =	sand.u32 $0x3E0000, s8  }
0xc: {  	s7 =	sshll.u32 s3, $0xF;
	s5 =	smul.u32 $0x640000, s5;
	s20 =	simm.s32 $0x100  }
0xd: {  	s21 =	sor.u32 s9, s8;
	s14 =	sor.u32 $0x40000, s7;
	s15 =	sor.u32 $0x80000, s7  }
0xe: {  	s16 =	smax.u32 s0, $0x1;
	s22 =	sadd.s32 $0x1, s6;
	s3 =	sor.u32 s7, s21  }
0xf: {  	s24 =	sadd.s32 $0x2, s6;
	s30 =	sor.u32 s5, s7;
	s21 =	simm.s32 $0x1  }
0x10: {  	s23 =	sshll.u32 s22, $0xE;
	s8 =	sshll.u32 s22, $0x7;
	s3 =	sshrl.u32 s3, $0x3  }
0x11: {  	s10 =	sshll.u32 s24, $0xE;
	s9 =	sshll.u32 s24, $0x7;
	s22 =	simm.s32 $0x1100  }
0x12: {  	s24 =	simm.s32 $0xA100;
	s8 =	sor.u32 s23, s8;
	s9 =	sor.u32 s10, s9  }
0x13: {  	s3 =	sadd.s32 s1, s3;
	s10 =	sadd.s32 $0x4000, s2;
	s8 =	sand.u32 $0x7E0380, s8  }
0x14: {  	s23 =	simm.s32 $0x2100;
	s26 =	sand.u32 $0x7E0380, s9;
	s8 =	sor.u32 s7, s8  }
0x15: {  	[dreg:$0x5] =	wrdreg s3;
	s31 =	sor.u32 s7, s26;
	s25 =	sshrl.u32 s8, $0x3  }
0x16: {  	s26 =	simm.s32 $0x3;
	s5 =	sshrl.u32 s31, $0x3;
	s3 =	sadd.s32 s1, s25  }
0x17: {  	s13 =	sadd.s32 s1, s5;
	[dreg:$0x6] =	wrdreg s3;
	s3 =	sshrl.u32 s30, $0x3  }
0x18: {  	s25 =	simm.s32 $0x2;
	s11 =	sadd.s32 s2, s3;
	s12 =	sadd.s32 s3, s10  }
.LBB2_1:
0x19: {  	s0 =	rddreg [dreg:$0x4]  }
0x1a: {  	[tilespmem:s4], [sflag:$0x5] =	stream.linear.gather [hbm4b:s0+s4], $0x100, $0x38;
	[tilespmem:$0x12100] =	vst v63  }
0x1b: {  	_ =	swait.ge [sflag:s17], $0x100  }
0x1c: {  	[sflag:s17] =	ssyncset.done $0x0  }
0x1d: {  	[sflag:s17] =	ssyncadd.s32 $0xFFFFFF00  }
0x1e: {  	v0 =	vld [tilespmem:$0x0]  }
0x1f: {  	v1 =	vld [tilespmem:$0x10]  }
0x20: {  	v2 =	vld [tilespmem:$0x20]  }
0x21: {  	v3 =	vld [tilespmem:$0x30]  }
0x22: {  	v4 =	vld [tilespmem:$0x40]  }
0x23: {  	v5 =	vld [tilespmem:$0x50]  }
0x24: {  	v6 =	vld [tilespmem:$0x60]  }
0x25: {  	v7 =	vld [tilespmem:$0x70]  }
0x26: {  	v8 =	vld [tilespmem:$0x80]  }
0x27: {  	v9 =	vld [tilespmem:$0x90]  }
0x28: {  	v10 =	vld [tilespmem:$0xA0]  }
0x29: {  	v11 =	vld [tilespmem:$0xB0]  }
0x2a: {  	v12 =	vld [tilespmem:$0xC0]  }
0x2b: {  	v13 =	vld [tilespmem:$0xD0]  }
0x2c: {  	s30 =	rddreg [dreg:$0x5];
	v14 =	vld [tilespmem:$0xE0]  }
0x2d: {  	v15 =	vld [tilespmem:$0xF0];
	[tilespmem:s20], [sflag:$0x1] =	stream.strided.gather [hbm4b:s30+s18], $0x1000, s19, s18, $0x38  }
0x2e: {  	_ =	swait.ge [sflag:s21], $0x1000  }
0x2f: {  	[sflag:s21] =	ssyncset.done $0x0  }
0x30: {  	s3 =	simm.s32 $0x140;
	s31 =	rddreg [dreg:$0x6];
	[sflag:s21] =	ssyncadd.s32 $0xFFFFF000  }
0x31: {  	[tilespmem:s22], [sflag:$0x2] =	stream.strided.gather [hbm4b:s31+s18], $0x1000, s19, s18, $0x38;
	[tilespmem:$0x12100] =	vst v63  }
0x32: {  	v16 =	vld [tilespmem:s3+$0x30]  }
0x33: {  	v18 =	vld [tilespmem:s3+$0xFFFFFFD0];
	_ =	sdelay $0x1  }
0x34: {  	v19 =	vld [tilespmem:s3+$0xFFFFFFC0];
	_ =	sdelay $0x1  }
0x35: {  	v17 =	vand.u32 $0xF, v16  }
0x36: {  	v16 =	vand.u32 $0xF, v18;
	v18 =	vperm.xlane v7, v17  }
0x37: {  	s0 =	simm.s32 $0x2300;
	v20 =	vperm.xlane v0, v16  }
0x38: {  	v19 =	vand.u32 $0xF, v19;
	v21 =	vperm.xlane v1, v16;
	[tilespmem:s0+$0x1F0] =	vst v18  }
0x39: {  	v22 =	vperm.xlane v4, v19;
	[tilespmem:s0+$0xFFFFFE10] =	vst v20  }
0x3a: {  	v18 =	vperm.xlane v2, v16;
	[tilespmem:s0+$0xFFFFFE90] =	vst v21  }
0x3b: {  	v20 =	vperm.xlane v3, v16;
	[tilespmem:s0+$0x0] =	vst v22  }
0x3c: {  	v21 =	vperm.xlane v4, v16;
	[tilespmem:s0+$0xFFFFFF10] =	vst v18  }
0x3d: {  	v18 =	vperm.xlane v5, v16;
	[tilespmem:s0+$0xFFFFFF90] =	vst v20  }
0x3e: {  	v20 =	vperm.xlane v0, v19;
	[tilespmem:s0+$0x10] =	vst v21  }
0x3f: {  	v21 =	vperm.xlane v1, v19;
	[tilespmem:s0+$0x90] =	vst v18  }
0x40: {  	v18 =	vperm.xlane v2, v19;
	[tilespmem:s0+$0xFFFFFE00] =	vst v20  }
0x41: {  	v20 =	vperm.xlane v3, v19;
	[tilespmem:s0+$0xFFFFFE80] =	vst v21;
	v21 =	vld [tilespmem:s3+$0xFFFFFFE0]  }
0x42: {  	[tilespmem:s0+$0xFFFFFF00] =	vst v18;
	v18 =	vperm.xlane v5, v19  }
0x43: {  	[tilespmem:s0+$0xFFFFFF80] =	vst v20;
	v20 =	vperm.xlane v6, v19  }
0x44: {  	v19 =	vperm.xlane v7, v19;
	[tilespmem:s0+$0x80] =	vst v18  }
0x45: {  	v18 =	vperm.xlane v6, v16;
	[tilespmem:s0+$0x100] =	vst v20  }
0x46: {  	v16 =	vperm.xlane v7, v16;
	[tilespmem:s0+$0x180] =	vst v19;
	v20 =	vand.u32 $0xF, v21  }
0x47: {  	v19 =	vperm.xlane v0, v20;
	[tilespmem:s0+$0x110] =	vst v18  }
0x48: {  	v18 =	vperm.xlane v1, v20;
	[tilespmem:s0+$0x190] =	vst v16  }
0x49: {  	v16 =	vld [tilespmem:s3+$0xFFFFFFF0];
	v21 =	vperm.xlane v2, v20;
	[tilespmem:s0+$0xFFFFFE20] =	vst v19  }
0x4a: {  	v19 =	vperm.xlane v3, v20;
	[tilespmem:s0+$0xFFFFFEA0] =	vst v18  }
0x4b: {  	v18 =	vperm.xlane v4, v20;
	[tilespmem:s0+$0xFFFFFF20] =	vst v21  }
0x4c: {  	v21 =	vperm.xlane v5, v20;
	[tilespmem:s0+$0xFFFFFFA0] =	vst v19  }
0x4d: {  	v19 =	vperm.xlane v6, v20;
	[tilespmem:s0+$0x20] =	vst v18  }
0x4e: {  	v18 =	vperm.xlane v7, v20;
	[tilespmem:s0+$0xA0] =	vst v21;
	v16 =	vand.u32 $0xF, v16  }
0x4f: {  	v20 =	vperm.xlane v0, v16;
	[tilespmem:s0+$0x120] =	vst v19  }
0x50: {  	v19 =	vperm.xlane v1, v16;
	[tilespmem:s0+$0x1A0] =	vst v18  }
0x51: {  	v18 =	vld [tilespmem:s3+$0x0];
	v21 =	vperm.xlane v2, v16;
	[tilespmem:s0+$0xFFFFFE30] =	vst v20  }
0x52: {  	v20 =	vperm.xlane v3, v16;
	[tilespmem:s0+$0xFFFFFEB0] =	vst v19  }
0x53: {  	v19 =	vperm.xlane v4, v16;
	[tilespmem:s0+$0xFFFFFF30] =	vst v21  }
0x54: {  	v21 =	vperm.xlane v5, v16;
	[tilespmem:s0+$0xFFFFFFB0] =	vst v20  }
0x55: {  	v20 =	vperm.xlane v6, v16;
	[tilespmem:s0+$0x30] =	vst v19  }
0x56: {  	v16 =	vperm.xlane v7, v16;
	[tilespmem:s0+$0xB0] =	vst v21;
	v18 =	vand.u32 $0xF, v18  }
0x57: {  	v19 =	vperm.xlane v0, v18;
	[tilespmem:s0+$0x130] =	vst v20  }
0x58: {  	v20 =	vperm.xlane v1, v18;
	[tilespmem:s0+$0x1B0] =	vst v16  }
0x59: {  	v16 =	vld [tilespmem:s3+$0x10];
	v21 =	vperm.xlane v2, v18;
	[tilespmem:s0+$0xFFFFFE40] =	vst v19  }
0x5a: {  	v19 =	vperm.xlane v3, v18;
	[tilespmem:s0+$0xFFFFFEC0] =	vst v20  }
0x5b: {  	v20 =	vperm.xlane v4, v18;
	[tilespmem:s0+$0xFFFFFF40] =	vst v21  }
0x5c: {  	v21 =	vperm.xlane v5, v18;
	[tilespmem:s0+$0xFFFFFFC0] =	vst v19  }
0x5d: {  	v19 =	vperm.xlane v6, v18;
	[tilespmem:s0+$0x40] =	vst v20  }
0x5e: {  	v18 =	vperm.xlane v7, v18;
	[tilespmem:s0+$0xC0] =	vst v21;
	v16 =	vand.u32 $0xF, v16  }
0x5f: {  	v20 =	vperm.xlane v0, v16;
	[tilespmem:s0+$0x140] =	vst v19  }
0x60: {  	v19 =	vperm.xlane v1, v16;
	[tilespmem:s0+$0x1C0] =	vst v18  }
0x61: {  	v18 =	vld [tilespmem:s3+$0x20];
	v21 =	vperm.xlane v2, v16;
	[tilespmem:s0+$0xFFFFFE50] =	vst v20  }
0x62: {  	v20 =	vperm.xlane v3, v16;
	[tilespmem:s0+$0xFFFFFED0] =	vst v19  }
0x63: {  	v19 =	vperm.xlane v4, v16;
	[tilespmem:s0+$0xFFFFFF50] =	vst v21  }
0x64: {  	v21 =	vperm.xlane v5, v16;
	[tilespmem:s0+$0xFFFFFFD0] =	vst v20  }
0x65: {  	v20 =	vperm.xlane v6, v16;
	[tilespmem:s0+$0x50] =	vst v19  }
0x66: {  	v16 =	vperm.xlane v7, v16;
	[tilespmem:s0+$0xD0] =	vst v21;
	v18 =	vand.u32 $0xF, v18  }
0x67: {  	v19 =	vperm.xlane v0, v18;
	[tilespmem:s0+$0x150] =	vst v20  }
0x68: {  	v20 =	vperm.xlane v1, v18;
	[tilespmem:s0+$0x1D0] =	vst v16  }
0x69: {  	v21 =	vperm.xlane v2, v18;
	[tilespmem:s0+$0xFFFFFE60] =	vst v19  }
0x6a: {  	v23 =	vperm.xlane v1, v17;
	v25 =	vperm.xlane v5, v18;
	[tilespmem:s0+$0xFFFFFEE0] =	vst v20  }
0x6b: {  	v22 =	vperm.xlane v3, v17;
	v26 =	vperm.xlane v6, v18;
	[tilespmem:s0+$0xFFFFFF60] =	vst v21  }
0x6c: {  	v16 =	vperm.xlane v0, v17;
	v19 =	vperm.xlane v3, v18;
	[tilespmem:s0+$0xE0] =	vst v25  }
0x6d: {  	v24 =	vperm.xlane v7, v18;
	v20 =	vperm.xlane v4, v18;
	[tilespmem:s0+$0x160] =	vst v26  }
0x6e: {  	v21 =	vperm.xlane v2, v17;
	v18 =	vperm.xlane v6, v17;
	[tilespmem:s0+$0xFFFFFFE0] =	vst v19  }
0x6f: {  	s5 =	simm.s32 $0x1C0;
	s3 =	simm.s32 $0x0;
	[tilespmem:s0+$0x60] =	vst v20;
	v20 =	vperm.xlane v4, v17;
	v19 =	vperm.xlane v5, v17  }
.LBB2_2:
0x70: {  	v17 =	vld [tilespmem:s5+$0x30];
	s3 =	sadd.s32 $0x8, s3;
	[tilespmem:s0+$0x1E0] =	vst v24  }
0x71: {  	v24 =	vld [tilespmem:s5+$0xFFFFFFD0];
	p0 =	slt.u32 s3, $0xF8;
	[tilespmem:s0+$0xFFFFFE70] =	vst v16  }
0x72: {  	v25 =	vld [tilespmem:s5+$0xFFFFFFE0];
	[tilespmem:s0+$0xFFFFFEF0] =	vst v23  }
0x73: {  	v23 =	vld [tilespmem:s5+$0xFFFFFFF0];
	[tilespmem:s0+$0xFFFFFF70] =	vst v21  }
0x74: {  	v21 =	vld [tilespmem:s5+$0x0];
	[tilespmem:s0+$0xFFFFFFF0] =	vst v22  }
0x75: {  	v22 =	vld [tilespmem:s5+$0x10];
	v17 =	vand.u32 $0xF, v17;
	[tilespmem:s0+$0x70] =	vst v20  }
0x76: {  	v20 =	vand.u32 $0xF, v24;
	v24 =	vld [tilespmem:s5+$0x20];
	v16 =	vperm.xlane v0, v17;
	v26 =	vperm.xlane v7, v17;
	[tilespmem:s0+$0xF0] =	vst v19  }
0x77: {  	v19 =	vld [tilespmem:s5+$0xFFFFFFC0];
	v27 =	vperm.xlane v0, v20;
	v28 =	vperm.xlane v1, v20;
	v25 =	vand.u32 $0xF, v25;
	[tilespmem:s0+$0x170] =	vst v18;
	s0 =	sadd.s32 $0x400, s0  }
0x78: {  	v18 =	vperm.xlane v2, v20;
	v29 =	vperm.xlane v3, v20;
	v23 =	vand.u32 $0xF, v23;
	[tilespmem:s0+$0x1F0] =	vst v26  }
0x79: {  	v26 =	vperm.xlane v4, v20;
	[tilespmem:s0+$0xFFFFFE10] =	vst v27;
	v27 =	vperm.xlane v5, v20;
	v21 =	vand.u32 $0xF, v21  }
0x7a: {  	[tilespmem:s0+$0xFFFFFE90] =	vst v28;
	v28 =	vperm.xlane v6, v20;
	v20 =	vperm.xlane v7, v20;
	v22 =	vand.u32 $0xF, v22  }
0x7b: {  	v30 =	vperm.xlane v1, v25;
	[tilespmem:s0+$0xFFFFFF10] =	vst v18;
	v18 =	vperm.xlane v0, v25;
	v24 =	vand.u32 $0xF, v24  }
0x7c: {  	v31 =	vperm.xlane v3, v25;
	v19 =	vand.u32 $0xF, v19;
	[tilespmem:s0+$0xFFFFFF90] =	vst v29;
	v29 =	vperm.xlane v2, v25  }
0x7d: {  	v32 =	vperm.xlane v0, v19;
	v33 =	vperm.xlane v1, v19;
	[tilespmem:s0+$0x10] =	vst v26  }
0x7e: {  	v26 =	vperm.xlane v2, v19;
	v34 =	vperm.xlane v3, v19;
	[tilespmem:s0+$0x90] =	vst v27  }
0x7f: {  	v27 =	vperm.xlane v4, v19;
	[tilespmem:s0+$0xFFFFFE00] =	vst v32;
	v32 =	vperm.xlane v5, v19  }
0x80: {  	[tilespmem:s0+$0xFFFFFE80] =	vst v33;
	v33 =	vperm.xlane v6, v19;
	v19 =	vperm.xlane v7, v19  }
0x81: {  	v35 =	vperm.xlane v5, v25;
	[tilespmem:s0+$0xFFFFFF00] =	vst v26;
	v26 =	vperm.xlane v4, v25  }
0x82: {  	[tilespmem:s0+$0xFFFFFF80] =	vst v34;
	v34 =	vperm.xlane v6, v25;
	v25 =	vperm.xlane v7, v25  }
0x83: {  	v36 =	vperm.xlane v1, v23;
	[tilespmem:s0+$0x0] =	vst v27;
	v27 =	vperm.xlane v0, v23  }
0x84: {  	v37 =	vperm.xlane v3, v23;
	[tilespmem:s0+$0x80] =	vst v32;
	v32 =	vperm.xlane v2, v23  }
0x85: {  	v38 =	vperm.xlane v5, v23;
	[tilespmem:s0+$0x100] =	vst v33;
	v33 =	vperm.xlane v4, v23  }
0x86: {  	v39 =	vperm.xlane v6, v23;
	v40 =	vperm.xlane v7, v23;
	[tilespmem:s0+$0x180] =	vst v19  }
0x87: {  	v41 =	vperm.xlane v1, v21;
	[tilespmem:s0+$0x110] =	vst v28;
	v28 =	vperm.xlane v0, v21  }
0x88: {  	v42 =	vperm.xlane v2, v21;
	v43 =	vperm.xlane v3, v21;
	[tilespmem:s0+$0x190] =	vst v20  }
0x89: {  	v44 =	vperm.xlane v4, v21;
	v45 =	vperm.xlane v5, v21;
	[tilespmem:s0+$0xFFFFFE20] =	vst v18  }
0x8a: {  	v46 =	vperm.xlane v7, v21;
	[tilespmem:s0+$0xFFFFFEA0] =	vst v30;
	v30 =	vperm.xlane v6, v21  }
0x8b: {  	v47 =	vperm.xlane v1, v22;
	[tilespmem:s0+$0xFFFFFF20] =	vst v29;
	v29 =	vperm.xlane v0, v22  }
0x8c: {  	v48 =	vperm.xlane v3, v22;
	[tilespmem:s0+$0xFFFFFFA0] =	vst v31;
	v31 =	vperm.xlane v2, v22  }
0x8d: {  	v49 =	vperm.xlane v5, v22;
	[tilespmem:s0+$0x20] =	vst v26;
	v26 =	vperm.xlane v4, v22  }
0x8e: {  	v50 =	vperm.xlane v7, v22;
	[tilespmem:s0+$0xA0] =	vst v35;
	v35 =	vperm.xlane v6, v22  }
0x8f: {  	v51 =	vperm.xlane v1, v24;
	[tilespmem:s0+$0x120] =	vst v34;
	v34 =	vperm.xlane v0, v24  }
0x90: {  	v52 =	vperm.xlane v3, v24;
	[tilespmem:s0+$0x1A0] =	vst v25;
	v25 =	vperm.xlane v2, v24  }
0x91: {  	v53 =	vperm.xlane v5, v24;
	[tilespmem:s0+$0xFFFFFE30] =	vst v27;
	v27 =	vperm.xlane v4, v24  }
0x92: {  	[tilespmem:s0+$0xFFFFFEB0] =	vst v36;
	v36 =	vperm.xlane v6, v24;
	v24 =	vperm.xlane v7, v24  }
0x93: {  	v23 =	vperm.xlane v1, v17;
	v21 =	vperm.xlane v2, v17;
	[tilespmem:s0+$0xFFFFFF30] =	vst v32  }
0x94: {  	v20 =	vperm.xlane v4, v17;
	v22 =	vperm.xlane v3, v17;
	[tilespmem:s0+$0xFFFFFFB0] =	vst v37  }
0x95: {  	v19 =	vperm.xlane v5, v17;
	v18 =	vperm.xlane v6, v17;
	[tilespmem:s0+$0x30] =	vst v33  }
0x96: {  	[tilespmem:s0+$0xB0] =	vst v38  }
0x97: {  	[tilespmem:s0+$0x130] =	vst v39  }
0x98: {  	[tilespmem:s0+$0x1B0] =	vst v40  }
0x99: {  	[tilespmem:s0+$0xFFFFFE40] =	vst v28  }
0x9a: {  	[tilespmem:s0+$0xFFFFFEC0] =	vst v41  }
0x9b: {  	[tilespmem:s0+$0xFFFFFF40] =	vst v42  }
0x9c: {  	[tilespmem:s0+$0xFFFFFFC0] =	vst v43  }
0x9d: {  	[tilespmem:s0+$0x40] =	vst v44  }
0x9e: {  	[tilespmem:s0+$0xC0] =	vst v45  }
0x9f: {  	[tilespmem:s0+$0x140] =	vst v30  }
0xa0: {  	[tilespmem:s0+$0x1C0] =	vst v46  }
0xa1: {  	[tilespmem:s0+$0xFFFFFE50] =	vst v29  }
0xa2: {  	[tilespmem:s0+$0xFFFFFED0] =	vst v47  }
0xa3: {  	[tilespmem:s0+$0xFFFFFF50] =	vst v31  }
0xa4: {  	[tilespmem:s0+$0xFFFFFFD0] =	vst v48  }
0xa5: {  	[tilespmem:s0+$0x50] =	vst v26  }
0xa6: {  	[tilespmem:s0+$0xD0] =	vst v49  }
0xa7: {  	[tilespmem:s0+$0x150] =	vst v35  }
0xa8: {  	[tilespmem:s0+$0x1D0] =	vst v50  }
0xa9: {  	[tilespmem:s0+$0xFFFFFE60] =	vst v34  }
0xaa: {  	[tilespmem:s0+$0xFFFFFEE0] =	vst v51  }
.Ltmp0:
0xab: {  	[tilespmem:s0+$0xFFFFFF60] =	vst v25;
	(pc) =	sbr.rel @p0 .LBB2_2-.Ltmp0, $4  }
0xac: {  	[tilespmem:s0+$0xFFFFFFE0] =	vst v52  }
0xad: {  	[tilespmem:s0+$0x60] =	vst v27  }
0xae: {  	[tilespmem:s0+$0xE0] =	vst v53  }
0xaf: {  	s5 =	sadd.s32 $0x80, s5;
	[tilespmem:s0+$0x160] =	vst v36  }
0xb0: {  	[tilespmem:s0+$0x1E0] =	vst v24  }
0xb1: {  	[tilespmem:s0+$0xFFFFFE70] =	vst v16  }
0xb2: {  	[tilespmem:s0+$0xFFFFFEF0] =	vst v23  }
0xb3: {  	[tilespmem:s0+$0xFFFFFF70] =	vst v21  }
0xb4: {  	[tilespmem:s0+$0xFFFFFFF0] =	vst v22  }
0xb5: {  	[tilespmem:s0+$0x70] =	vst v20  }
0xb6: {  	[tilespmem:s0+$0xF0] =	vst v19  }
0xb7: {  	[tilespmem:s0+$0x170] =	vst v18;
	s3 =	simm.s32 $0x140  }
0xb8: {  	[hbm4b:s11+s4] =	stream.linear.scatter [tilespmem:s23], [sflag:$0x3], $0x8000, $0x38;
	[tilespmem:$0x12100] =	vst v63  }
0xb9: {  	v16 =	vld [tilespmem:s3+$0x30]  }
0xba: {  	v18 =	vld [tilespmem:s3+$0xFFFFFFD0];
	_ =	sdelay $0x1  }
0xbb: {  	v19 =	vld [tilespmem:s3+$0xFFFFFFC0];
	_ =	sdelay $0x1  }
0xbc: {  	v17 =	vand.u32 $0xF, v16  }
0xbd: {  	v16 =	vand.u32 $0xF, v18;
	v18 =	vperm.xlane v15, v17  }
0xbe: {  	s0 =	simm.s32 $0xA300;
	v20 =	vperm.xlane v8, v16  }
0xbf: {  	v19 =	vand.u32 $0xF, v19;
	v21 =	vperm.xlane v9, v16;
	[tilespmem:s0+$0x1F0] =	vst v18  }
0xc0: {  	v22 =	vperm.xlane v12, v19;
	[tilespmem:s0+$0xFFFFFE10] =	vst v20  }
0xc1: {  	v18 =	vperm.xlane v10, v16;
	[tilespmem:s0+$0xFFFFFE90] =	vst v21  }
0xc2: {  	v20 =	vperm.xlane v11, v16;
	[tilespmem:s0+$0x0] =	vst v22  }
0xc3: {  	v21 =	vperm.xlane v12, v16;
	[tilespmem:s0+$0xFFFFFF10] =	vst v18  }
0xc4: {  	v18 =	vperm.xlane v13, v16;
	[tilespmem:s0+$0xFFFFFF90] =	vst v20  }
0xc5: {  	v20 =	vperm.xlane v8, v19;
	[tilespmem:s0+$0x10] =	vst v21  }
0xc6: {  	v21 =	vperm.xlane v9, v19;
	[tilespmem:s0+$0x90] =	vst v18  }
0xc7: {  	v18 =	vperm.xlane v10, v19;
	[tilespmem:s0+$0xFFFFFE00] =	vst v20  }
0xc8: {  	v20 =	vperm.xlane v11, v19;
	[tilespmem:s0+$0xFFFFFE80] =	vst v21;
	v21 =	vld [tilespmem:s3+$0xFFFFFFE0]  }
0xc9: {  	[tilespmem:s0+$0xFFFFFF00] =	vst v18;
	v18 =	vperm.xlane v13, v19  }
0xca: {  	[tilespmem:s0+$0xFFFFFF80] =	vst v20;
	v20 =	vperm.xlane v14, v19  }
0xcb: {  	v19 =	vperm.xlane v15, v19;
	[tilespmem:s0+$0x80] =	vst v18  }
0xcc: {  	v18 =	vperm.xlane v14, v16;
	[tilespmem:s0+$0x100] =	vst v20  }
0xcd: {  	v16 =	vperm.xlane v15, v16;
	[tilespmem:s0+$0x180] =	vst v19;
	v20 =	vand.u32 $0xF, v21  }
0xce: {  	v19 =	vperm.xlane v8, v20;
	[tilespmem:s0+$0x110] =	vst v18  }
0xcf: {  	v18 =	vperm.xlane v9, v20;
	[tilespmem:s0+$0x190] =	vst v16  }
0xd0: {  	v16 =	vld [tilespmem:s3+$0xFFFFFFF0];
	v21 =	vperm.xlane v10, v20;
	[tilespmem:s0+$0xFFFFFE20] =	vst v19  }
0xd1: {  	v19 =	vperm.xlane v11, v20;
	[tilespmem:s0+$0xFFFFFEA0] =	vst v18  }
0xd2: {  	v18 =	vperm.xlane v12, v20;
	[tilespmem:s0+$0xFFFFFF20] =	vst v21  }
0xd3: {  	v21 =	vperm.xlane v13, v20;
	[tilespmem:s0+$0xFFFFFFA0] =	vst v19  }
0xd4: {  	v19 =	vperm.xlane v14, v20;
	[tilespmem:s0+$0x20] =	vst v18  }
0xd5: {  	v18 =	vperm.xlane v15, v20;
	[tilespmem:s0+$0xA0] =	vst v21;
	v16 =	vand.u32 $0xF, v16  }
0xd6: {  	v20 =	vperm.xlane v8, v16;
	[tilespmem:s0+$0x120] =	vst v19  }
0xd7: {  	v19 =	vperm.xlane v9, v16;
	[tilespmem:s0+$0x1A0] =	vst v18  }
0xd8: {  	v18 =	vld [tilespmem:s3+$0x0];
	v21 =	vperm.xlane v10, v16;
	[tilespmem:s0+$0xFFFFFE30] =	vst v20  }
0xd9: {  	v20 =	vperm.xlane v11, v16;
	[tilespmem:s0+$0xFFFFFEB0] =	vst v19  }
0xda: {  	v19 =	vperm.xlane v12, v16;
	[tilespmem:s0+$0xFFFFFF30] =	vst v21  }
0xdb: {  	v21 =	vperm.xlane v13, v16;
	[tilespmem:s0+$0xFFFFFFB0] =	vst v20  }
0xdc: {  	v20 =	vperm.xlane v14, v16;
	[tilespmem:s0+$0x30] =	vst v19  }
0xdd: {  	v16 =	vperm.xlane v15, v16;
	[tilespmem:s0+$0xB0] =	vst v21;
	v18 =	vand.u32 $0xF, v18  }
0xde: {  	v19 =	vperm.xlane v8, v18;
	[tilespmem:s0+$0x130] =	vst v20  }
0xdf: {  	v20 =	vperm.xlane v9, v18;
	[tilespmem:s0+$0x1B0] =	vst v16  }
0xe0: {  	v16 =	vld [tilespmem:s3+$0x10];
	v21 =	vperm.xlane v10, v18;
	[tilespmem:s0+$0xFFFFFE40] =	vst v19  }
0xe1: {  	v19 =	vperm.xlane v11, v18;
	[tilespmem:s0+$0xFFFFFEC0] =	vst v20  }
0xe2: {  	v20 =	vperm.xlane v12, v18;
	[tilespmem:s0+$0xFFFFFF40] =	vst v21  }
0xe3: {  	v21 =	vperm.xlane v13, v18;
	[tilespmem:s0+$0xFFFFFFC0] =	vst v19  }
0xe4: {  	v19 =	vperm.xlane v14, v18;
	[tilespmem:s0+$0x40] =	vst v20  }
0xe5: {  	v18 =	vperm.xlane v15, v18;
	[tilespmem:s0+$0xC0] =	vst v21;
	v16 =	vand.u32 $0xF, v16  }
0xe6: {  	v20 =	vperm.xlane v8, v16;
	[tilespmem:s0+$0x140] =	vst v19  }
0xe7: {  	v19 =	vperm.xlane v9, v16;
	[tilespmem:s0+$0x1C0] =	vst v18  }
0xe8: {  	v18 =	vld [tilespmem:s3+$0x20];
	v21 =	vperm.xlane v10, v16;
	[tilespmem:s0+$0xFFFFFE50] =	vst v20  }
0xe9: {  	v20 =	vperm.xlane v11, v16;
	[tilespmem:s0+$0xFFFFFED0] =	vst v19  }
0xea: {  	v19 =	vperm.xlane v12, v16;
	[tilespmem:s0+$0xFFFFFF50] =	vst v21  }
0xeb: {  	v21 =	vperm.xlane v13, v16;
	[tilespmem:s0+$0xFFFFFFD0] =	vst v20  }
0xec: {  	v20 =	vperm.xlane v14, v16;
	[tilespmem:s0+$0x50] =	vst v19  }
0xed: {  	v16 =	vperm.xlane v15, v16;
	[tilespmem:s0+$0xD0] =	vst v21;
	v18 =	vand.u32 $0xF, v18  }
0xee: {  	v19 =	vperm.xlane v8, v18;
	[tilespmem:s0+$0x150] =	vst v20  }
0xef: {  	v20 =	vperm.xlane v9, v18;
	[tilespmem:s0+$0x1D0] =	vst v16  }
0xf0: {  	v21 =	vperm.xlane v10, v18;
	[tilespmem:s0+$0xFFFFFE60] =	vst v19  }
0xf1: {  	v23 =	vperm.xlane v9, v17;
	v25 =	vperm.xlane v13, v18;
	[tilespmem:s0+$0xFFFFFEE0] =	vst v20  }
0xf2: {  	v22 =	vperm.xlane v11, v17;
	v26 =	vperm.xlane v14, v18;
	[tilespmem:s0+$0xFFFFFF60] =	vst v21  }
0xf3: {  	v16 =	vperm.xlane v8, v17;
	v19 =	vperm.xlane v11, v18;
	[tilespmem:s0+$0xE0] =	vst v25  }
0xf4: {  	v24 =	vperm.xlane v15, v18;
	v20 =	vperm.xlane v12, v18;
	[tilespmem:s0+$0x160] =	vst v26  }
0xf5: {  	v21 =	vperm.xlane v10, v17;
	v18 =	vperm.xlane v14, v17;
	[tilespmem:s0+$0xFFFFFFE0] =	vst v19  }
0xf6: {  	s5 =	simm.s32 $0x1C0;
	s3 =	simm.s32 $0x0;
	[tilespmem:s0+$0x60] =	vst v20;
	v20 =	vperm.xlane v12, v17;
	v19 =	vperm.xlane v13, v17  }
.LBB2_4:
0xf7: {  	v17 =	vld [tilespmem:s5+$0x30];
	s3 =	sadd.s32 $0x8, s3;
	[tilespmem:s0+$0x1E0] =	vst v24  }
0xf8: {  	v24 =	vld [tilespmem:s5+$0xFFFFFFD0];
	p0 =	slt.u32 s3, $0xF8;
	[tilespmem:s0+$0xFFFFFE70] =	vst v16  }
0xf9: {  	v25 =	vld [tilespmem:s5+$0xFFFFFFE0];
	[tilespmem:s0+$0xFFFFFEF0] =	vst v23  }
0xfa: {  	v23 =	vld [tilespmem:s5+$0xFFFFFFF0];
	[tilespmem:s0+$0xFFFFFF70] =	vst v21  }
0xfb: {  	v21 =	vld [tilespmem:s5+$0x0];
	[tilespmem:s0+$0xFFFFFFF0] =	vst v22  }
0xfc: {  	v22 =	vld [tilespmem:s5+$0x10];
	v17 =	vand.u32 $0xF, v17;
	[tilespmem:s0+$0x70] =	vst v20  }
0xfd: {  	v20 =	vand.u32 $0xF, v24;
	v24 =	vld [tilespmem:s5+$0x20];
	v16 =	vperm.xlane v8, v17;
	v26 =	vperm.xlane v15, v17;
	[tilespmem:s0+$0xF0] =	vst v19  }
0xfe: {  	v19 =	vld [tilespmem:s5+$0xFFFFFFC0];
	v27 =	vperm.xlane v8, v20;
	v28 =	vperm.xlane v9, v20;
	v25 =	vand.u32 $0xF, v25;
	[tilespmem:s0+$0x170] =	vst v18;
	s0 =	sadd.s32 $0x400, s0  }
0xff: {  	v18 =	vperm.xlane v10, v20;
	v29 =	vperm.xlane v11, v20;
	v23 =	vand.u32 $0xF, v23;
	[tilespmem:s0+$0x1F0] =	vst v26  }
0x100: {  	v26 =	vperm.xlane v12, v20;
	[tilespmem:s0+$0xFFFFFE10] =	vst v27;
	v27 =	vperm.xlane v13, v20;
	v21 =	vand.u32 $0xF, v21  }
0x101: {  	[tilespmem:s0+$0xFFFFFE90] =	vst v28;
	v28 =	vperm.xlane v14, v20;
	v20 =	vperm.xlane v15, v20;
	v22 =	vand.u32 $0xF, v22  }
0x102: {  	v30 =	vperm.xlane v9, v25;
	[tilespmem:s0+$0xFFFFFF10] =	vst v18;
	v18 =	vperm.xlane v8, v25;
	v24 =	vand.u32 $0xF, v24  }
0x103: {  	v31 =	vperm.xlane v11, v25;
	v19 =	vand.u32 $0xF, v19;
	[tilespmem:s0+$0xFFFFFF90] =	vst v29;
	v29 =	vperm.xlane v10, v25  }
0x104: {  	v32 =	vperm.xlane v8, v19;
	v33 =	vperm.xlane v9, v19;
	[tilespmem:s0+$0x10] =	vst v26  }
0x105: {  	v26 =	vperm.xlane v10, v19;
	v34 =	vperm.xlane v11, v19;
	[tilespmem:s0+$0x90] =	vst v27  }
0x106: {  	v27 =	vperm.xlane v12, v19;
	[tilespmem:s0+$0xFFFFFE00] =	vst v32;
	v32 =	vperm.xlane v13, v19  }
0x107: {  	[tilespmem:s0+$0xFFFFFE80] =	vst v33;
	v33 =	vperm.xlane v14, v19;
	v19 =	vperm.xlane v15, v19  }
0x108: {  	v35 =	vperm.xlane v13, v25;
	[tilespmem:s0+$0xFFFFFF00] =	vst v26;
	v26 =	vperm.xlane v12, v25  }
0x109: {  	[tilespmem:s0+$0xFFFFFF80] =	vst v34;
	v34 =	vperm.xlane v14, v25;
	v25 =	vperm.xlane v15, v25  }
0x10a: {  	v36 =	vperm.xlane v9, v23;
	[tilespmem:s0+$0x0] =	vst v27;
	v27 =	vperm.xlane v8, v23  }
0x10b: {  	v37 =	vperm.xlane v11, v23;
	[tilespmem:s0+$0x80] =	vst v32;
	v32 =	vperm.xlane v10, v23  }
0x10c: {  	v38 =	vperm.xlane v13, v23;
	[tilespmem:s0+$0x100] =	vst v33;
	v33 =	vperm.xlane v12, v23  }
0x10d: {  	v39 =	vperm.xlane v14, v23;
	v40 =	vperm.xlane v15, v23;
	[tilespmem:s0+$0x180] =	vst v19  }
0x10e: {  	v41 =	vperm.xlane v9, v21;
	[tilespmem:s0+$0x110] =	vst v28;
	v28 =	vperm.xlane v8, v21  }
0x10f: {  	v42 =	vperm.xlane v10, v21;
	v43 =	vperm.xlane v11, v21;
	[tilespmem:s0+$0x190] =	vst v20  }
0x110: {  	v44 =	vperm.xlane v12, v21;
	v45 =	vperm.xlane v13, v21;
	[tilespmem:s0+$0xFFFFFE20] =	vst v18  }
0x111: {  	v46 =	vperm.xlane v15, v21;
	[tilespmem:s0+$0xFFFFFEA0] =	vst v30;
	v30 =	vperm.xlane v14, v21  }
0x112: {  	v47 =	vperm.xlane v9, v22;
	[tilespmem:s0+$0xFFFFFF20] =	vst v29;
	v29 =	vperm.xlane v8, v22  }
0x113: {  	v48 =	vperm.xlane v11, v22;
	[tilespmem:s0+$0xFFFFFFA0] =	vst v31;
	v31 =	vperm.xlane v10, v22  }
0x114: {  	v49 =	vperm.xlane v13, v22;
	[tilespmem:s0+$0x20] =	vst v26;
	v26 =	vperm.xlane v12, v22  }
0x115: {  	v50 =	vperm.xlane v15, v22;
	[tilespmem:s0+$0xA0] =	vst v35;
	v35 =	vperm.xlane v14, v22  }
0x116: {  	v51 =	vperm.xlane v9, v24;
	[tilespmem:s0+$0x120] =	vst v34;
	v34 =	vperm.xlane v8, v24  }
0x117: {  	v52 =	vperm.xlane v11, v24;
	[tilespmem:s0+$0x1A0] =	vst v25;
	v25 =	vperm.xlane v10, v24  }
0x118: {  	v53 =	vperm.xlane v13, v24;
	[tilespmem:s0+$0xFFFFFE30] =	vst v27;
	v27 =	vperm.xlane v12, v24  }
0x119: {  	[tilespmem:s0+$0xFFFFFEB0] =	vst v36;
	v36 =	vperm.xlane v14, v24;
	v24 =	vperm.xlane v15, v24  }
0x11a: {  	v23 =	vperm.xlane v9, v17;
	v21 =	vperm.xlane v10, v17;
	[tilespmem:s0+$0xFFFFFF30] =	vst v32  }
0x11b: {  	v20 =	vperm.xlane v12, v17;
	v22 =	vperm.xlane v11, v17;
	[tilespmem:s0+$0xFFFFFFB0] =	vst v37  }
0x11c: {  	v19 =	vperm.xlane v13, v17;
	v18 =	vperm.xlane v14, v17;
	[tilespmem:s0+$0x30] =	vst v33  }
0x11d: {  	[tilespmem:s0+$0xB0] =	vst v38  }
0x11e: {  	[tilespmem:s0+$0x130] =	vst v39  }
0x11f: {  	[tilespmem:s0+$0x1B0] =	vst v40  }
0x120: {  	[tilespmem:s0+$0xFFFFFE40] =	vst v28  }
0x121: {  	[tilespmem:s0+$0xFFFFFEC0] =	vst v41  }
0x122: {  	[tilespmem:s0+$0xFFFFFF40] =	vst v42  }
0x123: {  	[tilespmem:s0+$0xFFFFFFC0] =	vst v43  }
0x124: {  	[tilespmem:s0+$0x40] =	vst v44  }
0x125: {  	[tilespmem:s0+$0xC0] =	vst v45  }
0x126: {  	[tilespmem:s0+$0x140] =	vst v30  }
0x127: {  	[tilespmem:s0+$0x1C0] =	vst v46  }
0x128: {  	[tilespmem:s0+$0xFFFFFE50] =	vst v29  }
0x129: {  	[tilespmem:s0+$0xFFFFFED0] =	vst v47  }
0x12a: {  	[tilespmem:s0+$0xFFFFFF50] =	vst v31  }
0x12b: {  	[tilespmem:s0+$0xFFFFFFD0] =	vst v48  }
0x12c: {  	[tilespmem:s0+$0x50] =	vst v26  }
0x12d: {  	[tilespmem:s0+$0xD0] =	vst v49  }
0x12e: {  	[tilespmem:s0+$0x150] =	vst v35  }
0x12f: {  	[tilespmem:s0+$0x1D0] =	vst v50  }
0x130: {  	[tilespmem:s0+$0xFFFFFE60] =	vst v34  }
0x131: {  	[tilespmem:s0+$0xFFFFFEE0] =	vst v51  }
.Ltmp1:
0x132: {  	[tilespmem:s0+$0xFFFFFF60] =	vst v25;
	(pc) =	sbr.rel @p0 .LBB2_4-.Ltmp1, $4  }
0x133: {  	[tilespmem:s0+$0xFFFFFFE0] =	vst v52  }
0x134: {  	[tilespmem:s0+$0x60] =	vst v27  }
0x135: {  	[tilespmem:s0+$0xE0] =	vst v53  }
0x136: {  	s5 =	sadd.s32 $0x80, s5;
	[tilespmem:s0+$0x160] =	vst v36  }
0x137: {  	[tilespmem:s0+$0x1E0] =	vst v24  }
0x138: {  	[tilespmem:s0+$0xFFFFFE70] =	vst v16  }
0x139: {  	[tilespmem:s0+$0xFFFFFEF0] =	vst v23  }
0x13a: {  	[tilespmem:s0+$0xFFFFFF70] =	vst v21  }
0x13b: {  	[tilespmem:s0+$0xFFFFFFF0] =	vst v22  }
0x13c: {  	[tilespmem:s0+$0x70] =	vst v20  }
0x13d: {  	[tilespmem:s0+$0xF0] =	vst v19  }
0x13e: {  	[tilespmem:s0+$0x170] =	vst v18;
	s30 =	simm.s32 $0x0  }
0x13f: {  	[hbm4b:s12+s30] =	stream.linear.scatter [tilespmem:s24], [sflag:$0x4], $0x8000, $0x38;
	[tilespmem:$0x12100] =	vst v63  }
0x140: {  	_ = 	snop  }
0x141: {  	[tilespmem:s20], [sflag:$0x1] =	stream.strided.gather [hbm4b:s13+s18], $0x1000, s19, s18, $0x38;
	[tilespmem:$0x12100] =	vst v63  }
.LBB2_6:
0x142: {  	_ =	swait.ge [sflag:s25], $0x1000  }
0x143: {  	[sflag:s25] =	ssyncset.done $0x0  }
0x144: {  	[sflag:s25] =	ssyncadd.s32 $0xFFFFF000  }
0x145: {  	_ =	swait.ge [sflag:s26], $0x8000  }
0x146: {  	[sflag:s26] =	ssyncset.done $0x0  }
0x147: {  	s0 =	simm.s32 $0x1140;
	[sflag:s26] =	ssyncadd.s32 $0xFFFF8000  }
0x148: {  	v16 =	vld [tilespmem:s0+$0x30]  }
0x149: {  	v18 =	vld [tilespmem:s0+$0xFFFFFFD0];
	_ =	sdelay $0x1  }
0x14a: {  	v19 =	vld [tilespmem:s0+$0xFFFFFFC0];
	_ =	sdelay $0x1  }
0x14b: {  	v17 =	vand.u32 $0xF, v16  }
0x14c: {  	v16 =	vand.u32 $0xF, v18;
	v18 =	vperm.xlane v7, v17  }
0x14d: {  	s5 =	simm.s32 $0x2300;
	v20 =	vperm.xlane v0, v16  }
0x14e: {  	v19 =	vand.u32 $0xF, v19;
	v21 =	vperm.xlane v1, v16;
	[tilespmem:s5+$0x1F0] =	vst v18  }
0x14f: {  	v22 =	vperm.xlane v4, v19;
	[tilespmem:s5+$0xFFFFFE10] =	vst v20  }
0x150: {  	v18 =	vperm.xlane v2, v16;
	[tilespmem:s5+$0xFFFFFE90] =	vst v21  }
0x151: {  	v20 =	vperm.xlane v3, v16;
	[tilespmem:s5+$0x0] =	vst v22  }
0x152: {  	v21 =	vperm.xlane v4, v16;
	[tilespmem:s5+$0xFFFFFF10] =	vst v18  }
0x153: {  	v18 =	vperm.xlane v5, v16;
	[tilespmem:s5+$0xFFFFFF90] =	vst v20  }
0x154: {  	v20 =	vperm.xlane v0, v19;
	[tilespmem:s5+$0x10] =	vst v21  }
0x155: {  	v21 =	vperm.xlane v1, v19;
	[tilespmem:s5+$0x90] =	vst v18  }
0x156: {  	v18 =	vperm.xlane v2, v19;
	[tilespmem:s5+$0xFFFFFE00] =	vst v20  }
0x157: {  	v20 =	vperm.xlane v3, v19;
	[tilespmem:s5+$0xFFFFFE80] =	vst v21;
	v21 =	vld [tilespmem:s0+$0xFFFFFFE0]  }
0x158: {  	[tilespmem:s5+$0xFFFFFF00] =	vst v18;
	v18 =	vperm.xlane v5, v19  }
0x159: {  	[tilespmem:s5+$0xFFFFFF80] =	vst v20;
	v20 =	vperm.xlane v6, v19  }
0x15a: {  	v19 =	vperm.xlane v7, v19;
	[tilespmem:s5+$0x80] =	vst v18  }
0x15b: {  	v18 =	vperm.xlane v6, v16;
	[tilespmem:s5+$0x100] =	vst v20  }
0x15c: {  	v16 =	vperm.xlane v7, v16;
	[tilespmem:s5+$0x180] =	vst v19;
	v20 =	vand.u32 $0xF, v21  }
0x15d: {  	v19 =	vperm.xlane v0, v20;
	[tilespmem:s5+$0x110] =	vst v18  }
0x15e: {  	v18 =	vperm.xlane v1, v20;
	[tilespmem:s5+$0x190] =	vst v16  }
0x15f: {  	v16 =	vld [tilespmem:s0+$0xFFFFFFF0];
	v21 =	vperm.xlane v2, v20;
	[tilespmem:s5+$0xFFFFFE20] =	vst v19  }
0x160: {  	v19 =	vperm.xlane v3, v20;
	[tilespmem:s5+$0xFFFFFEA0] =	vst v18  }
0x161: {  	v18 =	vperm.xlane v4, v20;
	[tilespmem:s5+$0xFFFFFF20] =	vst v21  }
0x162: {  	v21 =	vperm.xlane v5, v20;
	[tilespmem:s5+$0xFFFFFFA0] =	vst v19  }
0x163: {  	v19 =	vperm.xlane v6, v20;
	[tilespmem:s5+$0x20] =	vst v18  }
0x164: {  	v18 =	vperm.xlane v7, v20;
	[tilespmem:s5+$0xA0] =	vst v21;
	v16 =	vand.u32 $0xF, v16  }
0x165: {  	v20 =	vperm.xlane v0, v16;
	[tilespmem:s5+$0x120] =	vst v19  }
0x166: {  	v19 =	vperm.xlane v1, v16;
	[tilespmem:s5+$0x1A0] =	vst v18  }
0x167: {  	v18 =	vld [tilespmem:s0+$0x0];
	v21 =	vperm.xlane v2, v16;
	[tilespmem:s5+$0xFFFFFE30] =	vst v20  }
0x168: {  	v20 =	vperm.xlane v3, v16;
	[tilespmem:s5+$0xFFFFFEB0] =	vst v19  }
0x169: {  	v19 =	vperm.xlane v4, v16;
	[tilespmem:s5+$0xFFFFFF30] =	vst v21  }
0x16a: {  	v21 =	vperm.xlane v5, v16;
	[tilespmem:s5+$0xFFFFFFB0] =	vst v20  }
0x16b: {  	v20 =	vperm.xlane v6, v16;
	[tilespmem:s5+$0x30] =	vst v19  }
0x16c: {  	v16 =	vperm.xlane v7, v16;
	[tilespmem:s5+$0xB0] =	vst v21;
	v18 =	vand.u32 $0xF, v18  }
0x16d: {  	v19 =	vperm.xlane v0, v18;
	[tilespmem:s5+$0x130] =	vst v20  }
0x16e: {  	v20 =	vperm.xlane v1, v18;
	[tilespmem:s5+$0x1B0] =	vst v16  }
0x16f: {  	v16 =	vld [tilespmem:s0+$0x10];
	v21 =	vperm.xlane v2, v18;
	[tilespmem:s5+$0xFFFFFE40] =	vst v19  }
0x170: {  	v19 =	vperm.xlane v3, v18;
	[tilespmem:s5+$0xFFFFFEC0] =	vst v20  }
0x171: {  	v20 =	vperm.xlane v4, v18;
	[tilespmem:s5+$0xFFFFFF40] =	vst v21  }
0x172: {  	v21 =	vperm.xlane v5, v18;
	[tilespmem:s5+$0xFFFFFFC0] =	vst v19  }
0x173: {  	v19 =	vperm.xlane v6, v18;
	[tilespmem:s5+$0x40] =	vst v20  }
0x174: {  	v18 =	vperm.xlane v7, v18;
	[tilespmem:s5+$0xC0] =	vst v21;
	v16 =	vand.u32 $0xF, v16  }
0x175: {  	v20 =	vperm.xlane v0, v16;
	[tilespmem:s5+$0x140] =	vst v19  }
0x176: {  	v19 =	vperm.xlane v1, v16;
	[tilespmem:s5+$0x1C0] =	vst v18  }
0x177: {  	v18 =	vld [tilespmem:s0+$0x20];
	v21 =	vperm.xlane v2, v16;
	[tilespmem:s5+$0xFFFFFE50] =	vst v20  }
0x178: {  	v20 =	vperm.xlane v3, v16;
	[tilespmem:s5+$0xFFFFFED0] =	vst v19  }
0x179: {  	v19 =	vperm.xlane v4, v16;
	[tilespmem:s5+$0xFFFFFF50] =	vst v21  }
0x17a: {  	v21 =	vperm.xlane v5, v16;
	[tilespmem:s5+$0xFFFFFFD0] =	vst v20  }
0x17b: {  	v20 =	vperm.xlane v6, v16;
	[tilespmem:s5+$0x50] =	vst v19  }
0x17c: {  	v16 =	vperm.xlane v7, v16;
	[tilespmem:s5+$0xD0] =	vst v21;
	v18 =	vand.u32 $0xF, v18  }
0x17d: {  	v19 =	vperm.xlane v0, v18;
	[tilespmem:s5+$0x150] =	vst v20  }
0x17e: {  	v20 =	vperm.xlane v1, v18;
	[tilespmem:s5+$0x1D0] =	vst v16  }
0x17f: {  	v21 =	vperm.xlane v2, v18;
	[tilespmem:s5+$0xFFFFFE60] =	vst v19  }
0x180: {  	v23 =	vperm.xlane v1, v17;
	v25 =	vperm.xlane v5, v18;
	[tilespmem:s5+$0xFFFFFEE0] =	vst v20  }
0x181: {  	v22 =	vperm.xlane v3, v17;
	v26 =	vperm.xlane v6, v18;
	[tilespmem:s5+$0xFFFFFF60] =	vst v21  }
0x182: {  	v16 =	vperm.xlane v0, v17;
	v19 =	vperm.xlane v3, v18;
	[tilespmem:s5+$0xE0] =	vst v25  }
0x183: {  	v24 =	vperm.xlane v7, v18;
	v20 =	vperm.xlane v4, v18;
	[tilespmem:s5+$0x160] =	vst v26  }
0x184: {  	v21 =	vperm.xlane v2, v17;
	v18 =	vperm.xlane v6, v17;
	[tilespmem:s5+$0xFFFFFFE0] =	vst v19  }
0x185: {  	s3 =	simm.s32 $0x11C0;
	s0 =	simm.s32 $0x0;
	[tilespmem:s5+$0x60] =	vst v20;
	v20 =	vperm.xlane v4, v17;
	v19 =	vperm.xlane v5, v17  }
.LBB2_7:
0x186: {  	v17 =	vld [tilespmem:s3+$0x30];
	s0 =	sadd.s32 $0x8, s0;
	[tilespmem:s5+$0x1E0] =	vst v24  }
0x187: {  	v24 =	vld [tilespmem:s3+$0xFFFFFFD0];
	p0 =	slt.u32 s0, $0xF8;
	[tilespmem:s5+$0xFFFFFE70] =	vst v16  }
0x188: {  	v25 =	vld [tilespmem:s3+$0xFFFFFFE0];
	[tilespmem:s5+$0xFFFFFEF0] =	vst v23  }
0x189: {  	v23 =	vld [tilespmem:s3+$0xFFFFFFF0];
	[tilespmem:s5+$0xFFFFFF70] =	vst v21  }
0x18a: {  	v21 =	vld [tilespmem:s3+$0x0];
	[tilespmem:s5+$0xFFFFFFF0] =	vst v22  }
0x18b: {  	v22 =	vld [tilespmem:s3+$0x10];
	v17 =	vand.u32 $0xF, v17;
	[tilespmem:s5+$0x70] =	vst v20  }
0x18c: {  	v20 =	vand.u32 $0xF, v24;
	v24 =	vld [tilespmem:s3+$0x20];
	v16 =	vperm.xlane v0, v17;
	v26 =	vperm.xlane v7, v17;
	[tilespmem:s5+$0xF0] =	vst v19  }
0x18d: {  	v19 =	vld [tilespmem:s3+$0xFFFFFFC0];
	v27 =	vperm.xlane v0, v20;
	v28 =	vperm.xlane v1, v20;
	v25 =	vand.u32 $0xF, v25;
	[tilespmem:s5+$0x170] =	vst v18;
	s5 =	sadd.s32 $0x400, s5  }
0x18e: {  	v18 =	vperm.xlane v2, v20;
	v29 =	vperm.xlane v3, v20;
	v23 =	vand.u32 $0xF, v23;
	[tilespmem:s5+$0x1F0] =	vst v26  }
0x18f: {  	v26 =	vperm.xlane v4, v20;
	[tilespmem:s5+$0xFFFFFE10] =	vst v27;
	v27 =	vperm.xlane v5, v20;
	v21 =	vand.u32 $0xF, v21  }
0x190: {  	[tilespmem:s5+$0xFFFFFE90] =	vst v28;
	v28 =	vperm.xlane v6, v20;
	v20 =	vperm.xlane v7, v20;
	v22 =	vand.u32 $0xF, v22  }
0x191: {  	v30 =	vperm.xlane v1, v25;
	[tilespmem:s5+$0xFFFFFF10] =	vst v18;
	v18 =	vperm.xlane v0, v25;
	v24 =	vand.u32 $0xF, v24  }
0x192: {  	v31 =	vperm.xlane v3, v25;
	v19 =	vand.u32 $0xF, v19;
	[tilespmem:s5+$0xFFFFFF90] =	vst v29;
	v29 =	vperm.xlane v2, v25  }
0x193: {  	v32 =	vperm.xlane v0, v19;
	v33 =	vperm.xlane v1, v19;
	[tilespmem:s5+$0x10] =	vst v26  }
0x194: {  	v26 =	vperm.xlane v2, v19;
	v34 =	vperm.xlane v3, v19;
	[tilespmem:s5+$0x90] =	vst v27  }
0x195: {  	v27 =	vperm.xlane v4, v19;
	[tilespmem:s5+$0xFFFFFE00] =	vst v32;
	v32 =	vperm.xlane v5, v19  }
0x196: {  	[tilespmem:s5+$0xFFFFFE80] =	vst v33;
	v33 =	vperm.xlane v6, v19;
	v19 =	vperm.xlane v7, v19  }
0x197: {  	v35 =	vperm.xlane v5, v25;
	[tilespmem:s5+$0xFFFFFF00] =	vst v26;
	v26 =	vperm.xlane v4, v25  }
0x198: {  	[tilespmem:s5+$0xFFFFFF80] =	vst v34;
	v34 =	vperm.xlane v6, v25;
	v25 =	vperm.xlane v7, v25  }
0x199: {  	v36 =	vperm.xlane v1, v23;
	[tilespmem:s5+$0x0] =	vst v27;
	v27 =	vperm.xlane v0, v23  }
0x19a: {  	v37 =	vperm.xlane v3, v23;
	[tilespmem:s5+$0x80] =	vst v32;
	v32 =	vperm.xlane v2, v23  }
0x19b: {  	v38 =	vperm.xlane v5, v23;
	[tilespmem:s5+$0x100] =	vst v33;
	v33 =	vperm.xlane v4, v23  }
0x19c: {  	v39 =	vperm.xlane v6, v23;
	v40 =	vperm.xlane v7, v23;
	[tilespmem:s5+$0x180] =	vst v19  }
0x19d: {  	v41 =	vperm.xlane v1, v21;
	[tilespmem:s5+$0x110] =	vst v28;
	v28 =	vperm.xlane v0, v21  }
0x19e: {  	v42 =	vperm.xlane v2, v21;
	v43 =	vperm.xlane v3, v21;
	[tilespmem:s5+$0x190] =	vst v20  }
0x19f: {  	v44 =	vperm.xlane v4, v21;
	v45 =	vperm.xlane v5, v21;
	[tilespmem:s5+$0xFFFFFE20] =	vst v18  }
0x1a0: {  	v46 =	vperm.xlane v7, v21;
	[tilespmem:s5+$0xFFFFFEA0] =	vst v30;
	v30 =	vperm.xlane v6, v21  }
0x1a1: {  	v47 =	vperm.xlane v1, v22;
	[tilespmem:s5+$0xFFFFFF20] =	vst v29;
	v29 =	vperm.xlane v0, v22  }
0x1a2: {  	v48 =	vperm.xlane v3, v22;
	[tilespmem:s5+$0xFFFFFFA0] =	vst v31;
	v31 =	vperm.xlane v2, v22  }
0x1a3: {  	v49 =	vperm.xlane v5, v22;
	[tilespmem:s5+$0x20] =	vst v26;
	v26 =	vperm.xlane v4, v22  }
0x1a4: {  	v50 =	vperm.xlane v7, v22;
	[tilespmem:s5+$0xA0] =	vst v35;
	v35 =	vperm.xlane v6, v22  }
0x1a5: {  	v51 =	vperm.xlane v1, v24;
	[tilespmem:s5+$0x120] =	vst v34;
	v34 =	vperm.xlane v0, v24  }
0x1a6: {  	v52 =	vperm.xlane v3, v24;
	[tilespmem:s5+$0x1A0] =	vst v25;
	v25 =	vperm.xlane v2, v24  }
0x1a7: {  	v53 =	vperm.xlane v5, v24;
	[tilespmem:s5+$0xFFFFFE30] =	vst v27;
	v27 =	vperm.xlane v4, v24  }
0x1a8: {  	[tilespmem:s5+$0xFFFFFEB0] =	vst v36;
	v36 =	vperm.xlane v6, v24;
	v24 =	vperm.xlane v7, v24  }
0x1a9: {  	v23 =	vperm.xlane v1, v17;
	v21 =	vperm.xlane v2, v17;
	[tilespmem:s5+$0xFFFFFF30] =	vst v32  }
0x1aa: {  	v20 =	vperm.xlane v4, v17;
	v22 =	vperm.xlane v3, v17;
	[tilespmem:s5+$0xFFFFFFB0] =	vst v37  }
0x1ab: {  	v19 =	vperm.xlane v5, v17;
	v18 =	vperm.xlane v6, v17;
	[tilespmem:s5+$0x30] =	vst v33  }
0x1ac: {  	[tilespmem:s5+$0xB0] =	vst v38  }
0x1ad: {  	[tilespmem:s5+$0x130] =	vst v39  }
0x1ae: {  	[tilespmem:s5+$0x1B0] =	vst v40  }
0x1af: {  	[tilespmem:s5+$0xFFFFFE40] =	vst v28  }
0x1b0: {  	[tilespmem:s5+$0xFFFFFEC0] =	vst v41  }
0x1b1: {  	[tilespmem:s5+$0xFFFFFF40] =	vst v42  }
0x1b2: {  	[tilespmem:s5+$0xFFFFFFC0] =	vst v43  }
0x1b3: {  	[tilespmem:s5+$0x40] =	vst v44  }
0x1b4: {  	[tilespmem:s5+$0xC0] =	vst v45  }
0x1b5: {  	[tilespmem:s5+$0x140] =	vst v30  }
0x1b6: {  	[tilespmem:s5+$0x1C0] =	vst v46  }
0x1b7: {  	[tilespmem:s5+$0xFFFFFE50] =	vst v29  }
0x1b8: {  	[tilespmem:s5+$0xFFFFFED0] =	vst v47  }
0x1b9: {  	[tilespmem:s5+$0xFFFFFF50] =	vst v31  }
0x1ba: {  	[tilespmem:s5+$0xFFFFFFD0] =	vst v48  }
0x1bb: {  	[tilespmem:s5+$0x50] =	vst v26  }
0x1bc: {  	[tilespmem:s5+$0xD0] =	vst v49  }
0x1bd: {  	[tilespmem:s5+$0x150] =	vst v35  }
0x1be: {  	[tilespmem:s5+$0x1D0] =	vst v50  }
0x1bf: {  	[tilespmem:s5+$0xFFFFFE60] =	vst v34  }
0x1c0: {  	[tilespmem:s5+$0xFFFFFEE0] =	vst v51  }
.Ltmp2:
0x1c1: {  	[tilespmem:s5+$0xFFFFFF60] =	vst v25;
	(pc) =	sbr.rel @p0 .LBB2_7-.Ltmp2, $4  }
0x1c2: {  	[tilespmem:s5+$0xFFFFFFE0] =	vst v52  }
0x1c3: {  	[tilespmem:s5+$0x60] =	vst v27  }
0x1c4: {  	[tilespmem:s5+$0xE0] =	vst v53  }
0x1c5: {  	s3 =	sadd.s32 $0x80, s3;
	[tilespmem:s5+$0x160] =	vst v36  }
0x1c6: {  	[tilespmem:s5+$0x1E0] =	vst v24  }
0x1c7: {  	[tilespmem:s5+$0xFFFFFE70] =	vst v16  }
0x1c8: {  	[tilespmem:s5+$0xFFFFFEF0] =	vst v23;
	s31 =	sshll.u32 s30, $0x1  }
0x1c9: {  	[tilespmem:s5+$0xFFFFFF70] =	vst v21;
	s0 =	sadd.s32 s6, s31  }
0x1ca: {  	[tilespmem:s5+$0xFFFFFFF0] =	vst v22;
	s0 =	sshll.u32 s0, $0x12  }
0x1cb: {  	[tilespmem:s5+$0x70] =	vst v20;
	s3 =	sadd.s32 s14, s0  }
0x1cc: {  	[tilespmem:s5+$0xF0] =	vst v19;
	s3 =	sshrl.u32 s3, $0x3  }
0x1cd: {  	[tilespmem:s5+$0x170] =	vst v18;
	s9 =	sadd.s32 s2, s3  }
0x1ce: {  	[hbm4b:s9+s4] =	stream.linear.scatter [tilespmem:s23], [sflag:$0x3], $0x8000, $0x38;
	[tilespmem:$0x12100] =	vst v63  }
0x1cf: {  	_ =	swait.ge [sflag:s28], $0x8000  }
0x1d0: {  	[sflag:s28] =	ssyncset.done $0x0  }
0x1d1: {  	s8 =	simm.s32 $0x1140;
	[sflag:s28] =	ssyncadd.s32 $0xFFFF8000  }
0x1d2: {  	v16 =	vld [tilespmem:s8+$0x30]  }
0x1d3: {  	v18 =	vld [tilespmem:s8+$0xFFFFFFD0];
	_ =	sdelay $0x1  }
0x1d4: {  	v19 =	vld [tilespmem:s8+$0xFFFFFFC0];
	_ =	sdelay $0x1  }
0x1d5: {  	v17 =	vand.u32 $0xF, v16  }
0x1d6: {  	v16 =	vand.u32 $0xF, v18;
	v18 =	vperm.xlane v15, v17  }
0x1d7: {  	s5 =	simm.s32 $0xA300;
	v20 =	vperm.xlane v8, v16  }
0x1d8: {  	v19 =	vand.u32 $0xF, v19;
	v21 =	vperm.xlane v9, v16;
	[tilespmem:s5+$0x1F0] =	vst v18  }
0x1d9: {  	v22 =	vperm.xlane v12, v19;
	[tilespmem:s5+$0xFFFFFE10] =	vst v20  }
0x1da: {  	v18 =	vperm.xlane v10, v16;
	[tilespmem:s5+$0xFFFFFE90] =	vst v21  }
0x1db: {  	v20 =	vperm.xlane v11, v16;
	[tilespmem:s5+$0x0] =	vst v22  }
0x1dc: {  	v21 =	vperm.xlane v12, v16;
	[tilespmem:s5+$0xFFFFFF10] =	vst v18  }
0x1dd: {  	v18 =	vperm.xlane v13, v16;
	[tilespmem:s5+$0xFFFFFF90] =	vst v20  }
0x1de: {  	v20 =	vperm.xlane v8, v19;
	[tilespmem:s5+$0x10] =	vst v21  }
0x1df: {  	v21 =	vperm.xlane v9, v19;
	[tilespmem:s5+$0x90] =	vst v18  }
0x1e0: {  	v18 =	vperm.xlane v10, v19;
	[tilespmem:s5+$0xFFFFFE00] =	vst v20  }
0x1e1: {  	v20 =	vperm.xlane v11, v19;
	[tilespmem:s5+$0xFFFFFE80] =	vst v21;
	v21 =	vld [tilespmem:s8+$0xFFFFFFE0]  }
0x1e2: {  	[tilespmem:s5+$0xFFFFFF00] =	vst v18;
	v18 =	vperm.xlane v13, v19  }
0x1e3: {  	[tilespmem:s5+$0xFFFFFF80] =	vst v20;
	v20 =	vperm.xlane v14, v19  }
0x1e4: {  	v19 =	vperm.xlane v15, v19;
	[tilespmem:s5+$0x80] =	vst v18  }
0x1e5: {  	v18 =	vperm.xlane v14, v16;
	[tilespmem:s5+$0x100] =	vst v20  }
0x1e6: {  	v16 =	vperm.xlane v15, v16;
	[tilespmem:s5+$0x180] =	vst v19;
	v20 =	vand.u32 $0xF, v21  }
0x1e7: {  	v19 =	vperm.xlane v8, v20;
	[tilespmem:s5+$0x110] =	vst v18  }
0x1e8: {  	v18 =	vperm.xlane v9, v20;
	[tilespmem:s5+$0x190] =	vst v16  }
0x1e9: {  	v16 =	vld [tilespmem:s8+$0xFFFFFFF0];
	v21 =	vperm.xlane v10, v20;
	[tilespmem:s5+$0xFFFFFE20] =	vst v19  }
0x1ea: {  	v19 =	vperm.xlane v11, v20;
	[tilespmem:s5+$0xFFFFFEA0] =	vst v18  }
0x1eb: {  	v18 =	vperm.xlane v12, v20;
	[tilespmem:s5+$0xFFFFFF20] =	vst v21  }
0x1ec: {  	v21 =	vperm.xlane v13, v20;
	[tilespmem:s5+$0xFFFFFFA0] =	vst v19  }
0x1ed: {  	v19 =	vperm.xlane v14, v20;
	[tilespmem:s5+$0x20] =	vst v18  }
0x1ee: {  	v18 =	vperm.xlane v15, v20;
	[tilespmem:s5+$0xA0] =	vst v21;
	v16 =	vand.u32 $0xF, v16  }
0x1ef: {  	v20 =	vperm.xlane v8, v16;
	[tilespmem:s5+$0x120] =	vst v19  }
0x1f0: {  	v19 =	vperm.xlane v9, v16;
	[tilespmem:s5+$0x1A0] =	vst v18  }
0x1f1: {  	v18 =	vld [tilespmem:s8+$0x0];
	v21 =	vperm.xlane v10, v16;
	[tilespmem:s5+$0xFFFFFE30] =	vst v20  }
0x1f2: {  	v20 =	vperm.xlane v11, v16;
	[tilespmem:s5+$0xFFFFFEB0] =	vst v19  }
0x1f3: {  	v19 =	vperm.xlane v12, v16;
	[tilespmem:s5+$0xFFFFFF30] =	vst v21  }
0x1f4: {  	v21 =	vperm.xlane v13, v16;
	[tilespmem:s5+$0xFFFFFFB0] =	vst v20  }
0x1f5: {  	v20 =	vperm.xlane v14, v16;
	[tilespmem:s5+$0x30] =	vst v19  }
0x1f6: {  	v16 =	vperm.xlane v15, v16;
	[tilespmem:s5+$0xB0] =	vst v21;
	v18 =	vand.u32 $0xF, v18  }
0x1f7: {  	v19 =	vperm.xlane v8, v18;
	[tilespmem:s5+$0x130] =	vst v20  }
0x1f8: {  	v20 =	vperm.xlane v9, v18;
	[tilespmem:s5+$0x1B0] =	vst v16  }
0x1f9: {  	v16 =	vld [tilespmem:s8+$0x10];
	v21 =	vperm.xlane v10, v18;
	[tilespmem:s5+$0xFFFFFE40] =	vst v19  }
0x1fa: {  	v19 =	vperm.xlane v11, v18;
	[tilespmem:s5+$0xFFFFFEC0] =	vst v20  }
0x1fb: {  	v20 =	vperm.xlane v12, v18;
	[tilespmem:s5+$0xFFFFFF40] =	vst v21  }
0x1fc: {  	v21 =	vperm.xlane v13, v18;
	[tilespmem:s5+$0xFFFFFFC0] =	vst v19  }
0x1fd: {  	v19 =	vperm.xlane v14, v18;
	[tilespmem:s5+$0x40] =	vst v20  }
0x1fe: {  	v18 =	vperm.xlane v15, v18;
	[tilespmem:s5+$0xC0] =	vst v21;
	v16 =	vand.u32 $0xF, v16  }
0x1ff: {  	v20 =	vperm.xlane v8, v16;
	[tilespmem:s5+$0x140] =	vst v19  }
0x200: {  	v19 =	vperm.xlane v9, v16;
	[tilespmem:s5+$0x1C0] =	vst v18  }
0x201: {  	v18 =	vld [tilespmem:s8+$0x20];
	v21 =	vperm.xlane v10, v16;
	[tilespmem:s5+$0xFFFFFE50] =	vst v20  }
0x202: {  	v20 =	vperm.xlane v11, v16;
	[tilespmem:s5+$0xFFFFFED0] =	vst v19  }
0x203: {  	v19 =	vperm.xlane v12, v16;
	[tilespmem:s5+$0xFFFFFF50] =	vst v21  }
0x204: {  	v21 =	vperm.xlane v13, v16;
	[tilespmem:s5+$0xFFFFFFD0] =	vst v20  }
0x205: {  	v20 =	vperm.xlane v14, v16;
	[tilespmem:s5+$0x50] =	vst v19  }
0x206: {  	v16 =	vperm.xlane v15, v16;
	[tilespmem:s5+$0xD0] =	vst v21;
	v18 =	vand.u32 $0xF, v18  }
0x207: {  	v19 =	vperm.xlane v8, v18;
	[tilespmem:s5+$0x150] =	vst v20  }
0x208: {  	v20 =	vperm.xlane v9, v18;
	[tilespmem:s5+$0x1D0] =	vst v16  }
0x209: {  	v21 =	vperm.xlane v10, v18;
	[tilespmem:s5+$0xFFFFFE60] =	vst v19  }
0x20a: {  	v23 =	vperm.xlane v9, v17;
	v25 =	vperm.xlane v13, v18;
	[tilespmem:s5+$0xFFFFFEE0] =	vst v20  }
0x20b: {  	v22 =	vperm.xlane v11, v17;
	v26 =	vperm.xlane v14, v18;
	[tilespmem:s5+$0xFFFFFF60] =	vst v21  }
0x20c: {  	v16 =	vperm.xlane v8, v17;
	v19 =	vperm.xlane v11, v18;
	[tilespmem:s5+$0xE0] =	vst v25  }
0x20d: {  	v24 =	vperm.xlane v15, v18;
	v20 =	vperm.xlane v12, v18;
	[tilespmem:s5+$0x160] =	vst v26  }
0x20e: {  	v21 =	vperm.xlane v10, v17;
	v18 =	vperm.xlane v14, v17;
	[tilespmem:s5+$0xFFFFFFE0] =	vst v19  }
0x20f: {  	s9 =	simm.s32 $0x11C0;
	s8 =	simm.s32 $0x0;
	[tilespmem:s5+$0x60] =	vst v20;
	v20 =	vperm.xlane v12, v17;
	v19 =	vperm.xlane v13, v17  }
.LBB2_9:
0x210: {  	v17 =	vld [tilespmem:s9+$0x30];
	s8 =	sadd.s32 $0x8, s8;
	[tilespmem:s5+$0x1E0] =	vst v24  }
0x211: {  	v24 =	vld [tilespmem:s9+$0xFFFFFFD0];
	p0 =	slt.u32 s8, $0xF8;
	[tilespmem:s5+$0xFFFFFE70] =	vst v16  }
0x212: {  	v25 =	vld [tilespmem:s9+$0xFFFFFFE0];
	[tilespmem:s5+$0xFFFFFEF0] =	vst v23  }
0x213: {  	v23 =	vld [tilespmem:s9+$0xFFFFFFF0];
	[tilespmem:s5+$0xFFFFFF70] =	vst v21  }
0x214: {  	v21 =	vld [tilespmem:s9+$0x0];
	[tilespmem:s5+$0xFFFFFFF0] =	vst v22  }
0x215: {  	v22 =	vld [tilespmem:s9+$0x10];
	v17 =	vand.u32 $0xF, v17;
	[tilespmem:s5+$0x70] =	vst v20  }
0x216: {  	v20 =	vand.u32 $0xF, v24;
	v24 =	vld [tilespmem:s9+$0x20];
	v16 =	vperm.xlane v8, v17;
	v26 =	vperm.xlane v15, v17;
	[tilespmem:s5+$0xF0] =	vst v19  }
0x217: {  	v19 =	vld [tilespmem:s9+$0xFFFFFFC0];
	v27 =	vperm.xlane v8, v20;
	v28 =	vperm.xlane v9, v20;
	v25 =	vand.u32 $0xF, v25;
	[tilespmem:s5+$0x170] =	vst v18;
	s5 =	sadd.s32 $0x400, s5  }
0x218: {  	v18 =	vperm.xlane v10, v20;
	v29 =	vperm.xlane v11, v20;
	v23 =	vand.u32 $0xF, v23;
	[tilespmem:s5+$0x1F0] =	vst v26  }
0x219: {  	v26 =	vperm.xlane v12, v20;
	[tilespmem:s5+$0xFFFFFE10] =	vst v27;
	v27 =	vperm.xlane v13, v20;
	v21 =	vand.u32 $0xF, v21  }
0x21a: {  	[tilespmem:s5+$0xFFFFFE90] =	vst v28;
	v28 =	vperm.xlane v14, v20;
	v20 =	vperm.xlane v15, v20;
	v22 =	vand.u32 $0xF, v22  }
0x21b: {  	v30 =	vperm.xlane v9, v25;
	[tilespmem:s5+$0xFFFFFF10] =	vst v18;
	v18 =	vperm.xlane v8, v25;
	v24 =	vand.u32 $0xF, v24  }
0x21c: {  	v31 =	vperm.xlane v11, v25;
	v19 =	vand.u32 $0xF, v19;
	[tilespmem:s5+$0xFFFFFF90] =	vst v29;
	v29 =	vperm.xlane v10, v25  }
0x21d: {  	v32 =	vperm.xlane v8, v19;
	v33 =	vperm.xlane v9, v19;
	[tilespmem:s5+$0x10] =	vst v26  }
0x21e: {  	v26 =	vperm.xlane v10, v19;
	v34 =	vperm.xlane v11, v19;
	[tilespmem:s5+$0x90] =	vst v27  }
0x21f: {  	v27 =	vperm.xlane v12, v19;
	[tilespmem:s5+$0xFFFFFE00] =	vst v32;
	v32 =	vperm.xlane v13, v19  }
0x220: {  	[tilespmem:s5+$0xFFFFFE80] =	vst v33;
	v33 =	vperm.xlane v14, v19;
	v19 =	vperm.xlane v15, v19  }
0x221: {  	v35 =	vperm.xlane v13, v25;
	[tilespmem:s5+$0xFFFFFF00] =	vst v26;
	v26 =	vperm.xlane v12, v25  }
0x222: {  	[tilespmem:s5+$0xFFFFFF80] =	vst v34;
	v34 =	vperm.xlane v14, v25;
	v25 =	vperm.xlane v15, v25  }
0x223: {  	v36 =	vperm.xlane v9, v23;
	[tilespmem:s5+$0x0] =	vst v27;
	v27 =	vperm.xlane v8, v23  }
0x224: {  	v37 =	vperm.xlane v11, v23;
	[tilespmem:s5+$0x80] =	vst v32;
	v32 =	vperm.xlane v10, v23  }
0x225: {  	v38 =	vperm.xlane v13, v23;
	[tilespmem:s5+$0x100] =	vst v33;
	v33 =	vperm.xlane v12, v23  }
0x226: {  	v39 =	vperm.xlane v14, v23;
	v40 =	vperm.xlane v15, v23;
	[tilespmem:s5+$0x180] =	vst v19  }
0x227: {  	v41 =	vperm.xlane v9, v21;
	[tilespmem:s5+$0x110] =	vst v28;
	v28 =	vperm.xlane v8, v21  }
0x228: {  	v42 =	vperm.xlane v10, v21;
	v43 =	vperm.xlane v11, v21;
	[tilespmem:s5+$0x190] =	vst v20  }
0x229: {  	v44 =	vperm.xlane v12, v21;
	v45 =	vperm.xlane v13, v21;
	[tilespmem:s5+$0xFFFFFE20] =	vst v18  }
0x22a: {  	v46 =	vperm.xlane v15, v21;
	[tilespmem:s5+$0xFFFFFEA0] =	vst v30;
	v30 =	vperm.xlane v14, v21  }
0x22b: {  	v47 =	vperm.xlane v9, v22;
	[tilespmem:s5+$0xFFFFFF20] =	vst v29;
	v29 =	vperm.xlane v8, v22  }
0x22c: {  	v48 =	vperm.xlane v11, v22;
	[tilespmem:s5+$0xFFFFFFA0] =	vst v31;
	v31 =	vperm.xlane v10, v22  }
0x22d: {  	v49 =	vperm.xlane v13, v22;
	[tilespmem:s5+$0x20] =	vst v26;
	v26 =	vperm.xlane v12, v22  }
0x22e: {  	v50 =	vperm.xlane v15, v22;
	[tilespmem:s5+$0xA0] =	vst v35;
	v35 =	vperm.xlane v14, v22  }
0x22f: {  	v51 =	vperm.xlane v9, v24;
	[tilespmem:s5+$0x120] =	vst v34;
	v34 =	vperm.xlane v8, v24  }
0x230: {  	v52 =	vperm.xlane v11, v24;
	[tilespmem:s5+$0x1A0] =	vst v25;
	v25 =	vperm.xlane v10, v24  }
0x231: {  	v53 =	vperm.xlane v13, v24;
	[tilespmem:s5+$0xFFFFFE30] =	vst v27;
	v27 =	vperm.xlane v12, v24  }
0x232: {  	[tilespmem:s5+$0xFFFFFEB0] =	vst v36;
	v36 =	vperm.xlane v14, v24;
	v24 =	vperm.xlane v15, v24  }
0x233: {  	v23 =	vperm.xlane v9, v17;
	v21 =	vperm.xlane v10, v17;
	[tilespmem:s5+$0xFFFFFF30] =	vst v32  }
0x234: {  	v20 =	vperm.xlane v12, v17;
	v22 =	vperm.xlane v11, v17;
	[tilespmem:s5+$0xFFFFFFB0] =	vst v37  }
0x235: {  	v19 =	vperm.xlane v13, v17;
	v18 =	vperm.xlane v14, v17;
	[tilespmem:s5+$0x30] =	vst v33  }
0x236: {  	[tilespmem:s5+$0xB0] =	vst v38  }
0x237: {  	[tilespmem:s5+$0x130] =	vst v39  }
0x238: {  	[tilespmem:s5+$0x1B0] =	vst v40  }
0x239: {  	[tilespmem:s5+$0xFFFFFE40] =	vst v28  }
0x23a: {  	[tilespmem:s5+$0xFFFFFEC0] =	vst v41  }
0x23b: {  	[tilespmem:s5+$0xFFFFFF40] =	vst v42  }
0x23c: {  	[tilespmem:s5+$0xFFFFFFC0] =	vst v43  }
0x23d: {  	[tilespmem:s5+$0x40] =	vst v44  }
0x23e: {  	[tilespmem:s5+$0xC0] =	vst v45  }
0x23f: {  	[tilespmem:s5+$0x140] =	vst v30  }
0x240: {  	[tilespmem:s5+$0x1C0] =	vst v46  }
0x241: {  	[tilespmem:s5+$0xFFFFFE50] =	vst v29  }
0x242: {  	[tilespmem:s5+$0xFFFFFED0] =	vst v47  }
0x243: {  	[tilespmem:s5+$0xFFFFFF50] =	vst v31  }
0x244: {  	[tilespmem:s5+$0xFFFFFFD0] =	vst v48  }
0x245: {  	[tilespmem:s5+$0x50] =	vst v26  }
0x246: {  	[tilespmem:s5+$0xD0] =	vst v49  }
0x247: {  	[tilespmem:s5+$0x150] =	vst v35  }
0x248: {  	[tilespmem:s5+$0x1D0] =	vst v50  }
0x249: {  	[tilespmem:s5+$0xFFFFFE60] =	vst v34  }
0x24a: {  	[tilespmem:s5+$0xFFFFFEE0] =	vst v51  }
.Ltmp3:
0x24b: {  	[tilespmem:s5+$0xFFFFFF60] =	vst v25;
	(pc) =	sbr.rel @p0 .LBB2_9-.Ltmp3, $4  }
0x24c: {  	[tilespmem:s5+$0xFFFFFFE0] =	vst v52  }
0x24d: {  	[tilespmem:s5+$0x60] =	vst v27  }
0x24e: {  	[tilespmem:s5+$0xE0] =	vst v53  }
0x24f: {  	s9 =	sadd.s32 $0x80, s9;
	[tilespmem:s5+$0x160] =	vst v36  }
0x250: {  	[tilespmem:s5+$0x1E0] =	vst v24  }
0x251: {  	[tilespmem:s5+$0xFFFFFE70] =	vst v16  }
0x252: {  	[tilespmem:s5+$0xFFFFFEF0] =	vst v23  }
0x253: {  	[tilespmem:s5+$0xFFFFFF70] =	vst v21  }
0x254: {  	[tilespmem:s5+$0xFFFFFFF0] =	vst v22  }
0x255: {  	[tilespmem:s5+$0x70] =	vst v20  }
0x256: {  	[tilespmem:s5+$0xF0] =	vst v19  }
0x257: {  	[tilespmem:s5+$0x170] =	vst v18;
	s3 =	sadd.s32 s3, s10  }
0x258: {  	[hbm4b:s3+s4] =	stream.linear.scatter [tilespmem:s24], [sflag:$0x4], $0x8000, $0x38;
	[tilespmem:$0x12100] =	vst v63  }
0x259: {  	s3 =	sadd.s32 $0x3, s31  }
0x25a: {  	p0 =	seq.s32 s3, $0x19  }
0x25b: {  	s3 =	simm.s32 @p0 $0x0  }
0x25c: {  	s3 =	sadd.s32 s6, s3  }
0x25d: {  	s8 =	sshll.u32 s3, $0xE;
	s3 =	sshll.u32 s3, $0x7  }
0x25e: {  	s5 =	sand.u32 $0x7E0000, s8;
	s3 =	sand.u32 $0x380, s3  }
0x25f: {  	s3 =	sor.u32 s5, s3  }
0x260: {  	s3 =	sor.u32 s7, s3  }
0x261: {  	s3 =	sshrl.u32 s3, $0x3  }
0x262: {  	s3 =	sadd.s32 s1, s3  }
0x263: {  	[tilespmem:s22], [sflag:$0x2] =	stream.strided.gather [hbm4b:s3+s18], $0x1000, s19, s18, $0x38;
	[tilespmem:$0x12100] =	vst v63  }
0x264: {  	_ =	swait.ge [sflag:s21], $0x1000  }
0x265: {  	[sflag:s21] =	ssyncset.done $0x0  }
0x266: {  	[sflag:s21] =	ssyncadd.s32 $0xFFFFF000  }
0x267: {  	_ =	swait.ge [sflag:s26], $0x8000  }
0x268: {  	[sflag:s26] =	ssyncset.done $0x0  }
0x269: {  	s9 =	simm.s32 $0x140;
	[sflag:s26] =	ssyncadd.s32 $0xFFFF8000  }
0x26a: {  	v16 =	vld [tilespmem:s9+$0x30]  }
0x26b: {  	v18 =	vld [tilespmem:s9+$0xFFFFFFD0];
	_ =	sdelay $0x1  }
0x26c: {  	v19 =	vld [tilespmem:s9+$0xFFFFFFC0];
	_ =	sdelay $0x1  }
0x26d: {  	v17 =	vand.u32 $0xF, v16  }
0x26e: {  	v16 =	vand.u32 $0xF, v18;
	v18 =	vperm.xlane v7, v17  }
0x26f: {  	s3 =	simm.s32 $0x2300;
	v20 =	vperm.xlane v0, v16  }
0x270: {  	v19 =	vand.u32 $0xF, v19;
	v21 =	vperm.xlane v1, v16;
	[tilespmem:s3+$0x1F0] =	vst v18  }
0x271: {  	v22 =	vperm.xlane v4, v19;
	[tilespmem:s3+$0xFFFFFE10] =	vst v20  }
0x272: {  	v18 =	vperm.xlane v2, v16;
	[tilespmem:s3+$0xFFFFFE90] =	vst v21  }
0x273: {  	v20 =	vperm.xlane v3, v16;
	[tilespmem:s3+$0x0] =	vst v22  }
0x274: {  	v21 =	vperm.xlane v4, v16;
	[tilespmem:s3+$0xFFFFFF10] =	vst v18  }
0x275: {  	v18 =	vperm.xlane v5, v16;
	[tilespmem:s3+$0xFFFFFF90] =	vst v20  }
0x276: {  	v20 =	vperm.xlane v0, v19;
	[tilespmem:s3+$0x10] =	vst v21  }
0x277: {  	v21 =	vperm.xlane v1, v19;
	[tilespmem:s3+$0x90] =	vst v18  }
0x278: {  	v18 =	vperm.xlane v2, v19;
	[tilespmem:s3+$0xFFFFFE00] =	vst v20  }
0x279: {  	v20 =	vperm.xlane v3, v19;
	[tilespmem:s3+$0xFFFFFE80] =	vst v21;
	v21 =	vld [tilespmem:s9+$0xFFFFFFE0]  }
0x27a: {  	[tilespmem:s3+$0xFFFFFF00] =	vst v18;
	v18 =	vperm.xlane v5, v19  }
0x27b: {  	[tilespmem:s3+$0xFFFFFF80] =	vst v20;
	v20 =	vperm.xlane v6, v19  }
0x27c: {  	v19 =	vperm.xlane v7, v19;
	[tilespmem:s3+$0x80] =	vst v18  }
0x27d: {  	v18 =	vperm.xlane v6, v16;
	[tilespmem:s3+$0x100] =	vst v20  }
0x27e: {  	v16 =	vperm.xlane v7, v16;
	[tilespmem:s3+$0x180] =	vst v19;
	v20 =	vand.u32 $0xF, v21  }
0x27f: {  	v19 =	vperm.xlane v0, v20;
	[tilespmem:s3+$0x110] =	vst v18  }
0x280: {  	v18 =	vperm.xlane v1, v20;
	[tilespmem:s3+$0x190] =	vst v16  }
0x281: {  	v16 =	vld [tilespmem:s9+$0xFFFFFFF0];
	v21 =	vperm.xlane v2, v20;
	[tilespmem:s3+$0xFFFFFE20] =	vst v19  }
0x282: {  	v19 =	vperm.xlane v3, v20;
	[tilespmem:s3+$0xFFFFFEA0] =	vst v18  }
0x283: {  	v18 =	vperm.xlane v4, v20;
	[tilespmem:s3+$0xFFFFFF20] =	vst v21  }
0x284: {  	v21 =	vperm.xlane v5, v20;
	[tilespmem:s3+$0xFFFFFFA0] =	vst v19  }
0x285: {  	v19 =	vperm.xlane v6, v20;
	[tilespmem:s3+$0x20] =	vst v18  }
0x286: {  	v18 =	vperm.xlane v7, v20;
	[tilespmem:s3+$0xA0] =	vst v21;
	v16 =	vand.u32 $0xF, v16  }
0x287: {  	v20 =	vperm.xlane v0, v16;
	[tilespmem:s3+$0x120] =	vst v19  }
0x288: {  	v19 =	vperm.xlane v1, v16;
	[tilespmem:s3+$0x1A0] =	vst v18  }
0x289: {  	v18 =	vld [tilespmem:s9+$0x0];
	v21 =	vperm.xlane v2, v16;
	[tilespmem:s3+$0xFFFFFE30] =	vst v20  }
0x28a: {  	v20 =	vperm.xlane v3, v16;
	[tilespmem:s3+$0xFFFFFEB0] =	vst v19  }
0x28b: {  	v19 =	vperm.xlane v4, v16;
	[tilespmem:s3+$0xFFFFFF30] =	vst v21  }
0x28c: {  	v21 =	vperm.xlane v5, v16;
	[tilespmem:s3+$0xFFFFFFB0] =	vst v20  }
0x28d: {  	v20 =	vperm.xlane v6, v16;
	[tilespmem:s3+$0x30] =	vst v19  }
0x28e: {  	v16 =	vperm.xlane v7, v16;
	[tilespmem:s3+$0xB0] =	vst v21;
	v18 =	vand.u32 $0xF, v18  }
0x28f: {  	v19 =	vperm.xlane v0, v18;
	[tilespmem:s3+$0x130] =	vst v20  }
0x290: {  	v20 =	vperm.xlane v1, v18;
	[tilespmem:s3+$0x1B0] =	vst v16  }
0x291: {  	v16 =	vld [tilespmem:s9+$0x10];
	v21 =	vperm.xlane v2, v18;
	[tilespmem:s3+$0xFFFFFE40] =	vst v19  }
0x292: {  	v19 =	vperm.xlane v3, v18;
	[tilespmem:s3+$0xFFFFFEC0] =	vst v20  }
0x293: {  	v20 =	vperm.xlane v4, v18;
	[tilespmem:s3+$0xFFFFFF40] =	vst v21  }
0x294: {  	v21 =	vperm.xlane v5, v18;
	[tilespmem:s3+$0xFFFFFFC0] =	vst v19  }
0x295: {  	v19 =	vperm.xlane v6, v18;
	[tilespmem:s3+$0x40] =	vst v20  }
0x296: {  	v18 =	vperm.xlane v7, v18;
	[tilespmem:s3+$0xC0] =	vst v21;
	v16 =	vand.u32 $0xF, v16  }
0x297: {  	v20 =	vperm.xlane v0, v16;
	[tilespmem:s3+$0x140] =	vst v19  }
0x298: {  	v19 =	vperm.xlane v1, v16;
	[tilespmem:s3+$0x1C0] =	vst v18  }
0x299: {  	v18 =	vld [tilespmem:s9+$0x20];
	v21 =	vperm.xlane v2, v16;
	[tilespmem:s3+$0xFFFFFE50] =	vst v20  }
0x29a: {  	v20 =	vperm.xlane v3, v16;
	[tilespmem:s3+$0xFFFFFED0] =	vst v19  }
0x29b: {  	v19 =	vperm.xlane v4, v16;
	[tilespmem:s3+$0xFFFFFF50] =	vst v21  }
0x29c: {  	v21 =	vperm.xlane v5, v16;
	[tilespmem:s3+$0xFFFFFFD0] =	vst v20  }
0x29d: {  	v20 =	vperm.xlane v6, v16;
	[tilespmem:s3+$0x50] =	vst v19  }
0x29e: {  	v16 =	vperm.xlane v7, v16;
	[tilespmem:s3+$0xD0] =	vst v21;
	v18 =	vand.u32 $0xF, v18  }
0x29f: {  	v19 =	vperm.xlane v0, v18;
	[tilespmem:s3+$0x150] =	vst v20  }
0x2a0: {  	v20 =	vperm.xlane v1, v18;
	[tilespmem:s3+$0x1D0] =	vst v16  }
0x2a1: {  	v21 =	vperm.xlane v2, v18;
	[tilespmem:s3+$0xFFFFFE60] =	vst v19  }
0x2a2: {  	v23 =	vperm.xlane v1, v17;
	v25 =	vperm.xlane v5, v18;
	[tilespmem:s3+$0xFFFFFEE0] =	vst v20  }
0x2a3: {  	v22 =	vperm.xlane v3, v17;
	v26 =	vperm.xlane v6, v18;
	[tilespmem:s3+$0xFFFFFF60] =	vst v21  }
0x2a4: {  	v16 =	vperm.xlane v0, v17;
	v19 =	vperm.xlane v3, v18;
	[tilespmem:s3+$0xE0] =	vst v25  }
0x2a5: {  	v24 =	vperm.xlane v7, v18;
	v20 =	vperm.xlane v4, v18;
	[tilespmem:s3+$0x160] =	vst v26  }
0x2a6: {  	v21 =	vperm.xlane v2, v17;
	v18 =	vperm.xlane v6, v17;
	[tilespmem:s3+$0xFFFFFFE0] =	vst v19  }
0x2a7: {  	s8 =	simm.s32 $0x1C0;
	s5 =	simm.s32 $0x0;
	[tilespmem:s3+$0x60] =	vst v20;
	v20 =	vperm.xlane v4, v17;
	v19 =	vperm.xlane v5, v17  }
.LBB2_11:
0x2a8: {  	v17 =	vld [tilespmem:s8+$0x30];
	s5 =	sadd.s32 $0x8, s5;
	[tilespmem:s3+$0x1E0] =	vst v24  }
0x2a9: {  	v24 =	vld [tilespmem:s8+$0xFFFFFFD0];
	p0 =	slt.u32 s5, $0xF8;
	[tilespmem:s3+$0xFFFFFE70] =	vst v16  }
0x2aa: {  	v25 =	vld [tilespmem:s8+$0xFFFFFFE0];
	[tilespmem:s3+$0xFFFFFEF0] =	vst v23  }
0x2ab: {  	v23 =	vld [tilespmem:s8+$0xFFFFFFF0];
	[tilespmem:s3+$0xFFFFFF70] =	vst v21  }
0x2ac: {  	v21 =	vld [tilespmem:s8+$0x0];
	[tilespmem:s3+$0xFFFFFFF0] =	vst v22  }
0x2ad: {  	v22 =	vld [tilespmem:s8+$0x10];
	v17 =	vand.u32 $0xF, v17;
	[tilespmem:s3+$0x70] =	vst v20  }
0x2ae: {  	v20 =	vand.u32 $0xF, v24;
	v24 =	vld [tilespmem:s8+$0x20];
	v16 =	vperm.xlane v0, v17;
	v26 =	vperm.xlane v7, v17;
	[tilespmem:s3+$0xF0] =	vst v19  }
0x2af: {  	v19 =	vld [tilespmem:s8+$0xFFFFFFC0];
	v27 =	vperm.xlane v0, v20;
	v28 =	vperm.xlane v1, v20;
	v25 =	vand.u32 $0xF, v25;
	[tilespmem:s3+$0x170] =	vst v18;
	s3 =	sadd.s32 $0x400, s3  }
0x2b0: {  	v18 =	vperm.xlane v2, v20;
	v29 =	vperm.xlane v3, v20;
	v23 =	vand.u32 $0xF, v23;
	[tilespmem:s3+$0x1F0] =	vst v26  }
0x2b1: {  	v26 =	vperm.xlane v4, v20;
	[tilespmem:s3+$0xFFFFFE10] =	vst v27;
	v27 =	vperm.xlane v5, v20;
	v21 =	vand.u32 $0xF, v21  }
0x2b2: {  	[tilespmem:s3+$0xFFFFFE90] =	vst v28;
	v28 =	vperm.xlane v6, v20;
	v20 =	vperm.xlane v7, v20;
	v22 =	vand.u32 $0xF, v22  }
0x2b3: {  	v30 =	vperm.xlane v1, v25;
	[tilespmem:s3+$0xFFFFFF10] =	vst v18;
	v18 =	vperm.xlane v0, v25;
	v24 =	vand.u32 $0xF, v24  }
0x2b4: {  	v31 =	vperm.xlane v3, v25;
	v19 =	vand.u32 $0xF, v19;
	[tilespmem:s3+$0xFFFFFF90] =	vst v29;
	v29 =	vperm.xlane v2, v25  }
0x2b5: {  	v32 =	vperm.xlane v0, v19;
	v33 =	vperm.xlane v1, v19;
	[tilespmem:s3+$0x10] =	vst v26  }
0x2b6: {  	v26 =	vperm.xlane v2, v19;
	v34 =	vperm.xlane v3, v19;
	[tilespmem:s3+$0x90] =	vst v27  }
0x2b7: {  	v27 =	vperm.xlane v4, v19;
	[tilespmem:s3+$0xFFFFFE00] =	vst v32;
	v32 =	vperm.xlane v5, v19  }
0x2b8: {  	[tilespmem:s3+$0xFFFFFE80] =	vst v33;
	v33 =	vperm.xlane v6, v19;
	v19 =	vperm.xlane v7, v19  }
0x2b9: {  	v35 =	vperm.xlane v5, v25;
	[tilespmem:s3+$0xFFFFFF00] =	vst v26;
	v26 =	vperm.xlane v4, v25  }
0x2ba: {  	[tilespmem:s3+$0xFFFFFF80] =	vst v34;
	v34 =	vperm.xlane v6, v25;
	v25 =	vperm.xlane v7, v25  }
0x2bb: {  	v36 =	vperm.xlane v1, v23;
	[tilespmem:s3+$0x0] =	vst v27;
	v27 =	vperm.xlane v0, v23  }
0x2bc: {  	v37 =	vperm.xlane v3, v23;
	[tilespmem:s3+$0x80] =	vst v32;
	v32 =	vperm.xlane v2, v23  }
0x2bd: {  	v38 =	vperm.xlane v5, v23;
	[tilespmem:s3+$0x100] =	vst v33;
	v33 =	vperm.xlane v4, v23  }
0x2be: {  	v39 =	vperm.xlane v6, v23;
	v40 =	vperm.xlane v7, v23;
	[tilespmem:s3+$0x180] =	vst v19  }
0x2bf: {  	v41 =	vperm.xlane v1, v21;
	[tilespmem:s3+$0x110] =	vst v28;
	v28 =	vperm.xlane v0, v21  }
0x2c0: {  	v42 =	vperm.xlane v2, v21;
	v43 =	vperm.xlane v3, v21;
	[tilespmem:s3+$0x190] =	vst v20  }
0x2c1: {  	v44 =	vperm.xlane v4, v21;
	v45 =	vperm.xlane v5, v21;
	[tilespmem:s3+$0xFFFFFE20] =	vst v18  }
0x2c2: {  	v46 =	vperm.xlane v7, v21;
	[tilespmem:s3+$0xFFFFFEA0] =	vst v30;
	v30 =	vperm.xlane v6, v21  }
0x2c3: {  	v47 =	vperm.xlane v1, v22;
	[tilespmem:s3+$0xFFFFFF20] =	vst v29;
	v29 =	vperm.xlane v0, v22  }
0x2c4: {  	v48 =	vperm.xlane v3, v22;
	[tilespmem:s3+$0xFFFFFFA0] =	vst v31;
	v31 =	vperm.xlane v2, v22  }
0x2c5: {  	v49 =	vperm.xlane v5, v22;
	[tilespmem:s3+$0x20] =	vst v26;
	v26 =	vperm.xlane v4, v22  }
0x2c6: {  	v50 =	vperm.xlane v7, v22;
	[tilespmem:s3+$0xA0] =	vst v35;
	v35 =	vperm.xlane v6, v22  }
0x2c7: {  	v51 =	vperm.xlane v1, v24;
	[tilespmem:s3+$0x120] =	vst v34;
	v34 =	vperm.xlane v0, v24  }
0x2c8: {  	v52 =	vperm.xlane v3, v24;
	[tilespmem:s3+$0x1A0] =	vst v25;
	v25 =	vperm.xlane v2, v24  }
0x2c9: {  	v53 =	vperm.xlane v5, v24;
	[tilespmem:s3+$0xFFFFFE30] =	vst v27;
	v27 =	vperm.xlane v4, v24  }
0x2ca: {  	[tilespmem:s3+$0xFFFFFEB0] =	vst v36;
	v36 =	vperm.xlane v6, v24;
	v24 =	vperm.xlane v7, v24  }
0x2cb: {  	v23 =	vperm.xlane v1, v17;
	v21 =	vperm.xlane v2, v17;
	[tilespmem:s3+$0xFFFFFF30] =	vst v32  }
0x2cc: {  	v20 =	vperm.xlane v4, v17;
	v22 =	vperm.xlane v3, v17;
	[tilespmem:s3+$0xFFFFFFB0] =	vst v37  }
0x2cd: {  	v19 =	vperm.xlane v5, v17;
	v18 =	vperm.xlane v6, v17;
	[tilespmem:s3+$0x30] =	vst v33  }
0x2ce: {  	[tilespmem:s3+$0xB0] =	vst v38  }
0x2cf: {  	[tilespmem:s3+$0x130] =	vst v39  }
0x2d0: {  	[tilespmem:s3+$0x1B0] =	vst v40  }
0x2d1: {  	[tilespmem:s3+$0xFFFFFE40] =	vst v28  }
0x2d2: {  	[tilespmem:s3+$0xFFFFFEC0] =	vst v41  }
0x2d3: {  	[tilespmem:s3+$0xFFFFFF40] =	vst v42  }
0x2d4: {  	[tilespmem:s3+$0xFFFFFFC0] =	vst v43  }
0x2d5: {  	[tilespmem:s3+$0x40] =	vst v44  }
0x2d6: {  	[tilespmem:s3+$0xC0] =	vst v45  }
0x2d7: {  	[tilespmem:s3+$0x140] =	vst v30  }
0x2d8: {  	[tilespmem:s3+$0x1C0] =	vst v46  }
0x2d9: {  	[tilespmem:s3+$0xFFFFFE50] =	vst v29  }
0x2da: {  	[tilespmem:s3+$0xFFFFFED0] =	vst v47  }
0x2db: {  	[tilespmem:s3+$0xFFFFFF50] =	vst v31  }
0x2dc: {  	[tilespmem:s3+$0xFFFFFFD0] =	vst v48  }
0x2dd: {  	[tilespmem:s3+$0x50] =	vst v26  }
0x2de: {  	[tilespmem:s3+$0xD0] =	vst v49  }
0x2df: {  	[tilespmem:s3+$0x150] =	vst v35  }
0x2e0: {  	[tilespmem:s3+$0x1D0] =	vst v50  }
0x2e1: {  	[tilespmem:s3+$0xFFFFFE60] =	vst v34  }
0x2e2: {  	[tilespmem:s3+$0xFFFFFEE0] =	vst v51  }
.Ltmp4:
0x2e3: {  	[tilespmem:s3+$0xFFFFFF60] =	vst v25;
	(pc) =	sbr.rel @p0 .LBB2_11-.Ltmp4, $4  }
0x2e4: {  	[tilespmem:s3+$0xFFFFFFE0] =	vst v52  }
0x2e5: {  	[tilespmem:s3+$0x60] =	vst v27  }
0x2e6: {  	[tilespmem:s3+$0xE0] =	vst v53  }
0x2e7: {  	s8 =	sadd.s32 $0x80, s8;
	[tilespmem:s3+$0x160] =	vst v36  }
0x2e8: {  	[tilespmem:s3+$0x1E0] =	vst v24  }
0x2e9: {  	[tilespmem:s3+$0xFFFFFE70] =	vst v16  }
0x2ea: {  	[tilespmem:s3+$0xFFFFFEF0] =	vst v23  }
0x2eb: {  	[tilespmem:s3+$0xFFFFFF70] =	vst v21  }
0x2ec: {  	[tilespmem:s3+$0xFFFFFFF0] =	vst v22  }
0x2ed: {  	[tilespmem:s3+$0x70] =	vst v20;
	s0 =	sadd.s32 s15, s0  }
0x2ee: {  	[tilespmem:s3+$0xF0] =	vst v19;
	s0 =	sshrl.u32 s0, $0x3  }
0x2ef: {  	[tilespmem:s3+$0x170] =	vst v18;
	s9 =	sadd.s32 s2, s0  }
0x2f0: {  	[hbm4b:s9+s4] =	stream.linear.scatter [tilespmem:s23], [sflag:$0x3], $0x8000, $0x38;
	[tilespmem:$0x12100] =	vst v63  }
0x2f1: {  	_ =	swait.ge [sflag:s28], $0x8000  }
0x2f2: {  	[sflag:s28] =	ssyncset.done $0x0  }
0x2f3: {  	s5 =	simm.s32 $0x140;
	[sflag:s28] =	ssyncadd.s32 $0xFFFF8000  }
0x2f4: {  	v16 =	vld [tilespmem:s5+$0x30]  }
0x2f5: {  	v18 =	vld [tilespmem:s5+$0xFFFFFFD0];
	_ =	sdelay $0x1  }
0x2f6: {  	v19 =	vld [tilespmem:s5+$0xFFFFFFC0];
	_ =	sdelay $0x1  }
0x2f7: {  	v17 =	vand.u32 $0xF, v16  }
0x2f8: {  	v16 =	vand.u32 $0xF, v18;
	v18 =	vperm.xlane v15, v17  }
0x2f9: {  	s3 =	simm.s32 $0xA300;
	v20 =	vperm.xlane v8, v16  }
0x2fa: {  	v19 =	vand.u32 $0xF, v19;
	v21 =	vperm.xlane v9, v16;
	[tilespmem:s3+$0x1F0] =	vst v18  }
0x2fb: {  	v22 =	vperm.xlane v12, v19;
	[tilespmem:s3+$0xFFFFFE10] =	vst v20  }
0x2fc: {  	v18 =	vperm.xlane v10, v16;
	[tilespmem:s3+$0xFFFFFE90] =	vst v21  }
0x2fd: {  	v20 =	vperm.xlane v11, v16;
	[tilespmem:s3+$0x0] =	vst v22  }
0x2fe: {  	v21 =	vperm.xlane v12, v16;
	[tilespmem:s3+$0xFFFFFF10] =	vst v18  }
0x2ff: {  	v18 =	vperm.xlane v13, v16;
	[tilespmem:s3+$0xFFFFFF90] =	vst v20  }
0x300: {  	v20 =	vperm.xlane v8, v19;
	[tilespmem:s3+$0x10] =	vst v21  }
0x301: {  	v21 =	vperm.xlane v9, v19;
	[tilespmem:s3+$0x90] =	vst v18  }
0x302: {  	v18 =	vperm.xlane v10, v19;
	[tilespmem:s3+$0xFFFFFE00] =	vst v20  }
0x303: {  	v20 =	vperm.xlane v11, v19;
	[tilespmem:s3+$0xFFFFFE80] =	vst v21;
	v21 =	vld [tilespmem:s5+$0xFFFFFFE0]  }
0x304: {  	[tilespmem:s3+$0xFFFFFF00] =	vst v18;
	v18 =	vperm.xlane v13, v19  }
0x305: {  	[tilespmem:s3+$0xFFFFFF80] =	vst v20;
	v20 =	vperm.xlane v14, v19  }
0x306: {  	v19 =	vperm.xlane v15, v19;
	[tilespmem:s3+$0x80] =	vst v18  }
0x307: {  	v18 =	vperm.xlane v14, v16;
	[tilespmem:s3+$0x100] =	vst v20  }
0x308: {  	v16 =	vperm.xlane v15, v16;
	[tilespmem:s3+$0x180] =	vst v19;
	v20 =	vand.u32 $0xF, v21  }
0x309: {  	v19 =	vperm.xlane v8, v20;
	[tilespmem:s3+$0x110] =	vst v18  }
0x30a: {  	v18 =	vperm.xlane v9, v20;
	[tilespmem:s3+$0x190] =	vst v16  }
0x30b: {  	v16 =	vld [tilespmem:s5+$0xFFFFFFF0];
	v21 =	vperm.xlane v10, v20;
	[tilespmem:s3+$0xFFFFFE20] =	vst v19  }
0x30c: {  	v19 =	vperm.xlane v11, v20;
	[tilespmem:s3+$0xFFFFFEA0] =	vst v18  }
0x30d: {  	v18 =	vperm.xlane v12, v20;
	[tilespmem:s3+$0xFFFFFF20] =	vst v21  }
0x30e: {  	v21 =	vperm.xlane v13, v20;
	[tilespmem:s3+$0xFFFFFFA0] =	vst v19  }
0x30f: {  	v19 =	vperm.xlane v14, v20;
	[tilespmem:s3+$0x20] =	vst v18  }
0x310: {  	v18 =	vperm.xlane v15, v20;
	[tilespmem:s3+$0xA0] =	vst v21;
	v16 =	vand.u32 $0xF, v16  }
0x311: {  	v20 =	vperm.xlane v8, v16;
	[tilespmem:s3+$0x120] =	vst v19  }
0x312: {  	v19 =	vperm.xlane v9, v16;
	[tilespmem:s3+$0x1A0] =	vst v18  }
0x313: {  	v18 =	vld [tilespmem:s5+$0x0];
	v21 =	vperm.xlane v10, v16;
	[tilespmem:s3+$0xFFFFFE30] =	vst v20  }
0x314: {  	v20 =	vperm.xlane v11, v16;
	[tilespmem:s3+$0xFFFFFEB0] =	vst v19  }
0x315: {  	v19 =	vperm.xlane v12, v16;
	[tilespmem:s3+$0xFFFFFF30] =	vst v21  }
0x316: {  	v21 =	vperm.xlane v13, v16;
	[tilespmem:s3+$0xFFFFFFB0] =	vst v20  }
0x317: {  	v20 =	vperm.xlane v14, v16;
	[tilespmem:s3+$0x30] =	vst v19  }
0x318: {  	v16 =	vperm.xlane v15, v16;
	[tilespmem:s3+$0xB0] =	vst v21;
	v18 =	vand.u32 $0xF, v18  }
0x319: {  	v19 =	vperm.xlane v8, v18;
	[tilespmem:s3+$0x130] =	vst v20  }
0x31a: {  	v20 =	vperm.xlane v9, v18;
	[tilespmem:s3+$0x1B0] =	vst v16  }
0x31b: {  	v16 =	vld [tilespmem:s5+$0x10];
	v21 =	vperm.xlane v10, v18;
	[tilespmem:s3+$0xFFFFFE40] =	vst v19  }
0x31c: {  	v19 =	vperm.xlane v11, v18;
	[tilespmem:s3+$0xFFFFFEC0] =	vst v20  }
0x31d: {  	v20 =	vperm.xlane v12, v18;
	[tilespmem:s3+$0xFFFFFF40] =	vst v21  }
0x31e: {  	v21 =	vperm.xlane v13, v18;
	[tilespmem:s3+$0xFFFFFFC0] =	vst v19  }
0x31f: {  	v19 =	vperm.xlane v14, v18;
	[tilespmem:s3+$0x40] =	vst v20  }
0x320: {  	v18 =	vperm.xlane v15, v18;
	[tilespmem:s3+$0xC0] =	vst v21;
	v16 =	vand.u32 $0xF, v16  }
0x321: {  	v20 =	vperm.xlane v8, v16;
	[tilespmem:s3+$0x140] =	vst v19  }
0x322: {  	v19 =	vperm.xlane v9, v16;
	[tilespmem:s3+$0x1C0] =	vst v18  }
0x323: {  	v18 =	vld [tilespmem:s5+$0x20];
	v21 =	vperm.xlane v10, v16;
	[tilespmem:s3+$0xFFFFFE50] =	vst v20  }
0x324: {  	v20 =	vperm.xlane v11, v16;
	[tilespmem:s3+$0xFFFFFED0] =	vst v19  }
0x325: {  	v19 =	vperm.xlane v12, v16;
	[tilespmem:s3+$0xFFFFFF50] =	vst v21  }
0x326: {  	v21 =	vperm.xlane v13, v16;
	[tilespmem:s3+$0xFFFFFFD0] =	vst v20  }
0x327: {  	v20 =	vperm.xlane v14, v16;
	[tilespmem:s3+$0x50] =	vst v19  }
0x328: {  	v16 =	vperm.xlane v15, v16;
	[tilespmem:s3+$0xD0] =	vst v21;
	v18 =	vand.u32 $0xF, v18  }
0x329: {  	v19 =	vperm.xlane v8, v18;
	[tilespmem:s3+$0x150] =	vst v20  }
0x32a: {  	v20 =	vperm.xlane v9, v18;
	[tilespmem:s3+$0x1D0] =	vst v16  }
0x32b: {  	v21 =	vperm.xlane v10, v18;
	[tilespmem:s3+$0xFFFFFE60] =	vst v19  }
0x32c: {  	v23 =	vperm.xlane v9, v17;
	v25 =	vperm.xlane v13, v18;
	[tilespmem:s3+$0xFFFFFEE0] =	vst v20  }
0x32d: {  	v22 =	vperm.xlane v11, v17;
	v26 =	vperm.xlane v14, v18;
	[tilespmem:s3+$0xFFFFFF60] =	vst v21  }
0x32e: {  	v16 =	vperm.xlane v8, v17;
	v19 =	vperm.xlane v11, v18;
	[tilespmem:s3+$0xE0] =	vst v25  }
0x32f: {  	v24 =	vperm.xlane v15, v18;
	v20 =	vperm.xlane v12, v18;
	[tilespmem:s3+$0x160] =	vst v26  }
0x330: {  	v21 =	vperm.xlane v10, v17;
	v18 =	vperm.xlane v14, v17;
	[tilespmem:s3+$0xFFFFFFE0] =	vst v19  }
0x331: {  	s8 =	simm.s32 $0x1C0;
	s5 =	simm.s32 $0x0;
	[tilespmem:s3+$0x60] =	vst v20;
	v20 =	vperm.xlane v12, v17;
	v19 =	vperm.xlane v13, v17  }
.LBB2_13:
0x332: {  	v17 =	vld [tilespmem:s8+$0x30];
	s5 =	sadd.s32 $0x8, s5;
	[tilespmem:s3+$0x1E0] =	vst v24  }
0x333: {  	v24 =	vld [tilespmem:s8+$0xFFFFFFD0];
	p0 =	slt.u32 s5, $0xF8;
	[tilespmem:s3+$0xFFFFFE70] =	vst v16  }
0x334: {  	v25 =	vld [tilespmem:s8+$0xFFFFFFE0];
	[tilespmem:s3+$0xFFFFFEF0] =	vst v23  }
0x335: {  	v23 =	vld [tilespmem:s8+$0xFFFFFFF0];
	[tilespmem:s3+$0xFFFFFF70] =	vst v21  }
0x336: {  	v21 =	vld [tilespmem:s8+$0x0];
	[tilespmem:s3+$0xFFFFFFF0] =	vst v22  }
0x337: {  	v22 =	vld [tilespmem:s8+$0x10];
	v17 =	vand.u32 $0xF, v17;
	[tilespmem:s3+$0x70] =	vst v20  }
0x338: {  	v20 =	vand.u32 $0xF, v24;
	v24 =	vld [tilespmem:s8+$0x20];
	v16 =	vperm.xlane v8, v17;
	v26 =	vperm.xlane v15, v17;
	[tilespmem:s3+$0xF0] =	vst v19  }
0x339: {  	v19 =	vld [tilespmem:s8+$0xFFFFFFC0];
	v27 =	vperm.xlane v8, v20;
	v28 =	vperm.xlane v9, v20;
	v25 =	vand.u32 $0xF, v25;
	[tilespmem:s3+$0x170] =	vst v18;
	s3 =	sadd.s32 $0x400, s3  }
0x33a: {  	v18 =	vperm.xlane v10, v20;
	v29 =	vperm.xlane v11, v20;
	v23 =	vand.u32 $0xF, v23;
	[tilespmem:s3+$0x1F0] =	vst v26  }
0x33b: {  	v26 =	vperm.xlane v12, v20;
	[tilespmem:s3+$0xFFFFFE10] =	vst v27;
	v27 =	vperm.xlane v13, v20;
	v21 =	vand.u32 $0xF, v21  }
0x33c: {  	[tilespmem:s3+$0xFFFFFE90] =	vst v28;
	v28 =	vperm.xlane v14, v20;
	v20 =	vperm.xlane v15, v20;
	v22 =	vand.u32 $0xF, v22  }
0x33d: {  	v30 =	vperm.xlane v9, v25;
	[tilespmem:s3+$0xFFFFFF10] =	vst v18;
	v18 =	vperm.xlane v8, v25;
	v24 =	vand.u32 $0xF, v24  }
0x33e: {  	v31 =	vperm.xlane v11, v25;
	v19 =	vand.u32 $0xF, v19;
	[tilespmem:s3+$0xFFFFFF90] =	vst v29;
	v29 =	vperm.xlane v10, v25  }
0x33f: {  	v32 =	vperm.xlane v8, v19;
	v33 =	vperm.xlane v9, v19;
	[tilespmem:s3+$0x10] =	vst v26  }
0x340: {  	v26 =	vperm.xlane v10, v19;
	v34 =	vperm.xlane v11, v19;
	[tilespmem:s3+$0x90] =	vst v27  }
0x341: {  	v27 =	vperm.xlane v12, v19;
	[tilespmem:s3+$0xFFFFFE00] =	vst v32;
	v32 =	vperm.xlane v13, v19  }
0x342: {  	[tilespmem:s3+$0xFFFFFE80] =	vst v33;
	v33 =	vperm.xlane v14, v19;
	v19 =	vperm.xlane v15, v19  }
0x343: {  	v35 =	vperm.xlane v13, v25;
	[tilespmem:s3+$0xFFFFFF00] =	vst v26;
	v26 =	vperm.xlane v12, v25  }
0x344: {  	[tilespmem:s3+$0xFFFFFF80] =	vst v34;
	v34 =	vperm.xlane v14, v25;
	v25 =	vperm.xlane v15, v25  }
0x345: {  	v36 =	vperm.xlane v9, v23;
	[tilespmem:s3+$0x0] =	vst v27;
	v27 =	vperm.xlane v8, v23  }
0x346: {  	v37 =	vperm.xlane v11, v23;
	[tilespmem:s3+$0x80] =	vst v32;
	v32 =	vperm.xlane v10, v23  }
0x347: {  	v38 =	vperm.xlane v13, v23;
	[tilespmem:s3+$0x100] =	vst v33;
	v33 =	vperm.xlane v12, v23  }
0x348: {  	v39 =	vperm.xlane v14, v23;
	v40 =	vperm.xlane v15, v23;
	[tilespmem:s3+$0x180] =	vst v19  }
0x349: {  	v41 =	vperm.xlane v9, v21;
	[tilespmem:s3+$0x110] =	vst v28;
	v28 =	vperm.xlane v8, v21  }
0x34a: {  	v42 =	vperm.xlane v10, v21;
	v43 =	vperm.xlane v11, v21;
	[tilespmem:s3+$0x190] =	vst v20  }
0x34b: {  	v44 =	vperm.xlane v12, v21;
	v45 =	vperm.xlane v13, v21;
	[tilespmem:s3+$0xFFFFFE20] =	vst v18  }
0x34c: {  	v46 =	vperm.xlane v15, v21;
	[tilespmem:s3+$0xFFFFFEA0] =	vst v30;
	v30 =	vperm.xlane v14, v21  }
0x34d: {  	v47 =	vperm.xlane v9, v22;
	[tilespmem:s3+$0xFFFFFF20] =	vst v29;
	v29 =	vperm.xlane v8, v22  }
0x34e: {  	v48 =	vperm.xlane v11, v22;
	[tilespmem:s3+$0xFFFFFFA0] =	vst v31;
	v31 =	vperm.xlane v10, v22  }
0x34f: {  	v49 =	vperm.xlane v13, v22;
	[tilespmem:s3+$0x20] =	vst v26;
	v26 =	vperm.xlane v12, v22  }
0x350: {  	v50 =	vperm.xlane v15, v22;
	[tilespmem:s3+$0xA0] =	vst v35;
	v35 =	vperm.xlane v14, v22  }
0x351: {  	v51 =	vperm.xlane v9, v24;
	[tilespmem:s3+$0x120] =	vst v34;
	v34 =	vperm.xlane v8, v24  }
0x352: {  	v52 =	vperm.xlane v11, v24;
	[tilespmem:s3+$0x1A0] =	vst v25;
	v25 =	vperm.xlane v10, v24  }
0x353: {  	v53 =	vperm.xlane v13, v24;
	[tilespmem:s3+$0xFFFFFE30] =	vst v27;
	v27 =	vperm.xlane v12, v24  }
0x354: {  	[tilespmem:s3+$0xFFFFFEB0] =	vst v36;
	v36 =	vperm.xlane v14, v24;
	v24 =	vperm.xlane v15, v24  }
0x355: {  	v23 =	vperm.xlane v9, v17;
	v21 =	vperm.xlane v10, v17;
	[tilespmem:s3+$0xFFFFFF30] =	vst v32  }
0x356: {  	v20 =	vperm.xlane v12, v17;
	v22 =	vperm.xlane v11, v17;
	[tilespmem:s3+$0xFFFFFFB0] =	vst v37  }
0x357: {  	v19 =	vperm.xlane v13, v17;
	v18 =	vperm.xlane v14, v17;
	[tilespmem:s3+$0x30] =	vst v33  }
0x358: {  	[tilespmem:s3+$0xB0] =	vst v38  }
0x359: {  	[tilespmem:s3+$0x130] =	vst v39  }
0x35a: {  	[tilespmem:s3+$0x1B0] =	vst v40  }
0x35b: {  	[tilespmem:s3+$0xFFFFFE40] =	vst v28  }
0x35c: {  	[tilespmem:s3+$0xFFFFFEC0] =	vst v41  }
0x35d: {  	[tilespmem:s3+$0xFFFFFF40] =	vst v42  }
0x35e: {  	[tilespmem:s3+$0xFFFFFFC0] =	vst v43  }
0x35f: {  	[tilespmem:s3+$0x40] =	vst v44  }
0x360: {  	[tilespmem:s3+$0xC0] =	vst v45  }
0x361: {  	[tilespmem:s3+$0x140] =	vst v30  }
0x362: {  	[tilespmem:s3+$0x1C0] =	vst v46  }
0x363: {  	[tilespmem:s3+$0xFFFFFE50] =	vst v29  }
0x364: {  	[tilespmem:s3+$0xFFFFFED0] =	vst v47  }
0x365: {  	[tilespmem:s3+$0xFFFFFF50] =	vst v31  }
0x366: {  	[tilespmem:s3+$0xFFFFFFD0] =	vst v48  }
0x367: {  	[tilespmem:s3+$0x50] =	vst v26  }
0x368: {  	[tilespmem:s3+$0xD0] =	vst v49  }
0x369: {  	[tilespmem:s3+$0x150] =	vst v35  }
0x36a: {  	[tilespmem:s3+$0x1D0] =	vst v50  }
0x36b: {  	[tilespmem:s3+$0xFFFFFE60] =	vst v34  }
0x36c: {  	[tilespmem:s3+$0xFFFFFEE0] =	vst v51  }
.Ltmp5:
0x36d: {  	[tilespmem:s3+$0xFFFFFF60] =	vst v25;
	(pc) =	sbr.rel @p0 .LBB2_13-.Ltmp5, $4  }
0x36e: {  	[tilespmem:s3+$0xFFFFFFE0] =	vst v52  }
0x36f: {  	[tilespmem:s3+$0x60] =	vst v27  }
0x370: {  	[tilespmem:s3+$0xE0] =	vst v53  }
0x371: {  	s8 =	sadd.s32 $0x80, s8;
	[tilespmem:s3+$0x160] =	vst v36  }
0x372: {  	[tilespmem:s3+$0x1E0] =	vst v24  }
0x373: {  	[tilespmem:s3+$0xFFFFFE70] =	vst v16  }
0x374: {  	[tilespmem:s3+$0xFFFFFEF0] =	vst v23  }
0x375: {  	[tilespmem:s3+$0xFFFFFF70] =	vst v21;
	s5 =	sadd.s32 $0x4, s31  }
0x376: {  	[tilespmem:s3+$0xFFFFFFF0] =	vst v22;
	s8 =	smulhi.u32 $0x51EB851F, s5  }
0x377: {  	[tilespmem:s3+$0x70] =	vst v20  }
0x378: {  	[tilespmem:s3+$0xF0] =	vst v19;
	s8 =	sshrl.u32 s8, $0x3  }
0x379: {  	[tilespmem:s3+$0x170] =	vst v18;
	s0 =	sadd.s32 s0, s10;
	s8 =	smul.u32 $0x19, s8  }
0x37a: {  	[hbm4b:s0+s4] =	stream.linear.scatter [tilespmem:s24], [sflag:$0x4], $0x8000, $0x38;
	[tilespmem:$0x12100] =	vst v63  }
0x37b: {  	s9 =	ssub.s32 s5, s8  }
0x37c: {  	s0 =	sadd.s32 s6, s9  }
0x37d: {  	s30 =	sadd.s32 $0x1, s30;
	s31 =	sshll.u32 s0, $0xE;
	s0 =	sshll.u32 s0, $0x7  }
0x37e: {  	p0 =	sne.s32 s30, $0xC;
	s0 =	sor.u32 s31, s0  }
.Ltmp6:
0x37f: {  	s0 =	sand.u32 $0x7E0380, s0;
	(pc) =	sbr.rel @p0 .LBB2_6-.Ltmp6, $4  }
0x380: {  	s0 =	sor.u32 s7, s0  }
0x381: {  	s0 =	sshrl.u32 s0, $0x3  }
0x382: {  	s0 =	sadd.s32 s1, s0  }
0x383: {  	[tilespmem:s20], [sflag:$0x1] =	stream.strided.gather [hbm4b:s0+s18], $0x1000, s19, s18, $0x38;
	[tilespmem:$0x12100] =	vst v63  }
0x384: {  	_ =	swait.ge [sflag:s21], $0x1000  }
0x385: {  	[sflag:s21] =	ssyncset.done $0x0  }
0x386: {  	[sflag:s21] =	ssyncadd.s32 $0xFFFFF000  }
0x387: {  	_ =	swait.ge [sflag:s25], $0x1000  }
0x388: {  	[sflag:s25] =	ssyncset.done $0x0  }
0x389: {  	s29 =	sadd.s32 $0x1, s29;
	[sflag:s25] =	ssyncadd.s32 $0xFFFFF000  }
0x38a: {  	p0 =	sne.s32 s29, s16;
	_ =	swait.ge [sflag:s26], $0x8000  }
.Ltmp7:
0x38b: {  	[sflag:s26] =	ssyncset.done $0x0;
	(pc) =	sbr.rel @p0 .LBB2_1-.Ltmp7, $4  }
0x38c: {  	[sflag:s26] =	ssyncadd.s32 $0xFFFF8000  }
0x38d: {  	_ =	swait.ge [sflag:s28], $0x8000  }
0x38e: {  	[sflag:s28] =	ssyncset.done $0x0  }
0x38f: {  	[sflag:s28] =	ssyncadd.s32 $0xFFFF8000  }
0x390: {  	_ =	sfence.sel $0x180000  }
0x391: {  	[bflag:$0x0] =	sbarrier.arrive $0xFFFF  }
0x392: {  	_ =	strace $0x90000047  }
0x393: {  	s0 =	stileid.u32;
	[bflag:$0x2] =	sbarrier.arrive $0xFFFF  }
0x394: {  	p0 =	sne.s32 s0, $0x0;
	s0 =	rddreg [dreg:$0x3]  }
0x395: {  	s0 =	sadd.s32 @!p0 $0x100000, s0  }
0x396: {  	[sflag:s0] =	ssyncadd.tile.s32 @!p0 $0x1;
	_ =	shalt  }
.Lfunc_end2:
_tile_overlayer_lowered:
.L_overlay_start_2:
0x397: {  	(tag) =	ssettag $0x2  }
0x398: {  	s0 =	rddreg [dreg:$0x0];
	s2 =	stileid.u32  }
0x399: {  	s1 =	rddreg [dreg:$0x1];
	p0 =	sne.s32 s2, $0x0  }
0x39a: {  	s3 =	rddreg [dreg:$0x2];
	[bflag:$0x3] =	sbarrier.arrive $0xFFFF;
	s2 =	simm.s32 @!p0 $0x1C05  }
0x39b: {  	[timem:s3], [sflag:s2] =	dma.local @!p0 [hbm:s0], s1  }
0x39c: {  	s0 =	simm.s32 @!p0 $0x5  }
0x39d: {  	_ =	swait.ge @!p0 [sflag:s0], s1  }
0x39e: {  	s1 =	ssub.s32 @!p0 $0x0, s1;
	[sflag:s0] =	ssyncset.done @!p0 $0x0  }
0x39f: {  	[sflag:s0] =	ssyncadd.s32 @!p0 s1  }
0x3a0: {  	[bflag:$0x3] =	sbarrier.arrive $0xFFFF  }
0x3a1: {  	_ =	shalt  }

</sc_bundles>
